<compile_context>
chip_gen: v7x
topology: tpu7x:2x2x1
jax: 0.10.2.dev20260603
libtpu: 0.0.44.dev20260713+nightly
codegen_flags: <defaults>
</compile_context>

<pallas_src>
import functools
import jax
import jax.numpy as jnp
from jax import lax
from jax.experimental import pallas as pl
from jax.experimental.pallas import tpu as pltpu
from jax.experimental.pallas import tpu_sc as plsc

CH = 16
UN = 8


def _make_sc(batch, seq_len, d_model):
    n_workers = 32
    seq_per_w = seq_len // n_workers
    n_chunks = seq_per_w // CH
    assert batch == 4 and n_chunks % 2 == 0
    n_steps = n_chunks * batch
    n_groups = n_steps // 8
    rows = batch * seq_len
    tile = CH * d_model
    mesh = plsc.VectorSubcoreMesh(
        core_axis_name="c", subcore_axis_name="s", num_cores=2, num_subcores=16
    )

    @functools.partial(
        pl.kernel,
        out_type=jax.ShapeDtypeStruct((rows * d_model,), jnp.float32),
        mesh=mesh,
        scratch_types=[
            pltpu.VMEM((tile,), jnp.float32),
            pltpu.VMEM((tile,), jnp.float32),
            pltpu.VMEM((tile,), jnp.float32),
            pltpu.VMEM((tile,), jnp.float32),
            pltpu.VMEM((tile,), jnp.float32),
            pltpu.VMEM((tile,), jnp.float32),
            pltpu.SemaphoreType.DMA((2,)),
            pltpu.SemaphoreType.DMA((4,)),
            pltpu.SemaphoreType.DMA((4,)),
        ],
    )
    def k(x_hbm, pos_hbm, out_hbm, pb0, pb1, xb0, xb1, xb2, xb3,
          psem, lsem, ssem):
        PB = (pb0, pb1)
        XB = (xb0, xb1, xb2, xb3)
        wid = lax.axis_index("s") * 2 + lax.axis_index("c")
        seq0 = wid * seq_per_w

        def x_off(i):
            c = i // batch
            b = i % batch
            return (b * seq_len + seq0 + c * CH) * d_model

        def load_copy(i, s):
            return pltpu.make_async_copy(
                x_hbm.at[pl.ds(x_off(i), tile)], XB[s], lsem.at[s]
            )

        def pload_copy(c, s):
            return pltpu.make_async_copy(
                pos_hbm.at[pl.ds((seq0 + c * CH) * d_model, tile)],
                PB[s],
                psem.at[s],
            )

        def store_copy(i, s):
            return pltpu.make_async_copy(
                XB[s], out_hbm.at[pl.ds(x_off(i), tile)], ssem.at[s]
            )

        def add(pb, xb):
            @plsc.parallel_loop(0, tile // 16, unroll=UN)
            def _(f):
                sl = pl.ds(f * 16, 16)
                xb[sl] = xb[sl] + pb[sl]

        pload_copy(0, 0).start()
        load_copy(0, 0).start()
        load_copy(1, 1).start()

        def group_body(g, _):
            i0 = g * 8
            for kk in range(8):
                i = i0 + kk
                ps = kk // 4
                xs = kk % 4

                if kk == 0:
                    pload_copy(g * 2 + 1, 1).start()
                    pload_copy(g * 2, 0).wait()
                if kk == 4:
                    pload_copy(g * 2 + 1, 1).wait()

                    @pl.when(g + 1 < n_groups)
                    def _():
                        pload_copy(g * 2 + 2, 0).start()

                load_copy(i, xs).wait()
                add(PB[ps], XB[xs])
                store_copy(i, xs).start()

                t = i + 2
                ts = (kk + 2) % 4

                @pl.when(t < n_steps)
                def _():
                    @pl.when(i >= 2)
                    def _():
                        store_copy(i - 2, ts).wait()

                    load_copy(t, ts).start()
            return ()

        lax.fori_loop(0, n_groups, group_body, ())
        store_copy(n_steps - 4, (n_steps - 4) % 4).wait()
        store_copy(n_steps - 3, (n_steps - 3) % 4).wait()
        store_copy(n_steps - 2, (n_steps - 2) % 4).wait()
        store_copy(n_steps - 1, (n_steps - 1) % 4).wait()

    return k


def kernel(x, pos_table):
    batch, seq_len, d_model = x.shape
    x2 = x.reshape(batch * seq_len * d_model)
    pos1 = pos_table.reshape(seq_len * d_model)
    out = _make_sc(batch, seq_len, d_model)(x2, pos1)
    return out.reshape(batch, seq_len, d_model)

# --- scband reference (transcript-rebuilt; emitter-appended) ---
"""Pipeline reference for scband-learned-positional-encoding-34540126994738 (READ-ONLY COPY).

The authoritative reference and input builder live on the scoring server;
editing this copy changes nothing except your own understanding.
"""

import jax, jax.numpy as jnp
import numpy as np

D_MODEL = 1024
MAX_LEN = 8192

def setup_inputs(seed: int = 0) -> dict:
    key = jax.random.key(seed)
    k1, k2 = jax.random.split(key)
    x = jax.random.normal(k1, (4, 8192, D_MODEL), dtype=jnp.float32)
    pos_table = jax.random.normal(k2, (MAX_LEN, D_MODEL), dtype=jnp.float32) * 0.02
    return {"x": x, "pos_table": pos_table}

def reference(x, pos_table):
    batch_size, seq_len, d_model = x.shape
    positions = jnp.arange(seq_len, dtype=jnp.int32)
    position_embeddings = jnp.take(pos_table, positions, axis=0)  # [seq_len, d_model]
    out = x + position_embeddings[None, :, :]
    # dropout p=0.0 (eval) -> identity
    return out

if __name__ == "__main__":
    import jax
    _d = setup_inputs()
    print(jax.jit(kernel)(*tuple(_d.values())))

</pallas_src>

<mosaic_0001>
#map = affine_map<(d0, d1) -> (0)>
module attributes {stable_mosaic.version = 14 : i64} {
  func.func @k(%arg0: i32, %arg1: i32, %arg2: memref<33554432xf32, #tpu.memory_space<hbm>>, %arg3: memref<8388608xf32, #tpu.memory_space<hbm>>, %arg4: memref<33554432xf32, #tpu.memory_space<hbm>>, %arg5: memref<16384xf32, #tpu.memory_space<vmem>>, %arg6: memref<16384xf32, #tpu.memory_space<vmem>>, %arg7: memref<16384xf32, #tpu.memory_space<vmem>>, %arg8: memref<16384xf32, #tpu.memory_space<vmem>>, %arg9: memref<16384xf32, #tpu.memory_space<vmem>>, %arg10: memref<16384xf32, #tpu.memory_space<vmem>>, %arg11: memref<2x!tpu.dma_semaphore, #tpu.memory_space<semaphore_mem>>, %arg12: memref<4x!tpu.dma_semaphore, #tpu.memory_space<semaphore_mem>>, %arg13: memref<4x!tpu.dma_semaphore, #tpu.memory_space<semaphore_mem>>) attributes {dimension_semantics = [#tpu.dimension_semantics<core_parallel>, #tpu.dimension_semantics<subcore_parallel>], iteration_bounds = array<i64: 2, 16>, scalar_prefetch = 0 : i64, scratch_operands = 9 : i64, tpu.core_type = #tpu.core_type<sc_vector_subcore>, window_params = [{transform_indices = #map}, {transform_indices = #map}, {transform_indices = #map}]} {
    %mul3A = arith.constant 2 : i32
    %mul3A_0 = arith.muli %arg1, %mul3A : i32
    %add3A = arith.addi %mul3A_0, %arg0 : i32
    %mul3A_1 = arith.constant 256 : i32
    %mul3A_2 = arith.muli %add3A, %mul3A_1 : i32
    %add3A_3 = arith.constant 0 : i32
    %add3A_4 = arith.addi %mul3A_2, %add3A_3 : i32
    %mul3A_5 = arith.constant 1024 : i32
    %mul3A_6 = arith.muli %add3A_4, %mul3A_5 : i32
    %dma_start3A = arith.constant 0 : i32
    %dma_start3A_7 = tpu.memref_slice %arg3[%mul3A_6] : memref<8388608xf32, #tpu.memory_space<hbm>> -> memref<16384xf32, #tpu.memory_space<hbm>>
    %dma_start3A_8 = tpu.memref_slice %arg11[%dma_start3A] : memref<2x!tpu.dma_semaphore, #tpu.memory_space<semaphore_mem>> -> memref<1x!tpu.dma_semaphore, #tpu.memory_space<semaphore_mem>>
    %dma_start3A_9 = tpu.memref_squeeze %dma_start3A_8 : memref<1x!tpu.dma_semaphore, #tpu.memory_space<semaphore_mem>> -> memref<!tpu.dma_semaphore, #tpu.memory_space<semaphore_mem>>
    %dma_start3A_10 = tpu.memref_slice %arg3[%mul3A_6] : memref<8388608xf32, #tpu.memory_space<hbm>> -> memref<16384xf32, #tpu.memory_space<hbm>>
    tpu.enqueue_dma source(%dma_start3A_10 : memref<16384xf32, #tpu.memory_space<hbm>>) target(%arg5 : memref<16384xf32, #tpu.memory_space<vmem>>) target_semaphore(%dma_start3A_9 : memref<!tpu.dma_semaphore, #tpu.memory_space<semaphore_mem>>)
    %add3A_11 = arith.constant 0 : i32
    %add3A_12 = arith.addi %add3A_11, %mul3A_2 : i32
    %add3A_13 = arith.constant 0 : i32
    %add3A_14 = arith.addi %add3A_12, %add3A_13 : i32
    %mul3A_15 = arith.constant 1024 : i32
    %mul3A_16 = arith.muli %add3A_14, %mul3A_15 : i32
    %dma_start3A_17 = arith.constant 0 : i32
    %dma_start3A_18 = tpu.memref_slice %arg2[%mul3A_16] : memref<33554432xf32, #tpu.memory_space<hbm>> -> memref<16384xf32, #tpu.memory_space<hbm>>
    %dma_start3A_19 = tpu.memref_slice %arg12[%dma_start3A_17] : memref<4x!tpu.dma_semaphore, #tpu.memory_space<semaphore_mem>> -> memref<1x!tpu.dma_semaphore, #tpu.memory_space<semaphore_mem>>
    %dma_start3A_20 = tpu.memref_squeeze %dma_start3A_19 : memref<1x!tpu.dma_semaphore, #tpu.memory_space<semaphore_mem>> -> memref<!tpu.dma_semaphore, #tpu.memory_space<semaphore_mem>>
    %dma_start3A_21 = tpu.memref_slice %arg2[%mul3A_16] : memref<33554432xf32, #tpu.memory_space<hbm>> -> memref<16384xf32, #tpu.memory_space<hbm>>
    tpu.enqueue_dma source(%dma_start3A_21 : memref<16384xf32, #tpu.memory_space<hbm>>) target(%arg7 : memref<16384xf32, #tpu.memory_space<vmem>>) target_semaphore(%dma_start3A_20 : memref<!tpu.dma_semaphore, #tpu.memory_space<semaphore_mem>>)
    %add3A_22 = arith.constant 8192 : i32
    %add3A_23 = arith.addi %add3A_22, %mul3A_2 : i32
    %add3A_24 = arith.constant 0 : i32
    %add3A_25 = arith.addi %add3A_23, %add3A_24 : i32
    %mul3A_26 = arith.constant 1024 : i32
    %mul3A_27 = arith.muli %add3A_25, %mul3A_26 : i32
    %dma_start3A_28 = arith.constant 1 : i32
    %dma_start3A_29 = tpu.memref_slice %arg2[%mul3A_27] : memref<33554432xf32, #tpu.memory_space<hbm>> -> memref<16384xf32, #tpu.memory_space<hbm>>
    %dma_start3A_30 = tpu.memref_slice %arg12[%dma_start3A_28] : memref<4x!tpu.dma_semaphore, #tpu.memory_space<semaphore_mem>> -> memref<1x!tpu.dma_semaphore, #tpu.memory_space<semaphore_mem>>
    %dma_start3A_31 = tpu.memref_squeeze %dma_start3A_30 : memref<1x!tpu.dma_semaphore, #tpu.memory_space<semaphore_mem>> -> memref<!tpu.dma_semaphore, #tpu.memory_space<semaphore_mem>>
    %dma_start3A_32 = tpu.memref_slice %arg2[%mul3A_27] : memref<33554432xf32, #tpu.memory_space<hbm>> -> memref<16384xf32, #tpu.memory_space<hbm>>
    tpu.enqueue_dma source(%dma_start3A_32 : memref<16384xf32, #tpu.memory_space<hbm>>) target(%arg8 : memref<16384xf32, #tpu.memory_space<vmem>>) target_semaphore(%dma_start3A_31 : memref<!tpu.dma_semaphore, #tpu.memory_space<semaphore_mem>>)
    %scan3A = arith.constant 0 : i32
    %scan3A_33 = arith.constant 8 : i32
    %scan3A_34 = arith.addi %scan3A, %scan3A_33 : i32
    %scan3A_35 = arith.constant 1 : i32
    scf.for %scan3A_80 = %scan3A to %scan3A_34 step %scan3A_35  : i32 {
      %mul3A_81 = arith.constant 8 : i32
      %mul3A_82 = arith.muli %scan3A_80, %mul3A_81 : i32
      %add3A_83 = arith.constant 0 : i32
      %add3A_84 = arith.addi %mul3A_82, %add3A_83 : i32
      %mul3A_85 = arith.constant 2 : i32
      %mul3A_86 = arith.muli %scan3A_80, %mul3A_85 : i32
      %add3A_87 = arith.constant 1 : i32
      %add3A_88 = arith.addi %mul3A_86, %add3A_87 : i32
      %mul3A_89 = arith.constant 16 : i32
      %mul3A_90 = arith.muli %add3A_88, %mul3A_89 : i32
      %add3A_91 = arith.addi %mul3A_2, %mul3A_90 : i32
      %mul3A_92 = arith.constant 1024 : i32
      %mul3A_93 = arith.muli %add3A_91, %mul3A_92 : i32
      %dma_start3A_94 = arith.constant 1 : i32
      %dma_start3A_95 = tpu.memref_slice %arg3[%mul3A_93] : memref<8388608xf32, #tpu.memory_space<hbm>> -> memref<16384xf32, #tpu.memory_space<hbm>>
      %dma_start3A_96 = tpu.memref_slice %arg11[%dma_start3A_94] : memref<2x!tpu.dma_semaphore, #tpu.memory_space<semaphore_mem>> -> memref<1x!tpu.dma_semaphore, #tpu.memory_space<semaphore_mem>>
      %dma_start3A_97 = tpu.memref_squeeze %dma_start3A_96 : memref<1x!tpu.dma_semaphore, #tpu.memory_space<semaphore_mem>> -> memref<!tpu.dma_semaphore, #tpu.memory_space<semaphore_mem>>
      %dma_start3A_98 = tpu.memref_slice %arg3[%mul3A_93] : memref<8388608xf32, #tpu.memory_space<hbm>> -> memref<16384xf32, #tpu.memory_space<hbm>>
      tpu.enqueue_dma source(%dma_start3A_98 : memref<16384xf32, #tpu.memory_space<hbm>>) target(%arg6 : memref<16384xf32, #tpu.memory_space<vmem>>) target_semaphore(%dma_start3A_97 : memref<!tpu.dma_semaphore, #tpu.memory_space<semaphore_mem>>)
      %mul3A_99 = arith.constant 2 : i32
      %mul3A_100 = arith.muli %scan3A_80, %mul3A_99 : i32
      %mul3A_101 = arith.constant 16 : i32
      %mul3A_102 = arith.muli %mul3A_100, %mul3A_101 : i32
      %add3A_103 = arith.addi %mul3A_2, %mul3A_102 : i32
      %mul3A_104 = arith.constant 1024 : i32
      %mul3A_105 = arith.muli %add3A_103, %mul3A_104 : i32
      %dma_wait3A_106 = arith.constant 0 : i32
      %dma_wait3A_107 = tpu.memref_slice %arg3[%mul3A_105] : memref<8388608xf32, #tpu.memory_space<hbm>> -> memref<16384xf32, #tpu.memory_space<hbm>>
      %dma_wait3A_108 = tpu.memref_slice %arg11[%dma_wait3A_106] : memref<2x!tpu.dma_semaphore, #tpu.memory_space<semaphore_mem>> -> memref<1x!tpu.dma_semaphore, #tpu.memory_space<semaphore_mem>>
      %dma_wait3A_109 = tpu.memref_squeeze %dma_wait3A_108 : memref<1x!tpu.dma_semaphore, #tpu.memory_space<semaphore_mem>> -> memref<!tpu.dma_semaphore, #tpu.memory_space<semaphore_mem>>
      %dma_wait3A_110 = tpu.memref_slice %arg3[%mul3A_105] : memref<8388608xf32, #tpu.memory_space<hbm>> -> memref<16384xf32, #tpu.memory_space<hbm>>
      tpu.wait_dma2 semaphore(%dma_wait3A_109 : memref<!tpu.dma_semaphore, #tpu.memory_space<semaphore_mem>>) src(%dma_wait3A_110 : memref<16384xf32, #tpu.memory_space<hbm>>) dst(%arg5 : memref<16384xf32, #tpu.memory_space<vmem>>)
      %jit3A = arith.constant 4 : i32
      %div3A = arith.divsi %add3A_84, %jit3A : i32
      %sign3A = arith.constant 0 : i32
      %sign3A_111 = arith.cmpi sgt, %add3A_84, %sign3A : i32
      %sign3A_112 = arith.extui %sign3A_111 : i1 to i32
      %sign3A_113 = arith.constant 0 : i32
      %sign3A_114 = arith.cmpi slt, %add3A_84, %sign3A_113 : i32
      %sign3A_115 = arith.extui %sign3A_114 : i1 to i32
      %sign3A_116 = arith.subi %sign3A_112, %sign3A_115 : i32
      %sign3A_117 = arith.constant 0 : i32
      %sign3A_118 = arith.cmpi sgt, %jit3A, %sign3A_117 : i32
      %sign3A_119 = arith.extui %sign3A_118 : i1 to i32
      %sign3A_120 = arith.constant 0 : i32
      %sign3A_121 = arith.cmpi slt, %jit3A, %sign3A_120 : i32
      %sign3A_122 = arith.extui %sign3A_121 : i1 to i32
      %sign3A_123 = arith.subi %sign3A_119, %sign3A_122 : i32
      %ne3A = arith.cmpi ne, %sign3A_116, %sign3A_123 : i32
      %rem3A = arith.remsi %add3A_84, %jit3A : i32
      %ne3A_124 = arith.constant 0 : i32
      %ne3A_125 = arith.cmpi ne, %rem3A, %ne3A_124 : i32
      %and3A = arith.andi %ne3A, %ne3A_125 : i1
      %sub3A = arith.constant 1 : i32
      %sub3A_126 = arith.subi %div3A, %sub3A : i32
      %select_n3A = arith.select %and3A, %sub3A_126, %div3A : i32
      %jit3A_127 = arith.constant 4 : i32
      %eq3A = arith.constant 0 : i32
      %eq3A_128 = arith.cmpi eq, %jit3A_127, %eq3A : i32
      %jit3A_129 = arith.constant 1 : i32
      %select_n3A_130 = arith.select %eq3A_128, %jit3A_129, %jit3A_127 : i32
      %rem3A_131 = arith.remsi %add3A_84, %select_n3A_130 : i32
      %ne3A_132 = arith.constant 0 : i32
      %ne3A_133 = arith.cmpi ne, %rem3A_131, %ne3A_132 : i32
      %lt3A = arith.constant 0 : i32
      %lt3A_134 = arith.cmpi slt, %rem3A_131, %lt3A : i32
      %lt3A_135 = arith.constant 0 : i32
      %lt3A_136 = arith.cmpi slt, %select_n3A_130, %lt3A_135 : i32
      %ne3A_137 = arith.xori %lt3A_134, %lt3A_136 : i1
      %and3A_138 = arith.andi %ne3A_137, %ne3A_133 : i1
      %add3A_139 = arith.addi %rem3A_131, %select_n3A_130 : i32
      %select_n3A_140 = arith.select %and3A_138, %add3A_139, %rem3A_131 : i32
      %mul3A_141 = arith.constant 8192 : i32
      %mul3A_142 = arith.muli %select_n3A_140, %mul3A_141 : i32
      %add3A_143 = arith.addi %mul3A_142, %mul3A_2 : i32
      %mul3A_144 = arith.constant 16 : i32
      %mul3A_145 = arith.muli %select_n3A, %mul3A_144 : i32
      %add3A_146 = arith.addi %add3A_143, %mul3A_145 : i32
      %mul3A_147 = arith.constant 1024 : i32
      %mul3A_148 = arith.muli %add3A_146, %mul3A_147 : i32
      %dma_wait3A_149 = arith.constant 0 : i32
      %dma_wait3A_150 = tpu.memref_slice %arg2[%mul3A_148] : memref<33554432xf32, #tpu.memory_space<hbm>> -> memref<16384xf32, #tpu.memory_space<hbm>>
      %dma_wait3A_151 = tpu.memref_slice %arg12[%dma_wait3A_149] : memref<4x!tpu.dma_semaphore, #tpu.memory_space<semaphore_mem>> -> memref<1x!tpu.dma_semaphore, #tpu.memory_space<semaphore_mem>>
      %dma_wait3A_152 = tpu.memref_squeeze %dma_wait3A_151 : memref<1x!tpu.dma_semaphore, #tpu.memory_space<semaphore_mem>> -> memref<!tpu.dma_semaphore, #tpu.memory_space<semaphore_mem>>
      %dma_wait3A_153 = tpu.memref_slice %arg2[%mul3A_148] : memref<33554432xf32, #tpu.memory_space<hbm>> -> memref<16384xf32, #tpu.memory_space<hbm>>
      tpu.wait_dma2 semaphore(%dma_wait3A_152 : memref<!tpu.dma_semaphore, #tpu.memory_space<semaphore_mem>>) src(%dma_wait3A_153 : memref<16384xf32, #tpu.memory_space<hbm>>) dst(%arg7 : memref<16384xf32, #tpu.memory_space<vmem>>)
      %parallel_loop3A = arith.constant 0 : i32
      %parallel_loop3A_154 = arith.constant 1024 : i32
      %parallel_loop3A_155 = arith.constant 1 : i32
      scf.for %parallel_loop3A_1061 = %parallel_loop3A to %parallel_loop3A_154 step %parallel_loop3A_155  : i32 {
        %parallel_loop3A_1062 = arith.constant 16 : i32
        %parallel_loop3A_1063 = arith.muli %parallel_loop3A_1061, %parallel_loop3A_1062 : i32
        %parallel_loop3A_1064 = arith.index_cast %parallel_loop3A_1063 : i32 to index
        %parallel_loop3A_1065 = tpu.vector_load %arg7[%parallel_loop3A_1064] {strides = array<i32>} : memref<16384xf32, #tpu.memory_space<vmem>>, vector<16xf32>,
        %parallel_loop3A_1066 = vector.shape_cast %parallel_loop3A_1065 : vector<16xf32> to vector<16xf32>
        %parallel_loop3A_1067 = arith.index_cast %parallel_loop3A_1063 : i32 to index
        %parallel_loop3A_1068 = tpu.vector_load %arg5[%parallel_loop3A_1067] {strides = array<i32>} : memref<16384xf32, #tpu.memory_space<vmem>>, vector<16xf32>,
        %parallel_loop3A_1069 = vector.shape_cast %parallel_loop3A_1068 : vector<16xf32> to vector<16xf32>
        %parallel_loop3A_1070 = arith.addf %parallel_loop3A_1066, %parallel_loop3A_1069 : vector<16xf32>
        %parallel_loop3A_1071 = arith.index_cast %parallel_loop3A_1063 : i32 to index
        %parallel_loop3A_1072 = tpu.vector_load %arg7[%parallel_loop3A_1071] {strides = array<i32>} : memref<16384xf32, #tpu.memory_space<vmem>>, vector<16xf32>,
        %parallel_loop3A_1073 = vector.shape_cast %parallel_loop3A_1072 : vector<16xf32> to vector<16xf32>
        %parallel_loop3A_1074 = vector.shape_cast %parallel_loop3A_1070 : vector<16xf32> to vector<16xf32>
        tpu.vector_store %arg7[%parallel_loop3A_1071], %parallel_loop3A_1074 {strides = array<i32>} : memref<16384xf32, #tpu.memory_space<vmem>>, vector<16xf32>,
      } {sc.loop_unroll_factor = 8 : i64, sc.parallel_access}
      %jit3A_156 = arith.constant 4 : i32
      %div3A_157 = arith.divsi %add3A_84, %jit3A_156 : i32
      %sign3A_158 = arith.constant 0 : i32
      %sign3A_159 = arith.cmpi sgt, %add3A_84, %sign3A_158 : i32
      %sign3A_160 = arith.extui %sign3A_159 : i1 to i32
      %sign3A_161 = arith.constant 0 : i32
      %sign3A_162 = arith.cmpi slt, %add3A_84, %sign3A_161 : i32
      %sign3A_163 = arith.extui %sign3A_162 : i1 to i32
      %sign3A_164 = arith.subi %sign3A_160, %sign3A_163 : i32
      %sign3A_165 = arith.constant 0 : i32
      %sign3A_166 = arith.cmpi sgt, %jit3A_156, %sign3A_165 : i32
      %sign3A_167 = arith.extui %sign3A_166 : i1 to i32
      %sign3A_168 = arith.constant 0 : i32
      %sign3A_169 = arith.cmpi slt, %jit3A_156, %sign3A_168 : i32
      %sign3A_170 = arith.extui %sign3A_169 : i1 to i32
      %sign3A_171 = arith.subi %sign3A_167, %sign3A_170 : i32
      %ne3A_172 = arith.cmpi ne, %sign3A_164, %sign3A_171 : i32
      %rem3A_173 = arith.remsi %add3A_84, %jit3A_156 : i32
      %ne3A_174 = arith.constant 0 : i32
      %ne3A_175 = arith.cmpi ne, %rem3A_173, %ne3A_174 : i32
      %and3A_176 = arith.andi %ne3A_172, %ne3A_175 : i1
      %sub3A_177 = arith.constant 1 : i32
      %sub3A_178 = arith.subi %div3A_157, %sub3A_177 : i32
      %select_n3A_179 = arith.select %and3A_176, %sub3A_178, %div3A_157 : i32
      %jit3A_180 = arith.constant 4 : i32
      %eq3A_181 = arith.constant 0 : i32
      %eq3A_182 = arith.cmpi eq, %jit3A_180, %eq3A_181 : i32
      %jit3A_183 = arith.constant 1 : i32
      %select_n3A_184 = arith.select %eq3A_182, %jit3A_183, %jit3A_180 : i32
      %rem3A_185 = arith.remsi %add3A_84, %select_n3A_184 : i32
      %ne3A_186 = arith.constant 0 : i32
      %ne3A_187 = arith.cmpi ne, %rem3A_185, %ne3A_186 : i32
      %lt3A_188 = arith.constant 0 : i32
      %lt3A_189 = arith.cmpi slt, %rem3A_185, %lt3A_188 : i32
      %lt3A_190 = arith.constant 0 : i32
      %lt3A_191 = arith.cmpi slt, %select_n3A_184, %lt3A_190 : i32
      %ne3A_192 = arith.xori %lt3A_189, %lt3A_191 : i1
      %and3A_193 = arith.andi %ne3A_192, %ne3A_187 : i1
      %add3A_194 = arith.addi %rem3A_185, %select_n3A_184 : i32
      %select_n3A_195 = arith.select %and3A_193, %add3A_194, %rem3A_185 : i32
      %mul3A_196 = arith.constant 8192 : i32
      %mul3A_197 = arith.muli %select_n3A_195, %mul3A_196 : i32
      %add3A_198 = arith.addi %mul3A_197, %mul3A_2 : i32
      %mul3A_199 = arith.constant 16 : i32
      %mul3A_200 = arith.muli %select_n3A_179, %mul3A_199 : i32
      %add3A_201 = arith.addi %add3A_198, %mul3A_200 : i32
      %mul3A_202 = arith.constant 1024 : i32
      %mul3A_203 = arith.muli %add3A_201, %mul3A_202 : i32
      %dma_start3A_204 = arith.constant 0 : i32
      %dma_start3A_205 = tpu.memref_slice %arg4[%mul3A_203] : memref<33554432xf32, #tpu.memory_space<hbm>> -> memref<16384xf32, #tpu.memory_space<hbm>>
      %dma_start3A_206 = tpu.memref_slice %arg13[%dma_start3A_204] : memref<4x!tpu.dma_semaphore, #tpu.memory_space<semaphore_mem>> -> memref<1x!tpu.dma_semaphore, #tpu.memory_space<semaphore_mem>>
      %dma_start3A_207 = tpu.memref_squeeze %dma_start3A_206 : memref<1x!tpu.dma_semaphore, #tpu.memory_space<semaphore_mem>> -> memref<!tpu.dma_semaphore, #tpu.memory_space<semaphore_mem>>
      %dma_start3A_208 = tpu.memref_slice %arg4[%mul3A_203] : memref<33554432xf32, #tpu.memory_space<hbm>> -> memref<16384xf32, #tpu.memory_space<hbm>>
      tpu.enqueue_dma source(%arg7 : memref<16384xf32, #tpu.memory_space<vmem>>) target(%dma_start3A_208 : memref<16384xf32, #tpu.memory_space<hbm>>) target_semaphore(%dma_start3A_207 : memref<!tpu.dma_semaphore, #tpu.memory_space<semaphore_mem>>)
      %add3A_209 = arith.constant 2 : i32
      %add3A_210 = arith.addi %add3A_84, %add3A_209 : i32
      %lt3A_211 = arith.constant 64 : i32
      %lt3A_212 = arith.cmpi slt, %add3A_210, %lt3A_211 : i32
      %convert_element_type3A = arith.extui %lt3A_212 : i1 to i32
      %cond3A = arith.constant 0 : i32
      %cond3A_213 = arith.cmpi ne, %convert_element_type3A, %cond3A : i32
      scf.if %cond3A_213 {
        %ge3A = arith.constant 2 : i32
        %ge3A_1061 = arith.cmpi sge, %add3A_84, %ge3A : i32
        %convert_element_type3A_1062 = arith.extui %ge3A_1061 : i1 to i32
        %cond3A_1063 = arith.constant 0 : i32
        %cond3A_1064 = arith.cmpi ne, %convert_element_type3A_1062, %cond3A_1063 : i32
        scf.if %cond3A_1064 {
          %sub3A_1118 = arith.constant 2 : i32
          %sub3A_1119 = arith.subi %add3A_84, %sub3A_1118 : i32
          %jit3A_1120 = arith.constant 4 : i32
          %div3A_1121 = arith.divsi %sub3A_1119, %jit3A_1120 : i32
          %sign3A_1122 = arith.constant 0 : i32
          %sign3A_1123 = arith.cmpi sgt, %sub3A_1119, %sign3A_1122 : i32
          %sign3A_1124 = arith.extui %sign3A_1123 : i1 to i32
          %sign3A_1125 = arith.constant 0 : i32
          %sign3A_1126 = arith.cmpi slt, %sub3A_1119, %sign3A_1125 : i32
          %sign3A_1127 = arith.extui %sign3A_1126 : i1 to i32
          %sign3A_1128 = arith.subi %sign3A_1124, %sign3A_1127 : i32
          %sign3A_1129 = arith.constant 0 : i32
          %sign3A_1130 = arith.cmpi sgt, %jit3A_1120, %sign3A_1129 : i32
          %sign3A_1131 = arith.extui %sign3A_1130 : i1 to i32
          %sign3A_1132 = arith.constant 0 : i32
          %sign3A_1133 = arith.cmpi slt, %jit3A_1120, %sign3A_1132 : i32
          %sign3A_1134 = arith.extui %sign3A_1133 : i1 to i32
          %sign3A_1135 = arith.subi %sign3A_1131, %sign3A_1134 : i32
          %ne3A_1136 = arith.cmpi ne, %sign3A_1128, %sign3A_1135 : i32
          %rem3A_1137 = arith.remsi %sub3A_1119, %jit3A_1120 : i32
          %ne3A_1138 = arith.constant 0 : i32
          %ne3A_1139 = arith.cmpi ne, %rem3A_1137, %ne3A_1138 : i32
          %and3A_1140 = arith.andi %ne3A_1136, %ne3A_1139 : i1
          %sub3A_1141 = arith.constant 1 : i32
          %sub3A_1142 = arith.subi %div3A_1121, %sub3A_1141 : i32
          %select_n3A_1143 = arith.select %and3A_1140, %sub3A_1142, %div3A_1121 : i32
          %jit3A_1144 = arith.constant 4 : i32
          %eq3A_1145 = arith.constant 0 : i32
          %eq3A_1146 = arith.cmpi eq, %jit3A_1144, %eq3A_1145 : i32
          %jit3A_1147 = arith.constant 1 : i32
          %select_n3A_1148 = arith.select %eq3A_1146, %jit3A_1147, %jit3A_1144 : i32
          %rem3A_1149 = arith.remsi %sub3A_1119, %select_n3A_1148 : i32
          %ne3A_1150 = arith.constant 0 : i32
          %ne3A_1151 = arith.cmpi ne, %rem3A_1149, %ne3A_1150 : i32
          %lt3A_1152 = arith.constant 0 : i32
          %lt3A_1153 = arith.cmpi slt, %rem3A_1149, %lt3A_1152 : i32
          %lt3A_1154 = arith.constant 0 : i32
          %lt3A_1155 = arith.cmpi slt, %select_n3A_1148, %lt3A_1154 : i32
          %ne3A_1156 = arith.xori %lt3A_1153, %lt3A_1155 : i1
          %and3A_1157 = arith.andi %ne3A_1156, %ne3A_1151 : i1
          %add3A_1158 = arith.addi %rem3A_1149, %select_n3A_1148 : i32
          %select_n3A_1159 = arith.select %and3A_1157, %add3A_1158, %rem3A_1149 : i32
          %mul3A_1160 = arith.constant 8192 : i32
          %mul3A_1161 = arith.muli %select_n3A_1159, %mul3A_1160 : i32
          %add3A_1162 = arith.addi %mul3A_1161, %mul3A_2 : i32
          %mul3A_1163 = arith.constant 16 : i32
          %mul3A_1164 = arith.muli %select_n3A_1143, %mul3A_1163 : i32
          %add3A_1165 = arith.addi %add3A_1162, %mul3A_1164 : i32
          %mul3A_1166 = arith.constant 1024 : i32
          %mul3A_1167 = arith.muli %add3A_1165, %mul3A_1166 : i32
          %dma_wait3A_1168 = arith.constant 2 : i32
          %dma_wait3A_1169 = tpu.memref_slice %arg4[%mul3A_1167] : memref<33554432xf32, #tpu.memory_space<hbm>> -> memref<16384xf32, #tpu.memory_space<hbm>>
          %dma_wait3A_1170 = tpu.memref_slice %arg13[%dma_wait3A_1168] : memref<4x!tpu.dma_semaphore, #tpu.memory_space<semaphore_mem>> -> memref<1x!tpu.dma_semaphore, #tpu.memory_space<semaphore_mem>>
          %dma_wait3A_1171 = tpu.memref_squeeze %dma_wait3A_1170 : memref<1x!tpu.dma_semaphore, #tpu.memory_space<semaphore_mem>> -> memref<!tpu.dma_semaphore, #tpu.memory_space<semaphore_mem>>
          %dma_wait3A_1172 = tpu.memref_slice %arg4[%mul3A_1167] : memref<33554432xf32, #tpu.memory_space<hbm>> -> memref<16384xf32, #tpu.memory_space<hbm>>
          tpu.wait_dma2 semaphore(%dma_wait3A_1171 : memref<!tpu.dma_semaphore, #tpu.memory_space<semaphore_mem>>) src(%arg9 : memref<16384xf32, #tpu.memory_space<vmem>>) dst(%dma_wait3A_1172 : memref<16384xf32, #tpu.memory_space<hbm>>)
        } else {
        }
        %jit3A_1065 = arith.constant 4 : i32
        %div3A_1066 = arith.divsi %add3A_210, %jit3A_1065 : i32
        %sign3A_1067 = arith.constant 0 : i32
        %sign3A_1068 = arith.cmpi sgt, %add3A_210, %sign3A_1067 : i32
        %sign3A_1069 = arith.extui %sign3A_1068 : i1 to i32
        %sign3A_1070 = arith.constant 0 : i32
        %sign3A_1071 = arith.cmpi slt, %add3A_210, %sign3A_1070 : i32
        %sign3A_1072 = arith.extui %sign3A_1071 : i1 to i32
        %sign3A_1073 = arith.subi %sign3A_1069, %sign3A_1072 : i32
        %sign3A_1074 = arith.constant 0 : i32
        %sign3A_1075 = arith.cmpi sgt, %jit3A_1065, %sign3A_1074 : i32
        %sign3A_1076 = arith.extui %sign3A_1075 : i1 to i32
        %sign3A_1077 = arith.constant 0 : i32
        %sign3A_1078 = arith.cmpi slt, %jit3A_1065, %sign3A_1077 : i32
        %sign3A_1079 = arith.extui %sign3A_1078 : i1 to i32
        %sign3A_1080 = arith.subi %sign3A_1076, %sign3A_1079 : i32
        %ne3A_1081 = arith.cmpi ne, %sign3A_1073, %sign3A_1080 : i32
        %rem3A_1082 = arith.remsi %add3A_210, %jit3A_1065 : i32
        %ne3A_1083 = arith.constant 0 : i32
        %ne3A_1084 = arith.cmpi ne, %rem3A_1082, %ne3A_1083 : i32
        %and3A_1085 = arith.andi %ne3A_1081, %ne3A_1084 : i1
        %sub3A_1086 = arith.constant 1 : i32
        %sub3A_1087 = arith.subi %div3A_1066, %sub3A_1086 : i32
        %select_n3A_1088 = arith.select %and3A_1085, %sub3A_1087, %div3A_1066 : i32
        %jit3A_1089 = arith.constant 4 : i32
        %eq3A_1090 = arith.constant 0 : i32
        %eq3A_1091 = arith.cmpi eq, %jit3A_1089, %eq3A_1090 : i32
        %jit3A_1092 = arith.constant 1 : i32
        %select_n3A_1093 = arith.select %eq3A_1091, %jit3A_1092, %jit3A_1089 : i32
        %rem3A_1094 = arith.remsi %add3A_210, %select_n3A_1093 : i32
        %ne3A_1095 = arith.constant 0 : i32
        %ne3A_1096 = arith.cmpi ne, %rem3A_1094, %ne3A_1095 : i32
        %lt3A_1097 = arith.constant 0 : i32
        %lt3A_1098 = arith.cmpi slt, %rem3A_1094, %lt3A_1097 : i32
        %lt3A_1099 = arith.constant 0 : i32
        %lt3A_1100 = arith.cmpi slt, %select_n3A_1093, %lt3A_1099 : i32
        %ne3A_1101 = arith.xori %lt3A_1098, %lt3A_1100 : i1
        %and3A_1102 = arith.andi %ne3A_1101, %ne3A_1096 : i1
        %add3A_1103 = arith.addi %rem3A_1094, %select_n3A_1093 : i32
        %select_n3A_1104 = arith.select %and3A_1102, %add3A_1103, %rem3A_1094 : i32
        %mul3A_1105 = arith.constant 8192 : i32
        %mul3A_1106 = arith.muli %select_n3A_1104, %mul3A_1105 : i32
        %add3A_1107 = arith.addi %mul3A_1106, %mul3A_2 : i32
        %mul3A_1108 = arith.constant 16 : i32
        %mul3A_1109 = arith.muli %select_n3A_1088, %mul3A_1108 : i32
        %add3A_1110 = arith.addi %add3A_1107, %mul3A_1109 : i32
        %mul3A_1111 = arith.constant 1024 : i32
        %mul3A_1112 = arith.muli %add3A_1110, %mul3A_1111 : i32
        %dma_start3A_1113 = arith.constant 2 : i32
        %dma_start3A_1114 = tpu.memref_slice %arg2[%mul3A_1112] : memref<33554432xf32, #tpu.memory_space<hbm>> -> memref<16384xf32, #tpu.memory_space<hbm>>
        %dma_start3A_1115 = tpu.memref_slice %arg12[%dma_start3A_1113] : memref<4x!tpu.dma_semaphore, #tpu.memory_space<semaphore_mem>> -> memref<1x!tpu.dma_semaphore, #tpu.memory_space<semaphore_mem>>
        %dma_start3A_1116 = tpu.memref_squeeze %dma_start3A_1115 : memref<1x!tpu.dma_semaphore, #tpu.memory_space<semaphore_mem>> -> memref<!tpu.dma_semaphore, #tpu.memory_space<semaphore_mem>>
        %dma_start3A_1117 = tpu.memref_slice %arg2[%mul3A_1112] : memref<33554432xf32, #tpu.memory_space<hbm>> -> memref<16384xf32, #tpu.memory_space<hbm>>
        tpu.enqueue_dma source(%dma_start3A_1117 : memref<16384xf32, #tpu.memory_space<hbm>>) target(%arg9 : memref<16384xf32, #tpu.memory_space<vmem>>) target_semaphore(%dma_start3A_1116 : memref<!tpu.dma_semaphore, #tpu.memory_space<semaphore_mem>>)
      } else {
      }
      %add3A_214 = arith.constant 1 : i32
      %add3A_215 = arith.addi %mul3A_82, %add3A_214 : i32
      %jit3A_216 = arith.constant 4 : i32
      %div3A_217 = arith.divsi %add3A_215, %jit3A_216 : i32
      %sign3A_218 = arith.constant 0 : i32
      %sign3A_219 = arith.cmpi sgt, %add3A_215, %sign3A_218 : i32
      %sign3A_220 = arith.extui %sign3A_219 : i1 to i32
      %sign3A_221 = arith.constant 0 : i32
      %sign3A_222 = arith.cmpi slt, %add3A_215, %sign3A_221 : i32
      %sign3A_223 = arith.extui %sign3A_222 : i1 to i32
      %sign3A_224 = arith.subi %sign3A_220, %sign3A_223 : i32
      %sign3A_225 = arith.constant 0 : i32
      %sign3A_226 = arith.cmpi sgt, %jit3A_216, %sign3A_225 : i32
      %sign3A_227 = arith.extui %sign3A_226 : i1 to i32
      %sign3A_228 = arith.constant 0 : i32
      %sign3A_229 = arith.cmpi slt, %jit3A_216, %sign3A_228 : i32
      %sign3A_230 = arith.extui %sign3A_229 : i1 to i32
      %sign3A_231 = arith.subi %sign3A_227, %sign3A_230 : i32
      %ne3A_232 = arith.cmpi ne, %sign3A_224, %sign3A_231 : i32
      %rem3A_233 = arith.remsi %add3A_215, %jit3A_216 : i32
      %ne3A_234 = arith.constant 0 : i32
      %ne3A_235 = arith.cmpi ne, %rem3A_233, %ne3A_234 : i32
      %and3A_236 = arith.andi %ne3A_232, %ne3A_235 : i1
      %sub3A_237 = arith.constant 1 : i32
      %sub3A_238 = arith.subi %div3A_217, %sub3A_237 : i32
      %select_n3A_239 = arith.select %and3A_236, %sub3A_238, %div3A_217 : i32
      %jit3A_240 = arith.constant 4 : i32
      %eq3A_241 = arith.constant 0 : i32
      %eq3A_242 = arith.cmpi eq, %jit3A_240, %eq3A_241 : i32
      %jit3A_243 = arith.constant 1 : i32
      %select_n3A_244 = arith.select %eq3A_242, %jit3A_243, %jit3A_240 : i32
      %rem3A_245 = arith.remsi %add3A_215, %select_n3A_244 : i32
      %ne3A_246 = arith.constant 0 : i32
      %ne3A_247 = arith.cmpi ne, %rem3A_245, %ne3A_246 : i32
      %lt3A_248 = arith.constant 0 : i32
      %lt3A_249 = arith.cmpi slt, %rem3A_245, %lt3A_248 : i32
      %lt3A_250 = arith.constant 0 : i32
      %lt3A_251 = arith.cmpi slt, %select_n3A_244, %lt3A_250 : i32
      %ne3A_252 = arith.xori %lt3A_249, %lt3A_251 : i1
      %and3A_253 = arith.andi %ne3A_252, %ne3A_247 : i1
      %add3A_254 = arith.addi %rem3A_245, %select_n3A_244 : i32
      %select_n3A_255 = arith.select %and3A_253, %add3A_254, %rem3A_245 : i32
      %mul3A_256 = arith.constant 8192 : i32
      %mul3A_257 = arith.muli %select_n3A_255, %mul3A_256 : i32
      %add3A_258 = arith.addi %mul3A_257, %mul3A_2 : i32
      %mul3A_259 = arith.constant 16 : i32
      %mul3A_260 = arith.muli %select_n3A_239, %mul3A_259 : i32
      %add3A_261 = arith.addi %add3A_258, %mul3A_260 : i32
      %mul3A_262 = arith.constant 1024 : i32
      %mul3A_263 = arith.muli %add3A_261, %mul3A_262 : i32
      %dma_wait3A_264 = arith.constant 1 : i32
      %dma_wait3A_265 = tpu.memref_slice %arg2[%mul3A_263] : memref<33554432xf32, #tpu.memory_space<hbm>> -> memref<16384xf32, #tpu.memory_space<hbm>>
      %dma_wait3A_266 = tpu.memref_slice %arg12[%dma_wait3A_264] : memref<4x!tpu.dma_semaphore, #tpu.memory_space<semaphore_mem>> -> memref<1x!tpu.dma_semaphore, #tpu.memory_space<semaphore_mem>>
      %dma_wait3A_267 = tpu.memref_squeeze %dma_wait3A_266 : memref<1x!tpu.dma_semaphore, #tpu.memory_space<semaphore_mem>> -> memref<!tpu.dma_semaphore, #tpu.memory_space<semaphore_mem>>
      %dma_wait3A_268 = tpu.memref_slice %arg2[%mul3A_263] : memref<33554432xf32, #tpu.memory_space<hbm>> -> memref<16384xf32, #tpu.memory_space<hbm>>
      tpu.wait_dma2 semaphore(%dma_wait3A_267 : memref<!tpu.dma_semaphore, #tpu.memory_space<semaphore_mem>>) src(%dma_wait3A_268 : memref<16384xf32, #tpu.memory_space<hbm>>) dst(%arg8 : memref<16384xf32, #tpu.memory_space<vmem>>)
      %parallel_loop3A_269 = arith.constant 0 : i32
      %parallel_loop3A_270 = arith.constant 1024 : i32
      %parallel_loop3A_271 = arith.constant 1 : i32
      scf.for %parallel_loop3A_1061 = %parallel_loop3A_269 to %parallel_loop3A_270 step %parallel_loop3A_271  : i32 {
        %parallel_loop3A_1062 = arith.constant 16 : i32
        %parallel_loop3A_1063 = arith.muli %parallel_loop3A_1061, %parallel_loop3A_1062 : i32
        %parallel_loop3A_1064 = arith.index_cast %parallel_loop3A_1063 : i32 to index
        %parallel_loop3A_1065 = tpu.vector_load %arg8[%parallel_loop3A_1064] {strides = array<i32>} : memref<16384xf32, #tpu.memory_space<vmem>>, vector<16xf32>,
        %parallel_loop3A_1066 = vector.shape_cast %parallel_loop3A_1065 : vector<16xf32> to vector<16xf32>
        %parallel_loop3A_1067 = arith.index_cast %parallel_loop3A_1063 : i32 to index
        %parallel_loop3A_1068 = tpu.vector_load %arg5[%parallel_loop3A_1067] {strides = array<i32>} : memref<16384xf32, #tpu.memory_space<vmem>>, vector<16xf32>,
        %parallel_loop3A_1069 = vector.shape_cast %parallel_loop3A_1068 : vector<16xf32> to vector<16xf32>
        %parallel_loop3A_1070 = arith.addf %parallel_loop3A_1066, %parallel_loop3A_1069 : vector<16xf32>
        %parallel_loop3A_1071 = arith.index_cast %parallel_loop3A_1063 : i32 to index
        %parallel_loop3A_1072 = tpu.vector_load %arg8[%parallel_loop3A_1071] {strides = array<i32>} : memref<16384xf32, #tpu.memory_space<vmem>>, vector<16xf32>,
        %parallel_loop3A_1073 = vector.shape_cast %parallel_loop3A_1072 : vector<16xf32> to vector<16xf32>
        %parallel_loop3A_1074 = vector.shape_cast %parallel_loop3A_1070 : vector<16xf32> to vector<16xf32>
        tpu.vector_store %arg8[%parallel_loop3A_1071], %parallel_loop3A_1074 {strides = array<i32>} : memref<16384xf32, #tpu.memory_space<vmem>>, vector<16xf32>,
      } {sc.loop_unroll_factor = 8 : i64, sc.parallel_access}
      %jit3A_272 = arith.constant 4 : i32
      %div3A_273 = arith.divsi %add3A_215, %jit3A_272 : i32
      %sign3A_274 = arith.constant 0 : i32
      %sign3A_275 = arith.cmpi sgt, %add3A_215, %sign3A_274 : i32
      %sign3A_276 = arith.extui %sign3A_275 : i1 to i32
      %sign3A_277 = arith.constant 0 : i32
      %sign3A_278 = arith.cmpi slt, %add3A_215, %sign3A_277 : i32
      %sign3A_279 = arith.extui %sign3A_278 : i1 to i32
      %sign3A_280 = arith.subi %sign3A_276, %sign3A_279 : i32
      %sign3A_281 = arith.constant 0 : i32
      %sign3A_282 = arith.cmpi sgt, %jit3A_272, %sign3A_281 : i32
      %sign3A_283 = arith.extui %sign3A_282 : i1 to i32
      %sign3A_284 = arith.constant 0 : i32
      %sign3A_285 = arith.cmpi slt, %jit3A_272, %sign3A_284 : i32
      %sign3A_286 = arith.extui %sign3A_285 : i1 to i32
      %sign3A_287 = arith.subi %sign3A_283, %sign3A_286 : i32
      %ne3A_288 = arith.cmpi ne, %sign3A_280, %sign3A_287 : i32
      %rem3A_289 = arith.remsi %add3A_215, %jit3A_272 : i32
      %ne3A_290 = arith.constant 0 : i32
      %ne3A_291 = arith.cmpi ne, %rem3A_289, %ne3A_290 : i32
      %and3A_292 = arith.andi %ne3A_288, %ne3A_291 : i1
      %sub3A_293 = arith.constant 1 : i32
      %sub3A_294 = arith.subi %div3A_273, %sub3A_293 : i32
      %select_n3A_295 = arith.select %and3A_292, %sub3A_294, %div3A_273 : i32
      %jit3A_296 = arith.constant 4 : i32
      %eq3A_297 = arith.constant 0 : i32
      %eq3A_298 = arith.cmpi eq, %jit3A_296, %eq3A_297 : i32
      %jit3A_299 = arith.constant 1 : i32
      %select_n3A_300 = arith.select %eq3A_298, %jit3A_299, %jit3A_296 : i32
      %rem3A_301 = arith.remsi %add3A_215, %select_n3A_300 : i32
      %ne3A_302 = arith.constant 0 : i32
      %ne3A_303 = arith.cmpi ne, %rem3A_301, %ne3A_302 : i32
      %lt3A_304 = arith.constant 0 : i32
      %lt3A_305 = arith.cmpi slt, %rem3A_301, %lt3A_304 : i32
      %lt3A_306 = arith.constant 0 : i32
      %lt3A_307 = arith.cmpi slt, %select_n3A_300, %lt3A_306 : i32
      %ne3A_308 = arith.xori %lt3A_305, %lt3A_307 : i1
      %and3A_309 = arith.andi %ne3A_308, %ne3A_303 : i1
      %add3A_310 = arith.addi %rem3A_301, %select_n3A_300 : i32
      %select_n3A_311 = arith.select %and3A_309, %add3A_310, %rem3A_301 : i32
      %mul3A_312 = arith.constant 8192 : i32
      %mul3A_313 = arith.muli %select_n3A_311, %mul3A_312 : i32
      %add3A_314 = arith.addi %mul3A_313, %mul3A_2 : i32
      %mul3A_315 = arith.constant 16 : i32
      %mul3A_316 = arith.muli %select_n3A_295, %mul3A_315 : i32
      %add3A_317 = arith.addi %add3A_314, %mul3A_316 : i32
      %mul3A_318 = arith.constant 1024 : i32
      %mul3A_319 = arith.muli %add3A_317, %mul3A_318 : i32
      %dma_start3A_320 = arith.constant 1 : i32
      %dma_start3A_321 = tpu.memref_slice %arg4[%mul3A_319] : memref<33554432xf32, #tpu.memory_space<hbm>> -> memref<16384xf32, #tpu.memory_space<hbm>>
      %dma_start3A_322 = tpu.memref_slice %arg13[%dma_start3A_320] : memref<4x!tpu.dma_semaphore, #tpu.memory_space<semaphore_mem>> -> memref<1x!tpu.dma_semaphore, #tpu.memory_space<semaphore_mem>>
      %dma_start3A_323 = tpu.memref_squeeze %dma_start3A_322 : memref<1x!tpu.dma_semaphore, #tpu.memory_space<semaphore_mem>> -> memref<!tpu.dma_semaphore, #tpu.memory_space<semaphore_mem>>
      %dma_start3A_324 = tpu.memref_slice %arg4[%mul3A_319] : memref<33554432xf32, #tpu.memory_space<hbm>> -> memref<16384xf32, #tpu.memory_space<hbm>>
      tpu.enqueue_dma source(%arg8 : memref<16384xf32, #tpu.memory_space<vmem>>) target(%dma_start3A_324 : memref<16384xf32, #tpu.memory_space<hbm>>) target_semaphore(%dma_start3A_323 : memref<!tpu.dma_semaphore, #tpu.memory_space<semaphore_mem>>)
      %add3A_325 = arith.constant 2 : i32
      %add3A_326 = arith.addi %add3A_215, %add3A_325 : i32
      %lt3A_327 = arith.constant 64 : i32
      %lt3A_328 = arith.cmpi slt, %add3A_326, %lt3A_327 : i32
      %convert_element_type3A_329 = arith.extui %lt3A_328 : i1 to i32
      %cond3A_330 = arith.constant 0 : i32
      %cond3A_331 = arith.cmpi ne, %convert_element_type3A_329, %cond3A_330 : i32
      scf.if %cond3A_331 {
        %ge3A = arith.constant 2 : i32
        %ge3A_1061 = arith.cmpi sge, %add3A_215, %ge3A : i32
        %convert_element_type3A_1062 = arith.extui %ge3A_1061 : i1 to i32
        %cond3A_1063 = arith.constant 0 : i32
        %cond3A_1064 = arith.cmpi ne, %convert_element_type3A_1062, %cond3A_1063 : i32
        scf.if %cond3A_1064 {
          %sub3A_1118 = arith.constant 2 : i32
          %sub3A_1119 = arith.subi %add3A_215, %sub3A_1118 : i32
          %jit3A_1120 = arith.constant 4 : i32
          %div3A_1121 = arith.divsi %sub3A_1119, %jit3A_1120 : i32
          %sign3A_1122 = arith.constant 0 : i32
          %sign3A_1123 = arith.cmpi sgt, %sub3A_1119, %sign3A_1122 : i32
          %sign3A_1124 = arith.extui %sign3A_1123 : i1 to i32
          %sign3A_1125 = arith.constant 0 : i32
          %sign3A_1126 = arith.cmpi slt, %sub3A_1119, %sign3A_1125 : i32
          %sign3A_1127 = arith.extui %sign3A_1126 : i1 to i32
          %sign3A_1128 = arith.subi %sign3A_1124, %sign3A_1127 : i32
          %sign3A_1129 = arith.constant 0 : i32
          %sign3A_1130 = arith.cmpi sgt, %jit3A_1120, %sign3A_1129 : i32
          %sign3A_1131 = arith.extui %sign3A_1130 : i1 to i32
          %sign3A_1132 = arith.constant 0 : i32
          %sign3A_1133 = arith.cmpi slt, %jit3A_1120, %sign3A_1132 : i32
          %sign3A_1134 = arith.extui %sign3A_1133 : i1 to i32
          %sign3A_1135 = arith.subi %sign3A_1131, %sign3A_1134 : i32
          %ne3A_1136 = arith.cmpi ne, %sign3A_1128, %sign3A_1135 : i32
          %rem3A_1137 = arith.remsi %sub3A_1119, %jit3A_1120 : i32
          %ne3A_1138 = arith.constant 0 : i32
          %ne3A_1139 = arith.cmpi ne, %rem3A_1137, %ne3A_1138 : i32
          %and3A_1140 = arith.andi %ne3A_1136, %ne3A_1139 : i1
          %sub3A_1141 = arith.constant 1 : i32
          %sub3A_1142 = arith.subi %div3A_1121, %sub3A_1141 : i32
          %select_n3A_1143 = arith.select %and3A_1140, %sub3A_1142, %div3A_1121 : i32
          %jit3A_1144 = arith.constant 4 : i32
          %eq3A_1145 = arith.constant 0 : i32
          %eq3A_1146 = arith.cmpi eq, %jit3A_1144, %eq3A_1145 : i32
          %jit3A_1147 = arith.constant 1 : i32
          %select_n3A_1148 = arith.select %eq3A_1146, %jit3A_1147, %jit3A_1144 : i32
          %rem3A_1149 = arith.remsi %sub3A_1119, %select_n3A_1148 : i32
          %ne3A_1150 = arith.constant 0 : i32
          %ne3A_1151 = arith.cmpi ne, %rem3A_1149, %ne3A_1150 : i32
          %lt3A_1152 = arith.constant 0 : i32
          %lt3A_1153 = arith.cmpi slt, %rem3A_1149, %lt3A_1152 : i32
          %lt3A_1154 = arith.constant 0 : i32
          %lt3A_1155 = arith.cmpi slt, %select_n3A_1148, %lt3A_1154 : i32
          %ne3A_1156 = arith.xori %lt3A_1153, %lt3A_1155 : i1
          %and3A_1157 = arith.andi %ne3A_1156, %ne3A_1151 : i1
          %add3A_1158 = arith.addi %rem3A_1149, %select_n3A_1148 : i32
          %select_n3A_1159 = arith.select %and3A_1157, %add3A_1158, %rem3A_1149 : i32
          %mul3A_1160 = arith.constant 8192 : i32
          %mul3A_1161 = arith.muli %select_n3A_1159, %mul3A_1160 : i32
          %add3A_1162 = arith.addi %mul3A_1161, %mul3A_2 : i32
          %mul3A_1163 = arith.constant 16 : i32
          %mul3A_1164 = arith.muli %select_n3A_1143, %mul3A_1163 : i32
          %add3A_1165 = arith.addi %add3A_1162, %mul3A_1164 : i32
          %mul3A_1166 = arith.constant 1024 : i32
          %mul3A_1167 = arith.muli %add3A_1165, %mul3A_1166 : i32
          %dma_wait3A_1168 = arith.constant 3 : i32
          %dma_wait3A_1169 = tpu.memref_slice %arg4[%mul3A_1167] : memref<33554432xf32, #tpu.memory_space<hbm>> -> memref<16384xf32, #tpu.memory_space<hbm>>
          %dma_wait3A_1170 = tpu.memref_slice %arg13[%dma_wait3A_1168] : memref<4x!tpu.dma_semaphore, #tpu.memory_space<semaphore_mem>> -> memref<1x!tpu.dma_semaphore, #tpu.memory_space<semaphore_mem>>
          %dma_wait3A_1171 = tpu.memref_squeeze %dma_wait3A_1170 : memref<1x!tpu.dma_semaphore, #tpu.memory_space<semaphore_mem>> -> memref<!tpu.dma_semaphore, #tpu.memory_space<semaphore_mem>>
          %dma_wait3A_1172 = tpu.memref_slice %arg4[%mul3A_1167] : memref<33554432xf32, #tpu.memory_space<hbm>> -> memref<16384xf32, #tpu.memory_space<hbm>>
          tpu.wait_dma2 semaphore(%dma_wait3A_1171 : memref<!tpu.dma_semaphore, #tpu.memory_space<semaphore_mem>>) src(%arg10 : memref<16384xf32, #tpu.memory_space<vmem>>) dst(%dma_wait3A_1172 : memref<16384xf32, #tpu.memory_space<hbm>>)
        } else {
        }
        %jit3A_1065 = arith.constant 4 : i32
        %div3A_1066 = arith.divsi %add3A_326, %jit3A_1065 : i32
        %sign3A_1067 = arith.constant 0 : i32
        %sign3A_1068 = arith.cmpi sgt, %add3A_326, %sign3A_1067 : i32
        %sign3A_1069 = arith.extui %sign3A_1068 : i1 to i32
        %sign3A_1070 = arith.constant 0 : i32
        %sign3A_1071 = arith.cmpi slt, %add3A_326, %sign3A_1070 : i32
        %sign3A_1072 = arith.extui %sign3A_1071 : i1 to i32
        %sign3A_1073 = arith.subi %sign3A_1069, %sign3A_1072 : i32
        %sign3A_1074 = arith.constant 0 : i32
        %sign3A_1075 = arith.cmpi sgt, %jit3A_1065, %sign3A_1074 : i32
        %sign3A_1076 = arith.extui %sign3A_1075 : i1 to i32
        %sign3A_1077 = arith.constant 0 : i32
        %sign3A_1078 = arith.cmpi slt, %jit3A_1065, %sign3A_1077 : i32
        %sign3A_1079 = arith.extui %sign3A_1078 : i1 to i32
        %sign3A_1080 = arith.subi %sign3A_1076, %sign3A_1079 : i32
        %ne3A_1081 = arith.cmpi ne, %sign3A_1073, %sign3A_1080 : i32
        %rem3A_1082 = arith.remsi %add3A_326, %jit3A_1065 : i32
        %ne3A_1083 = arith.constant 0 : i32
        %ne3A_1084 = arith.cmpi ne, %rem3A_1082, %ne3A_1083 : i32
        %and3A_1085 = arith.andi %ne3A_1081, %ne3A_1084 : i1
        %sub3A_1086 = arith.constant 1 : i32
        %sub3A_1087 = arith.subi %div3A_1066, %sub3A_1086 : i32
        %select_n3A_1088 = arith.select %and3A_1085, %sub3A_1087, %div3A_1066 : i32
        %jit3A_1089 = arith.constant 4 : i32
        %eq3A_1090 = arith.constant 0 : i32
        %eq3A_1091 = arith.cmpi eq, %jit3A_1089, %eq3A_1090 : i32
        %jit3A_1092 = arith.constant 1 : i32
        %select_n3A_1093 = arith.select %eq3A_1091, %jit3A_1092, %jit3A_1089 : i32
        %rem3A_1094 = arith.remsi %add3A_326, %select_n3A_1093 : i32
        %ne3A_1095 = arith.constant 0 : i32
        %ne3A_1096 = arith.cmpi ne, %rem3A_1094, %ne3A_1095 : i32
        %lt3A_1097 = arith.constant 0 : i32
        %lt3A_1098 = arith.cmpi slt, %rem3A_1094, %lt3A_1097 : i32
        %lt3A_1099 = arith.constant 0 : i32
        %lt3A_1100 = arith.cmpi slt, %select_n3A_1093, %lt3A_1099 : i32
        %ne3A_1101 = arith.xori %lt3A_1098, %lt3A_1100 : i1
        %and3A_1102 = arith.andi %ne3A_1101, %ne3A_1096 : i1
        %add3A_1103 = arith.addi %rem3A_1094, %select_n3A_1093 : i32
        %select_n3A_1104 = arith.select %and3A_1102, %add3A_1103, %rem3A_1094 : i32
        %mul3A_1105 = arith.constant 8192 : i32
        %mul3A_1106 = arith.muli %select_n3A_1104, %mul3A_1105 : i32
        %add3A_1107 = arith.addi %mul3A_1106, %mul3A_2 : i32
        %mul3A_1108 = arith.constant 16 : i32
        %mul3A_1109 = arith.muli %select_n3A_1088, %mul3A_1108 : i32
        %add3A_1110 = arith.addi %add3A_1107, %mul3A_1109 : i32
        %mul3A_1111 = arith.constant 1024 : i32
        %mul3A_1112 = arith.muli %add3A_1110, %mul3A_1111 : i32
        %dma_start3A_1113 = arith.constant 3 : i32
        %dma_start3A_1114 = tpu.memref_slice %arg2[%mul3A_1112] : memref<33554432xf32, #tpu.memory_space<hbm>> -> memref<16384xf32, #tpu.memory_space<hbm>>
        %dma_start3A_1115 = tpu.memref_slice %arg12[%dma_start3A_1113] : memref<4x!tpu.dma_semaphore, #tpu.memory_space<semaphore_mem>> -> memref<1x!tpu.dma_semaphore, #tpu.memory_space<semaphore_mem>>
        %dma_start3A_1116 = tpu.memref_squeeze %dma_start3A_1115 : memref<1x!tpu.dma_semaphore, #tpu.memory_space<semaphore_mem>> -> memref<!tpu.dma_semaphore, #tpu.memory_space<semaphore_mem>>
        %dma_start3A_1117 = tpu.memref_slice %arg2[%mul3A_1112] : memref<33554432xf32, #tpu.memory_space<hbm>> -> memref<16384xf32, #tpu.memory_space<hbm>>
        tpu.enqueue_dma source(%dma_start3A_1117 : memref<16384xf32, #tpu.memory_space<hbm>>) target(%arg10 : memref<16384xf32, #tpu.memory_space<vmem>>) target_semaphore(%dma_start3A_1116 : memref<!tpu.dma_semaphore, #tpu.memory_space<semaphore_mem>>)
      } else {
      }
      %add3A_332 = arith.constant 2 : i32
      %add3A_333 = arith.addi %mul3A_82, %add3A_332 : i32
      %jit3A_334 = arith.constant 4 : i32
      %div3A_335 = arith.divsi %add3A_333, %jit3A_334 : i32
      %sign3A_336 = arith.constant 0 : i32
      %sign3A_337 = arith.cmpi sgt, %add3A_333, %sign3A_336 : i32
      %sign3A_338 = arith.extui %sign3A_337 : i1 to i32
      %sign3A_339 = arith.constant 0 : i32
      %sign3A_340 = arith.cmpi slt, %add3A_333, %sign3A_339 : i32
      %sign3A_341 = arith.extui %sign3A_340 : i1 to i32
      %sign3A_342 = arith.subi %sign3A_338, %sign3A_341 : i32
      %sign3A_343 = arith.constant 0 : i32
      %sign3A_344 = arith.cmpi sgt, %jit3A_334, %sign3A_343 : i32
      %sign3A_345 = arith.extui %sign3A_344 : i1 to i32
      %sign3A_346 = arith.constant 0 : i32
      %sign3A_347 = arith.cmpi slt, %jit3A_334, %sign3A_346 : i32
      %sign3A_348 = arith.extui %sign3A_347 : i1 to i32
      %sign3A_349 = arith.subi %sign3A_345, %sign3A_348 : i32
      %ne3A_350 = arith.cmpi ne, %sign3A_342, %sign3A_349 : i32
      %rem3A_351 = arith.remsi %add3A_333, %jit3A_334 : i32
      %ne3A_352 = arith.constant 0 : i32
      %ne3A_353 = arith.cmpi ne, %rem3A_351, %ne3A_352 : i32
      %and3A_354 = arith.andi %ne3A_350, %ne3A_353 : i1
      %sub3A_355 = arith.constant 1 : i32
      %sub3A_356 = arith.subi %div3A_335, %sub3A_355 : i32
      %select_n3A_357 = arith.select %and3A_354, %sub3A_356, %div3A_335 : i32
      %jit3A_358 = arith.constant 4 : i32
      %eq3A_359 = arith.constant 0 : i32
      %eq3A_360 = arith.cmpi eq, %jit3A_358, %eq3A_359 : i32
      %jit3A_361 = arith.constant 1 : i32
      %select_n3A_362 = arith.select %eq3A_360, %jit3A_361, %jit3A_358 : i32
      %rem3A_363 = arith.remsi %add3A_333, %select_n3A_362 : i32
      %ne3A_364 = arith.constant 0 : i32
      %ne3A_365 = arith.cmpi ne, %rem3A_363, %ne3A_364 : i32
      %lt3A_366 = arith.constant 0 : i32
      %lt3A_367 = arith.cmpi slt, %rem3A_363, %lt3A_366 : i32
      %lt3A_368 = arith.constant 0 : i32
      %lt3A_369 = arith.cmpi slt, %select_n3A_362, %lt3A_368 : i32
      %ne3A_370 = arith.xori %lt3A_367, %lt3A_369 : i1
      %and3A_371 = arith.andi %ne3A_370, %ne3A_365 : i1
      %add3A_372 = arith.addi %rem3A_363, %select_n3A_362 : i32
      %select_n3A_373 = arith.select %and3A_371, %add3A_372, %rem3A_363 : i32
      %mul3A_374 = arith.constant 8192 : i32
      %mul3A_375 = arith.muli %select_n3A_373, %mul3A_374 : i32
      %add3A_376 = arith.addi %mul3A_375, %mul3A_2 : i32
      %mul3A_377 = arith.constant 16 : i32
      %mul3A_378 = arith.muli %select_n3A_357, %mul3A_377 : i32
      %add3A_379 = arith.addi %add3A_376, %mul3A_378 : i32
      %mul3A_380 = arith.constant 1024 : i32
      %mul3A_381 = arith.muli %add3A_379, %mul3A_380 : i32
      %dma_wait3A_382 = arith.constant 2 : i32
      %dma_wait3A_383 = tpu.memref_slice %arg2[%mul3A_381] : memref<33554432xf32, #tpu.memory_space<hbm>> -> memref<16384xf32, #tpu.memory_space<hbm>>
      %dma_wait3A_384 = tpu.memref_slice %arg12[%dma_wait3A_382] : memref<4x!tpu.dma_semaphore, #tpu.memory_space<semaphore_mem>> -> memref<1x!tpu.dma_semaphore, #tpu.memory_space<semaphore_mem>>
      %dma_wait3A_385 = tpu.memref_squeeze %dma_wait3A_384 : memref<1x!tpu.dma_semaphore, #tpu.memory_space<semaphore_mem>> -> memref<!tpu.dma_semaphore, #tpu.memory_space<semaphore_mem>>
      %dma_wait3A_386 = tpu.memref_slice %arg2[%mul3A_381] : memref<33554432xf32, #tpu.memory_space<hbm>> -> memref<16384xf32, #tpu.memory_space<hbm>>
      tpu.wait_dma2 semaphore(%dma_wait3A_385 : memref<!tpu.dma_semaphore, #tpu.memory_space<semaphore_mem>>) src(%dma_wait3A_386 : memref<16384xf32, #tpu.memory_space<hbm>>) dst(%arg9 : memref<16384xf32, #tpu.memory_space<vmem>>)
      %parallel_loop3A_387 = arith.constant 0 : i32
      %parallel_loop3A_388 = arith.constant 1024 : i32
      %parallel_loop3A_389 = arith.constant 1 : i32
      scf.for %parallel_loop3A_1061 = %parallel_loop3A_387 to %parallel_loop3A_388 step %parallel_loop3A_389  : i32 {
        %parallel_loop3A_1062 = arith.constant 16 : i32
        %parallel_loop3A_1063 = arith.muli %parallel_loop3A_1061, %parallel_loop3A_1062 : i32
        %parallel_loop3A_1064 = arith.index_cast %parallel_loop3A_1063 : i32 to index
        %parallel_loop3A_1065 = tpu.vector_load %arg9[%parallel_loop3A_1064] {strides = array<i32>} : memref<16384xf32, #tpu.memory_space<vmem>>, vector<16xf32>,
        %parallel_loop3A_1066 = vector.shape_cast %parallel_loop3A_1065 : vector<16xf32> to vector<16xf32>
        %parallel_loop3A_1067 = arith.index_cast %parallel_loop3A_1063 : i32 to index
        %parallel_loop3A_1068 = tpu.vector_load %arg5[%parallel_loop3A_1067] {strides = array<i32>} : memref<16384xf32, #tpu.memory_space<vmem>>, vector<16xf32>,
        %parallel_loop3A_1069 = vector.shape_cast %parallel_loop3A_1068 : vector<16xf32> to vector<16xf32>
        %parallel_loop3A_1070 = arith.addf %parallel_loop3A_1066, %parallel_loop3A_1069 : vector<16xf32>
        %parallel_loop3A_1071 = arith.index_cast %parallel_loop3A_1063 : i32 to index
        %parallel_loop3A_1072 = tpu.vector_load %arg9[%parallel_loop3A_1071] {strides = array<i32>} : memref<16384xf32, #tpu.memory_space<vmem>>, vector<16xf32>,
        %parallel_loop3A_1073 = vector.shape_cast %parallel_loop3A_1072 : vector<16xf32> to vector<16xf32>
        %parallel_loop3A_1074 = vector.shape_cast %parallel_loop3A_1070 : vector<16xf32> to vector<16xf32>
        tpu.vector_store %arg9[%parallel_loop3A_1071], %parallel_loop3A_1074 {strides = array<i32>} : memref<16384xf32, #tpu.memory_space<vmem>>, vector<16xf32>,
      } {sc.loop_unroll_factor = 8 : i64, sc.parallel_access}
      %jit3A_390 = arith.constant 4 : i32
      %div3A_391 = arith.divsi %add3A_333, %jit3A_390 : i32
      %sign3A_392 = arith.constant 0 : i32
      %sign3A_393 = arith.cmpi sgt, %add3A_333, %sign3A_392 : i32
      %sign3A_394 = arith.extui %sign3A_393 : i1 to i32
      %sign3A_395 = arith.constant 0 : i32
      %sign3A_396 = arith.cmpi slt, %add3A_333, %sign3A_395 : i32
      %sign3A_397 = arith.extui %sign3A_396 : i1 to i32
      %sign3A_398 = arith.subi %sign3A_394, %sign3A_397 : i32
      %sign3A_399 = arith.constant 0 : i32
      %sign3A_400 = arith.cmpi sgt, %jit3A_390, %sign3A_399 : i32
      %sign3A_401 = arith.extui %sign3A_400 : i1 to i32
      %sign3A_402 = arith.constant 0 : i32
      %sign3A_403 = arith.cmpi slt, %jit3A_390, %sign3A_402 : i32
      %sign3A_404 = arith.extui %sign3A_403 : i1 to i32
      %sign3A_405 = arith.subi %sign3A_401, %sign3A_404 : i32
      %ne3A_406 = arith.cmpi ne, %sign3A_398, %sign3A_405 : i32
      %rem3A_407 = arith.remsi %add3A_333, %jit3A_390 : i32
      %ne3A_408 = arith.constant 0 : i32
      %ne3A_409 = arith.cmpi ne, %rem3A_407, %ne3A_408 : i32
      %and3A_410 = arith.andi %ne3A_406, %ne3A_409 : i1
      %sub3A_411 = arith.constant 1 : i32
      %sub3A_412 = arith.subi %div3A_391, %sub3A_411 : i32
      %select_n3A_413 = arith.select %and3A_410, %sub3A_412, %div3A_391 : i32
      %jit3A_414 = arith.constant 4 : i32
      %eq3A_415 = arith.constant 0 : i32
      %eq3A_416 = arith.cmpi eq, %jit3A_414, %eq3A_415 : i32
      %jit3A_417 = arith.constant 1 : i32
      %select_n3A_418 = arith.select %eq3A_416, %jit3A_417, %jit3A_414 : i32
      %rem3A_419 = arith.remsi %add3A_333, %select_n3A_418 : i32
      %ne3A_420 = arith.constant 0 : i32
      %ne3A_421 = arith.cmpi ne, %rem3A_419, %ne3A_420 : i32
      %lt3A_422 = arith.constant 0 : i32
      %lt3A_423 = arith.cmpi slt, %rem3A_419, %lt3A_422 : i32
      %lt3A_424 = arith.constant 0 : i32
      %lt3A_425 = arith.cmpi slt, %select_n3A_418, %lt3A_424 : i32
      %ne3A_426 = arith.xori %lt3A_423, %lt3A_425 : i1
      %and3A_427 = arith.andi %ne3A_426, %ne3A_421 : i1
      %add3A_428 = arith.addi %rem3A_419, %select_n3A_418 : i32
      %select_n3A_429 = arith.select %and3A_427, %add3A_428, %rem3A_419 : i32
      %mul3A_430 = arith.constant 8192 : i32
      %mul3A_431 = arith.muli %select_n3A_429, %mul3A_430 : i32
      %add3A_432 = arith.addi %mul3A_431, %mul3A_2 : i32
      %mul3A_433 = arith.constant 16 : i32
      %mul3A_434 = arith.muli %select_n3A_413, %mul3A_433 : i32
      %add3A_435 = arith.addi %add3A_432, %mul3A_434 : i32
      %mul3A_436 = arith.constant 1024 : i32
      %mul3A_437 = arith.muli %add3A_435, %mul3A_436 : i32
      %dma_start3A_438 = arith.constant 2 : i32
      %dma_start3A_439 = tpu.memref_slice %arg4[%mul3A_437] : memref<33554432xf32, #tpu.memory_space<hbm>> -> memref<16384xf32, #tpu.memory_space<hbm>>
      %dma_start3A_440 = tpu.memref_slice %arg13[%dma_start3A_438] : memref<4x!tpu.dma_semaphore, #tpu.memory_space<semaphore_mem>> -> memref<1x!tpu.dma_semaphore, #tpu.memory_space<semaphore_mem>>
      %dma_start3A_441 = tpu.memref_squeeze %dma_start3A_440 : memref<1x!tpu.dma_semaphore, #tpu.memory_space<semaphore_mem>> -> memref<!tpu.dma_semaphore, #tpu.memory_space<semaphore_mem>>
      %dma_start3A_442 = tpu.memref_slice %arg4[%mul3A_437] : memref<33554432xf32, #tpu.memory_space<hbm>> -> memref<16384xf32, #tpu.memory_space<hbm>>
      tpu.enqueue_dma source(%arg9 : memref<16384xf32, #tpu.memory_space<vmem>>) target(%dma_start3A_442 : memref<16384xf32, #tpu.memory_space<hbm>>) target_semaphore(%dma_start3A_441 : memref<!tpu.dma_semaphore, #tpu.memory_space<semaphore_mem>>)
      %add3A_443 = arith.constant 2 : i32
      %add3A_444 = arith.addi %add3A_333, %add3A_443 : i32
      %lt3A_445 = arith.constant 64 : i32
      %lt3A_446 = arith.cmpi slt, %add3A_444, %lt3A_445 : i32
      %convert_element_type3A_447 = arith.extui %lt3A_446 : i1 to i32
      %cond3A_448 = arith.constant 0 : i32
      %cond3A_449 = arith.cmpi ne, %convert_element_type3A_447, %cond3A_448 : i32
      scf.if %cond3A_449 {
        %ge3A = arith.constant 2 : i32
        %ge3A_1061 = arith.cmpi sge, %add3A_333, %ge3A : i32
        %convert_element_type3A_1062 = arith.extui %ge3A_1061 : i1 to i32
        %cond3A_1063 = arith.constant 0 : i32
        %cond3A_1064 = arith.cmpi ne, %convert_element_type3A_1062, %cond3A_1063 : i32
        scf.if %cond3A_1064 {
          %sub3A_1118 = arith.constant 2 : i32
          %sub3A_1119 = arith.subi %add3A_333, %sub3A_1118 : i32
          %jit3A_1120 = arith.constant 4 : i32
          %div3A_1121 = arith.divsi %sub3A_1119, %jit3A_1120 : i32
          %sign3A_1122 = arith.constant 0 : i32
          %sign3A_1123 = arith.cmpi sgt, %sub3A_1119, %sign3A_1122 : i32
          %sign3A_1124 = arith.extui %sign3A_1123 : i1 to i32
          %sign3A_1125 = arith.constant 0 : i32
          %sign3A_1126 = arith.cmpi slt, %sub3A_1119, %sign3A_1125 : i32
          %sign3A_1127 = arith.extui %sign3A_1126 : i1 to i32
          %sign3A_1128 = arith.subi %sign3A_1124, %sign3A_1127 : i32
          %sign3A_1129 = arith.constant 0 : i32
          %sign3A_1130 = arith.cmpi sgt, %jit3A_1120, %sign3A_1129 : i32
          %sign3A_1131 = arith.extui %sign3A_1130 : i1 to i32
          %sign3A_1132 = arith.constant 0 : i32
          %sign3A_1133 = arith.cmpi slt, %jit3A_1120, %sign3A_1132 : i32
          %sign3A_1134 = arith.extui %sign3A_1133 : i1 to i32
          %sign3A_1135 = arith.subi %sign3A_1131, %sign3A_1134 : i32
          %ne3A_1136 = arith.cmpi ne, %sign3A_1128, %sign3A_1135 : i32
          %rem3A_1137 = arith.remsi %sub3A_1119, %jit3A_1120 : i32
          %ne3A_1138 = arith.constant 0 : i32
          %ne3A_1139 = arith.cmpi ne, %rem3A_1137, %ne3A_1138 : i32
          %and3A_1140 = arith.andi %ne3A_1136, %ne3A_1139 : i1
          %sub3A_1141 = arith.constant 1 : i32
          %sub3A_1142 = arith.subi %div3A_1121, %sub3A_1141 : i32
          %select_n3A_1143 = arith.select %and3A_1140, %sub3A_1142, %div3A_1121 : i32
          %jit3A_1144 = arith.constant 4 : i32
          %eq3A_1145 = arith.constant 0 : i32
          %eq3A_1146 = arith.cmpi eq, %jit3A_1144, %eq3A_1145 : i32
          %jit3A_1147 = arith.constant 1 : i32
          %select_n3A_1148 = arith.select %eq3A_1146, %jit3A_1147, %jit3A_1144 : i32
          %rem3A_1149 = arith.remsi %sub3A_1119, %select_n3A_1148 : i32
          %ne3A_1150 = arith.constant 0 : i32
          %ne3A_1151 = arith.cmpi ne, %rem3A_1149, %ne3A_1150 : i32
          %lt3A_1152 = arith.constant 0 : i32
          %lt3A_1153 = arith.cmpi slt, %rem3A_1149, %lt3A_1152 : i32
          %lt3A_1154 = arith.constant 0 : i32
          %lt3A_1155 = arith.cmpi slt, %select_n3A_1148, %lt3A_1154 : i32
          %ne3A_1156 = arith.xori %lt3A_1153, %lt3A_1155 : i1
          %and3A_1157 = arith.andi %ne3A_1156, %ne3A_1151 : i1
          %add3A_1158 = arith.addi %rem3A_1149, %select_n3A_1148 : i32
          %select_n3A_1159 = arith.select %and3A_1157, %add3A_1158, %rem3A_1149 : i32
          %mul3A_1160 = arith.constant 8192 : i32
          %mul3A_1161 = arith.muli %select_n3A_1159, %mul3A_1160 : i32
          %add3A_1162 = arith.addi %mul3A_1161, %mul3A_2 : i32
          %mul3A_1163 = arith.constant 16 : i32
          %mul3A_1164 = arith.muli %select_n3A_1143, %mul3A_1163 : i32
          %add3A_1165 = arith.addi %add3A_1162, %mul3A_1164 : i32
          %mul3A_1166 = arith.constant 1024 : i32
          %mul3A_1167 = arith.muli %add3A_1165, %mul3A_1166 : i32
          %dma_wait3A_1168 = arith.constant 0 : i32
          %dma_wait3A_1169 = tpu.memref_slice %arg4[%mul3A_1167] : memref<33554432xf32, #tpu.memory_space<hbm>> -> memref<16384xf32, #tpu.memory_space<hbm>>
          %dma_wait3A_1170 = tpu.memref_slice %arg13[%dma_wait3A_1168] : memref<4x!tpu.dma_semaphore, #tpu.memory_space<semaphore_mem>> -> memref<1x!tpu.dma_semaphore, #tpu.memory_space<semaphore_mem>>
          %dma_wait3A_1171 = tpu.memref_squeeze %dma_wait3A_1170 : memref<1x!tpu.dma_semaphore, #tpu.memory_space<semaphore_mem>> -> memref<!tpu.dma_semaphore, #tpu.memory_space<semaphore_mem>>
          %dma_wait3A_1172 = tpu.memref_slice %arg4[%mul3A_1167] : memref<33554432xf32, #tpu.memory_space<hbm>> -> memref<16384xf32, #tpu.memory_space<hbm>>
          tpu.wait_dma2 semaphore(%dma_wait3A_1171 : memref<!tpu.dma_semaphore, #tpu.memory_space<semaphore_mem>>) src(%arg7 : memref<16384xf32, #tpu.memory_space<vmem>>) dst(%dma_wait3A_1172 : memref<16384xf32, #tpu.memory_space<hbm>>)
        } else {
        }
        %jit3A_1065 = arith.constant 4 : i32
        %div3A_1066 = arith.divsi %add3A_444, %jit3A_1065 : i32
        %sign3A_1067 = arith.constant 0 : i32
        %sign3A_1068 = arith.cmpi sgt, %add3A_444, %sign3A_1067 : i32
        %sign3A_1069 = arith.extui %sign3A_1068 : i1 to i32
        %sign3A_1070 = arith.constant 0 : i32
        %sign3A_1071 = arith.cmpi slt, %add3A_444, %sign3A_1070 : i32
        %sign3A_1072 = arith.extui %sign3A_1071 : i1 to i32
        %sign3A_1073 = arith.subi %sign3A_1069, %sign3A_1072 : i32
        %sign3A_1074 = arith.constant 0 : i32
        %sign3A_1075 = arith.cmpi sgt, %jit3A_1065, %sign3A_1074 : i32
        %sign3A_1076 = arith.extui %sign3A_1075 : i1 to i32
        %sign3A_1077 = arith.constant 0 : i32
        %sign3A_1078 = arith.cmpi slt, %jit3A_1065, %sign3A_1077 : i32
        %sign3A_1079 = arith.extui %sign3A_1078 : i1 to i32
        %sign3A_1080 = arith.subi %sign3A_1076, %sign3A_1079 : i32
        %ne3A_1081 = arith.cmpi ne, %sign3A_1073, %sign3A_1080 : i32
        %rem3A_1082 = arith.remsi %add3A_444, %jit3A_1065 : i32
        %ne3A_1083 = arith.constant 0 : i32
        %ne3A_1084 = arith.cmpi ne, %rem3A_1082, %ne3A_1083 : i32
        %and3A_1085 = arith.andi %ne3A_1081, %ne3A_1084 : i1
        %sub3A_1086 = arith.constant 1 : i32
        %sub3A_1087 = arith.subi %div3A_1066, %sub3A_1086 : i32
        %select_n3A_1088 = arith.select %and3A_1085, %sub3A_1087, %div3A_1066 : i32
        %jit3A_1089 = arith.constant 4 : i32
        %eq3A_1090 = arith.constant 0 : i32
        %eq3A_1091 = arith.cmpi eq, %jit3A_1089, %eq3A_1090 : i32
        %jit3A_1092 = arith.constant 1 : i32
        %select_n3A_1093 = arith.select %eq3A_1091, %jit3A_1092, %jit3A_1089 : i32
        %rem3A_1094 = arith.remsi %add3A_444, %select_n3A_1093 : i32
        %ne3A_1095 = arith.constant 0 : i32
        %ne3A_1096 = arith.cmpi ne, %rem3A_1094, %ne3A_1095 : i32
        %lt3A_1097 = arith.constant 0 : i32
        %lt3A_1098 = arith.cmpi slt, %rem3A_1094, %lt3A_1097 : i32
        %lt3A_1099 = arith.constant 0 : i32
        %lt3A_1100 = arith.cmpi slt, %select_n3A_1093, %lt3A_1099 : i32
        %ne3A_1101 = arith.xori %lt3A_1098, %lt3A_1100 : i1
        %and3A_1102 = arith.andi %ne3A_1101, %ne3A_1096 : i1
        %add3A_1103 = arith.addi %rem3A_1094, %select_n3A_1093 : i32
        %select_n3A_1104 = arith.select %and3A_1102, %add3A_1103, %rem3A_1094 : i32
        %mul3A_1105 = arith.constant 8192 : i32
        %mul3A_1106 = arith.muli %select_n3A_1104, %mul3A_1105 : i32
        %add3A_1107 = arith.addi %mul3A_1106, %mul3A_2 : i32
        %mul3A_1108 = arith.constant 16 : i32
        %mul3A_1109 = arith.muli %select_n3A_1088, %mul3A_1108 : i32
        %add3A_1110 = arith.addi %add3A_1107, %mul3A_1109 : i32
        %mul3A_1111 = arith.constant 1024 : i32
        %mul3A_1112 = arith.muli %add3A_1110, %mul3A_1111 : i32
        %dma_start3A_1113 = arith.constant 0 : i32
        %dma_start3A_1114 = tpu.memref_slice %arg2[%mul3A_1112] : memref<33554432xf32, #tpu.memory_space<hbm>> -> memref<16384xf32, #tpu.memory_space<hbm>>
        %dma_start3A_1115 = tpu.memref_slice %arg12[%dma_start3A_1113] : memref<4x!tpu.dma_semaphore, #tpu.memory_space<semaphore_mem>> -> memref<1x!tpu.dma_semaphore, #tpu.memory_space<semaphore_mem>>
        %dma_start3A_1116 = tpu.memref_squeeze %dma_start3A_1115 : memref<1x!tpu.dma_semaphore, #tpu.memory_space<semaphore_mem>> -> memref<!tpu.dma_semaphore, #tpu.memory_space<semaphore_mem>>
        %dma_start3A_1117 = tpu.memref_slice %arg2[%mul3A_1112] : memref<33554432xf32, #tpu.memory_space<hbm>> -> memref<16384xf32, #tpu.memory_space<hbm>>
        tpu.enqueue_dma source(%dma_start3A_1117 : memref<16384xf32, #tpu.memory_space<hbm>>) target(%arg7 : memref<16384xf32, #tpu.memory_space<vmem>>) target_semaphore(%dma_start3A_1116 : memref<!tpu.dma_semaphore, #tpu.memory_space<semaphore_mem>>)
      } else {
      }
      %add3A_450 = arith.constant 3 : i32
      %add3A_451 = arith.addi %mul3A_82, %add3A_450 : i32
      %jit3A_452 = arith.constant 4 : i32
      %div3A_453 = arith.divsi %add3A_451, %jit3A_452 : i32
      %sign3A_454 = arith.constant 0 : i32
      %sign3A_455 = arith.cmpi sgt, %add3A_451, %sign3A_454 : i32
      %sign3A_456 = arith.extui %sign3A_455 : i1 to i32
      %sign3A_457 = arith.constant 0 : i32
      %sign3A_458 = arith.cmpi slt, %add3A_451, %sign3A_457 : i32
      %sign3A_459 = arith.extui %sign3A_458 : i1 to i32
      %sign3A_460 = arith.subi %sign3A_456, %sign3A_459 : i32
      %sign3A_461 = arith.constant 0 : i32
      %sign3A_462 = arith.cmpi sgt, %jit3A_452, %sign3A_461 : i32
      %sign3A_463 = arith.extui %sign3A_462 : i1 to i32
      %sign3A_464 = arith.constant 0 : i32
      %sign3A_465 = arith.cmpi slt, %jit3A_452, %sign3A_464 : i32
      %sign3A_466 = arith.extui %sign3A_465 : i1 to i32
      %sign3A_467 = arith.subi %sign3A_463, %sign3A_466 : i32
      %ne3A_468 = arith.cmpi ne, %sign3A_460, %sign3A_467 : i32
      %rem3A_469 = arith.remsi %add3A_451, %jit3A_452 : i32
      %ne3A_470 = arith.constant 0 : i32
      %ne3A_471 = arith.cmpi ne, %rem3A_469, %ne3A_470 : i32
      %and3A_472 = arith.andi %ne3A_468, %ne3A_471 : i1
      %sub3A_473 = arith.constant 1 : i32
      %sub3A_474 = arith.subi %div3A_453, %sub3A_473 : i32
      %select_n3A_475 = arith.select %and3A_472, %sub3A_474, %div3A_453 : i32
      %jit3A_476 = arith.constant 4 : i32
      %eq3A_477 = arith.constant 0 : i32
      %eq3A_478 = arith.cmpi eq, %jit3A_476, %eq3A_477 : i32
      %jit3A_479 = arith.constant 1 : i32
      %select_n3A_480 = arith.select %eq3A_478, %jit3A_479, %jit3A_476 : i32
      %rem3A_481 = arith.remsi %add3A_451, %select_n3A_480 : i32
      %ne3A_482 = arith.constant 0 : i32
      %ne3A_483 = arith.cmpi ne, %rem3A_481, %ne3A_482 : i32
      %lt3A_484 = arith.constant 0 : i32
      %lt3A_485 = arith.cmpi slt, %rem3A_481, %lt3A_484 : i32
      %lt3A_486 = arith.constant 0 : i32
      %lt3A_487 = arith.cmpi slt, %select_n3A_480, %lt3A_486 : i32
      %ne3A_488 = arith.xori %lt3A_485, %lt3A_487 : i1
      %and3A_489 = arith.andi %ne3A_488, %ne3A_483 : i1
      %add3A_490 = arith.addi %rem3A_481, %select_n3A_480 : i32
      %select_n3A_491 = arith.select %and3A_489, %add3A_490, %rem3A_481 : i32
      %mul3A_492 = arith.constant 8192 : i32
      %mul3A_493 = arith.muli %select_n3A_491, %mul3A_492 : i32
      %add3A_494 = arith.addi %mul3A_493, %mul3A_2 : i32
      %mul3A_495 = arith.constant 16 : i32
      %mul3A_496 = arith.muli %select_n3A_475, %mul3A_495 : i32
      %add3A_497 = arith.addi %add3A_494, %mul3A_496 : i32
      %mul3A_498 = arith.constant 1024 : i32
      %mul3A_499 = arith.muli %add3A_497, %mul3A_498 : i32
      %dma_wait3A_500 = arith.constant 3 : i32
      %dma_wait3A_501 = tpu.memref_slice %arg2[%mul3A_499] : memref<33554432xf32, #tpu.memory_space<hbm>> -> memref<16384xf32, #tpu.memory_space<hbm>>
      %dma_wait3A_502 = tpu.memref_slice %arg12[%dma_wait3A_500] : memref<4x!tpu.dma_semaphore, #tpu.memory_space<semaphore_mem>> -> memref<1x!tpu.dma_semaphore, #tpu.memory_space<semaphore_mem>>
      %dma_wait3A_503 = tpu.memref_squeeze %dma_wait3A_502 : memref<1x!tpu.dma_semaphore, #tpu.memory_space<semaphore_mem>> -> memref<!tpu.dma_semaphore, #tpu.memory_space<semaphore_mem>>
      %dma_wait3A_504 = tpu.memref_slice %arg2[%mul3A_499] : memref<33554432xf32, #tpu.memory_space<hbm>> -> memref<16384xf32, #tpu.memory_space<hbm>>
      tpu.wait_dma2 semaphore(%dma_wait3A_503 : memref<!tpu.dma_semaphore, #tpu.memory_space<semaphore_mem>>) src(%dma_wait3A_504 : memref<16384xf32, #tpu.memory_space<hbm>>) dst(%arg10 : memref<16384xf32, #tpu.memory_space<vmem>>)
      %parallel_loop3A_505 = arith.constant 0 : i32
      %parallel_loop3A_506 = arith.constant 1024 : i32
      %parallel_loop3A_507 = arith.constant 1 : i32
      scf.for %parallel_loop3A_1061 = %parallel_loop3A_505 to %parallel_loop3A_506 step %parallel_loop3A_507  : i32 {
        %parallel_loop3A_1062 = arith.constant 16 : i32
        %parallel_loop3A_1063 = arith.muli %parallel_loop3A_1061, %parallel_loop3A_1062 : i32
        %parallel_loop3A_1064 = arith.index_cast %parallel_loop3A_1063 : i32 to index
        %parallel_loop3A_1065 = tpu.vector_load %arg10[%parallel_loop3A_1064] {strides = array<i32>} : memref<16384xf32, #tpu.memory_space<vmem>>, vector<16xf32>,
        %parallel_loop3A_1066 = vector.shape_cast %parallel_loop3A_1065 : vector<16xf32> to vector<16xf32>
        %parallel_loop3A_1067 = arith.index_cast %parallel_loop3A_1063 : i32 to index
        %parallel_loop3A_1068 = tpu.vector_load %arg5[%parallel_loop3A_1067] {strides = array<i32>} : memref<16384xf32, #tpu.memory_space<vmem>>, vector<16xf32>,
        %parallel_loop3A_1069 = vector.shape_cast %parallel_loop3A_1068 : vector<16xf32> to vector<16xf32>
        %parallel_loop3A_1070 = arith.addf %parallel_loop3A_1066, %parallel_loop3A_1069 : vector<16xf32>
        %parallel_loop3A_1071 = arith.index_cast %parallel_loop3A_1063 : i32 to index
        %parallel_loop3A_1072 = tpu.vector_load %arg10[%parallel_loop3A_1071] {strides = array<i32>} : memref<16384xf32, #tpu.memory_space<vmem>>, vector<16xf32>,
        %parallel_loop3A_1073 = vector.shape_cast %parallel_loop3A_1072 : vector<16xf32> to vector<16xf32>
        %parallel_loop3A_1074 = vector.shape_cast %parallel_loop3A_1070 : vector<16xf32> to vector<16xf32>
        tpu.vector_store %arg10[%parallel_loop3A_1071], %parallel_loop3A_1074 {strides = array<i32>} : memref<16384xf32, #tpu.memory_space<vmem>>, vector<16xf32>,
      } {sc.loop_unroll_factor = 8 : i64, sc.parallel_access}
      %jit3A_508 = arith.constant 4 : i32
      %div3A_509 = arith.divsi %add3A_451, %jit3A_508 : i32
      %sign3A_510 = arith.constant 0 : i32
      %sign3A_511 = arith.cmpi sgt, %add3A_451, %sign3A_510 : i32
      %sign3A_512 = arith.extui %sign3A_511 : i1 to i32
      %sign3A_513 = arith.constant 0 : i32
      %sign3A_514 = arith.cmpi slt, %add3A_451, %sign3A_513 : i32
      %sign3A_515 = arith.extui %sign3A_514 : i1 to i32
      %sign3A_516 = arith.subi %sign3A_512, %sign3A_515 : i32
      %sign3A_517 = arith.constant 0 : i32
      %sign3A_518 = arith.cmpi sgt, %jit3A_508, %sign3A_517 : i32
      %sign3A_519 = arith.extui %sign3A_518 : i1 to i32
      %sign3A_520 = arith.constant 0 : i32
      %sign3A_521 = arith.cmpi slt, %jit3A_508, %sign3A_520 : i32
      %sign3A_522 = arith.extui %sign3A_521 : i1 to i32
      %sign3A_523 = arith.subi %sign3A_519, %sign3A_522 : i32
      %ne3A_524 = arith.cmpi ne, %sign3A_516, %sign3A_523 : i32
      %rem3A_525 = arith.remsi %add3A_451, %jit3A_508 : i32
      %ne3A_526 = arith.constant 0 : i32
      %ne3A_527 = arith.cmpi ne, %rem3A_525, %ne3A_526 : i32
      %and3A_528 = arith.andi %ne3A_524, %ne3A_527 : i1
      %sub3A_529 = arith.constant 1 : i32
      %sub3A_530 = arith.subi %div3A_509, %sub3A_529 : i32
      %select_n3A_531 = arith.select %and3A_528, %sub3A_530, %div3A_509 : i32
      %jit3A_532 = arith.constant 4 : i32
      %eq3A_533 = arith.constant 0 : i32
      %eq3A_534 = arith.cmpi eq, %jit3A_532, %eq3A_533 : i32
      %jit3A_535 = arith.constant 1 : i32
      %select_n3A_536 = arith.select %eq3A_534, %jit3A_535, %jit3A_532 : i32
      %rem3A_537 = arith.remsi %add3A_451, %select_n3A_536 : i32
      %ne3A_538 = arith.constant 0 : i32
      %ne3A_539 = arith.cmpi ne, %rem3A_537, %ne3A_538 : i32
      %lt3A_540 = arith.constant 0 : i32
      %lt3A_541 = arith.cmpi slt, %rem3A_537, %lt3A_540 : i32
      %lt3A_542 = arith.constant 0 : i32
      %lt3A_543 = arith.cmpi slt, %select_n3A_536, %lt3A_542 : i32
      %ne3A_544 = arith.xori %lt3A_541, %lt3A_543 : i1
      %and3A_545 = arith.andi %ne3A_544, %ne3A_539 : i1
      %add3A_546 = arith.addi %rem3A_537, %select_n3A_536 : i32
      %select_n3A_547 = arith.select %and3A_545, %add3A_546, %rem3A_537 : i32
      %mul3A_548 = arith.constant 8192 : i32
      %mul3A_549 = arith.muli %select_n3A_547, %mul3A_548 : i32
      %add3A_550 = arith.addi %mul3A_549, %mul3A_2 : i32
      %mul3A_551 = arith.constant 16 : i32
      %mul3A_552 = arith.muli %select_n3A_531, %mul3A_551 : i32
      %add3A_553 = arith.addi %add3A_550, %mul3A_552 : i32
      %mul3A_554 = arith.constant 1024 : i32
      %mul3A_555 = arith.muli %add3A_553, %mul3A_554 : i32
      %dma_start3A_556 = arith.constant 3 : i32
      %dma_start3A_557 = tpu.memref_slice %arg4[%mul3A_555] : memref<33554432xf32, #tpu.memory_space<hbm>> -> memref<16384xf32, #tpu.memory_space<hbm>>
      %dma_start3A_558 = tpu.memref_slice %arg13[%dma_start3A_556] : memref<4x!tpu.dma_semaphore, #tpu.memory_space<semaphore_mem>> -> memref<1x!tpu.dma_semaphore, #tpu.memory_space<semaphore_mem>>
      %dma_start3A_559 = tpu.memref_squeeze %dma_start3A_558 : memref<1x!tpu.dma_semaphore, #tpu.memory_space<semaphore_mem>> -> memref<!tpu.dma_semaphore, #tpu.memory_space<semaphore_mem>>
      %dma_start3A_560 = tpu.memref_slice %arg4[%mul3A_555] : memref<33554432xf32, #tpu.memory_space<hbm>> -> memref<16384xf32, #tpu.memory_space<hbm>>
      tpu.enqueue_dma source(%arg10 : memref<16384xf32, #tpu.memory_space<vmem>>) target(%dma_start3A_560 : memref<16384xf32, #tpu.memory_space<hbm>>) target_semaphore(%dma_start3A_559 : memref<!tpu.dma_semaphore, #tpu.memory_space<semaphore_mem>>)
      %add3A_561 = arith.constant 2 : i32
      %add3A_562 = arith.addi %add3A_451, %add3A_561 : i32
      %lt3A_563 = arith.constant 64 : i32
      %lt3A_564 = arith.cmpi slt, %add3A_562, %lt3A_563 : i32
      %convert_element_type3A_565 = arith.extui %lt3A_564 : i1 to i32
      %cond3A_566 = arith.constant 0 : i32
      %cond3A_567 = arith.cmpi ne, %convert_element_type3A_565, %cond3A_566 : i32
      scf.if %cond3A_567 {
        %ge3A = arith.constant 2 : i32
        %ge3A_1061 = arith.cmpi sge, %add3A_451, %ge3A : i32
        %convert_element_type3A_1062 = arith.extui %ge3A_1061 : i1 to i32
        %cond3A_1063 = arith.constant 0 : i32
        %cond3A_1064 = arith.cmpi ne, %convert_element_type3A_1062, %cond3A_1063 : i32
        scf.if %cond3A_1064 {
          %sub3A_1118 = arith.constant 2 : i32
          %sub3A_1119 = arith.subi %add3A_451, %sub3A_1118 : i32
          %jit3A_1120 = arith.constant 4 : i32
          %div3A_1121 = arith.divsi %sub3A_1119, %jit3A_1120 : i32
          %sign3A_1122 = arith.constant 0 : i32
          %sign3A_1123 = arith.cmpi sgt, %sub3A_1119, %sign3A_1122 : i32
          %sign3A_1124 = arith.extui %sign3A_1123 : i1 to i32
          %sign3A_1125 = arith.constant 0 : i32
          %sign3A_1126 = arith.cmpi slt, %sub3A_1119, %sign3A_1125 : i32
          %sign3A_1127 = arith.extui %sign3A_1126 : i1 to i32
          %sign3A_1128 = arith.subi %sign3A_1124, %sign3A_1127 : i32
          %sign3A_1129 = arith.constant 0 : i32
          %sign3A_1130 = arith.cmpi sgt, %jit3A_1120, %sign3A_1129 : i32
          %sign3A_1131 = arith.extui %sign3A_1130 : i1 to i32
          %sign3A_1132 = arith.constant 0 : i32
          %sign3A_1133 = arith.cmpi slt, %jit3A_1120, %sign3A_1132 : i32
          %sign3A_1134 = arith.extui %sign3A_1133 : i1 to i32
          %sign3A_1135 = arith.subi %sign3A_1131, %sign3A_1134 : i32
          %ne3A_1136 = arith.cmpi ne, %sign3A_1128, %sign3A_1135 : i32
          %rem3A_1137 = arith.remsi %sub3A_1119, %jit3A_1120 : i32
          %ne3A_1138 = arith.constant 0 : i32
          %ne3A_1139 = arith.cmpi ne, %rem3A_1137, %ne3A_1138 : i32
          %and3A_1140 = arith.andi %ne3A_1136, %ne3A_1139 : i1
          %sub3A_1141 = arith.constant 1 : i32
          %sub3A_1142 = arith.subi %div3A_1121, %sub3A_1141 : i32
          %select_n3A_1143 = arith.select %and3A_1140, %sub3A_1142, %div3A_1121 : i32
          %jit3A_1144 = arith.constant 4 : i32
          %eq3A_1145 = arith.constant 0 : i32
          %eq3A_1146 = arith.cmpi eq, %jit3A_1144, %eq3A_1145 : i32
          %jit3A_1147 = arith.constant 1 : i32
          %select_n3A_1148 = arith.select %eq3A_1146, %jit3A_1147, %jit3A_1144 : i32
          %rem3A_1149 = arith.remsi %sub3A_1119, %select_n3A_1148 : i32
          %ne3A_1150 = arith.constant 0 : i32
          %ne3A_1151 = arith.cmpi ne, %rem3A_1149, %ne3A_1150 : i32
          %lt3A_1152 = arith.constant 0 : i32
          %lt3A_1153 = arith.cmpi slt, %rem3A_1149, %lt3A_1152 : i32
          %lt3A_1154 = arith.constant 0 : i32
          %lt3A_1155 = arith.cmpi slt, %select_n3A_1148, %lt3A_1154 : i32
          %ne3A_1156 = arith.xori %lt3A_1153, %lt3A_1155 : i1
          %and3A_1157 = arith.andi %ne3A_1156, %ne3A_1151 : i1
          %add3A_1158 = arith.addi %rem3A_1149, %select_n3A_1148 : i32
          %select_n3A_1159 = arith.select %and3A_1157, %add3A_1158, %rem3A_1149 : i32
          %mul3A_1160 = arith.constant 8192 : i32
          %mul3A_1161 = arith.muli %select_n3A_1159, %mul3A_1160 : i32
          %add3A_1162 = arith.addi %mul3A_1161, %mul3A_2 : i32
          %mul3A_1163 = arith.constant 16 : i32
          %mul3A_1164 = arith.muli %select_n3A_1143, %mul3A_1163 : i32
          %add3A_1165 = arith.addi %add3A_1162, %mul3A_1164 : i32
          %mul3A_1166 = arith.constant 1024 : i32
          %mul3A_1167 = arith.muli %add3A_1165, %mul3A_1166 : i32
          %dma_wait3A_1168 = arith.constant 1 : i32
          %dma_wait3A_1169 = tpu.memref_slice %arg4[%mul3A_1167] : memref<33554432xf32, #tpu.memory_space<hbm>> -> memref<16384xf32, #tpu.memory_space<hbm>>
          %dma_wait3A_1170 = tpu.memref_slice %arg13[%dma_wait3A_1168] : memref<4x!tpu.dma_semaphore, #tpu.memory_space<semaphore_mem>> -> memref<1x!tpu.dma_semaphore, #tpu.memory_space<semaphore_mem>>
          %dma_wait3A_1171 = tpu.memref_squeeze %dma_wait3A_1170 : memref<1x!tpu.dma_semaphore, #tpu.memory_space<semaphore_mem>> -> memref<!tpu.dma_semaphore, #tpu.memory_space<semaphore_mem>>
          %dma_wait3A_1172 = tpu.memref_slice %arg4[%mul3A_1167] : memref<33554432xf32, #tpu.memory_space<hbm>> -> memref<16384xf32, #tpu.memory_space<hbm>>
          tpu.wait_dma2 semaphore(%dma_wait3A_1171 : memref<!tpu.dma_semaphore, #tpu.memory_space<semaphore_mem>>) src(%arg8 : memref<16384xf32, #tpu.memory_space<vmem>>) dst(%dma_wait3A_1172 : memref<16384xf32, #tpu.memory_space<hbm>>)
        } else {
        }
        %jit3A_1065 = arith.constant 4 : i32
        %div3A_1066 = arith.divsi %add3A_562, %jit3A_1065 : i32
        %sign3A_1067 = arith.constant 0 : i32
        %sign3A_1068 = arith.cmpi sgt, %add3A_562, %sign3A_1067 : i32
        %sign3A_1069 = arith.extui %sign3A_1068 : i1 to i32
        %sign3A_1070 = arith.constant 0 : i32
        %sign3A_1071 = arith.cmpi slt, %add3A_562, %sign3A_1070 : i32
        %sign3A_1072 = arith.extui %sign3A_1071 : i1 to i32
        %sign3A_1073 = arith.subi %sign3A_1069, %sign3A_1072 : i32
        %sign3A_1074 = arith.constant 0 : i32
        %sign3A_1075 = arith.cmpi sgt, %jit3A_1065, %sign3A_1074 : i32
        %sign3A_1076 = arith.extui %sign3A_1075 : i1 to i32
        %sign3A_1077 = arith.constant 0 : i32
        %sign3A_1078 = arith.cmpi slt, %jit3A_1065, %sign3A_1077 : i32
        %sign3A_1079 = arith.extui %sign3A_1078 : i1 to i32
        %sign3A_1080 = arith.subi %sign3A_1076, %sign3A_1079 : i32
        %ne3A_1081 = arith.cmpi ne, %sign3A_1073, %sign3A_1080 : i32
        %rem3A_1082 = arith.remsi %add3A_562, %jit3A_1065 : i32
        %ne3A_1083 = arith.constant 0 : i32
        %ne3A_1084 = arith.cmpi ne, %rem3A_1082, %ne3A_1083 : i32
        %and3A_1085 = arith.andi %ne3A_1081, %ne3A_1084 : i1
        %sub3A_1086 = arith.constant 1 : i32
        %sub3A_1087 = arith.subi %div3A_1066, %sub3A_1086 : i32
        %select_n3A_1088 = arith.select %and3A_1085, %sub3A_1087, %div3A_1066 : i32
        %jit3A_1089 = arith.constant 4 : i32
        %eq3A_1090 = arith.constant 0 : i32
        %eq3A_1091 = arith.cmpi eq, %jit3A_1089, %eq3A_1090 : i32
        %jit3A_1092 = arith.constant 1 : i32
        %select_n3A_1093 = arith.select %eq3A_1091, %jit3A_1092, %jit3A_1089 : i32
        %rem3A_1094 = arith.remsi %add3A_562, %select_n3A_1093 : i32
        %ne3A_1095 = arith.constant 0 : i32
        %ne3A_1096 = arith.cmpi ne, %rem3A_1094, %ne3A_1095 : i32
        %lt3A_1097 = arith.constant 0 : i32
        %lt3A_1098 = arith.cmpi slt, %rem3A_1094, %lt3A_1097 : i32
        %lt3A_1099 = arith.constant 0 : i32
        %lt3A_1100 = arith.cmpi slt, %select_n3A_1093, %lt3A_1099 : i32
        %ne3A_1101 = arith.xori %lt3A_1098, %lt3A_1100 : i1
        %and3A_1102 = arith.andi %ne3A_1101, %ne3A_1096 : i1
        %add3A_1103 = arith.addi %rem3A_1094, %select_n3A_1093 : i32
        %select_n3A_1104 = arith.select %and3A_1102, %add3A_1103, %rem3A_1094 : i32
        %mul3A_1105 = arith.constant 8192 : i32
        %mul3A_1106 = arith.muli %select_n3A_1104, %mul3A_1105 : i32
        %add3A_1107 = arith.addi %mul3A_1106, %mul3A_2 : i32
        %mul3A_1108 = arith.constant 16 : i32
        %mul3A_1109 = arith.muli %select_n3A_1088, %mul3A_1108 : i32
        %add3A_1110 = arith.addi %add3A_1107, %mul3A_1109 : i32
        %mul3A_1111 = arith.constant 1024 : i32
        %mul3A_1112 = arith.muli %add3A_1110, %mul3A_1111 : i32
        %dma_start3A_1113 = arith.constant 1 : i32
        %dma_start3A_1114 = tpu.memref_slice %arg2[%mul3A_1112] : memref<33554432xf32, #tpu.memory_space<hbm>> -> memref<16384xf32, #tpu.memory_space<hbm>>
        %dma_start3A_1115 = tpu.memref_slice %arg12[%dma_start3A_1113] : memref<4x!tpu.dma_semaphore, #tpu.memory_space<semaphore_mem>> -> memref<1x!tpu.dma_semaphore, #tpu.memory_space<semaphore_mem>>
        %dma_start3A_1116 = tpu.memref_squeeze %dma_start3A_1115 : memref<1x!tpu.dma_semaphore, #tpu.memory_space<semaphore_mem>> -> memref<!tpu.dma_semaphore, #tpu.memory_space<semaphore_mem>>
        %dma_start3A_1117 = tpu.memref_slice %arg2[%mul3A_1112] : memref<33554432xf32, #tpu.memory_space<hbm>> -> memref<16384xf32, #tpu.memory_space<hbm>>
        tpu.enqueue_dma source(%dma_start3A_1117 : memref<16384xf32, #tpu.memory_space<hbm>>) target(%arg8 : memref<16384xf32, #tpu.memory_space<vmem>>) target_semaphore(%dma_start3A_1116 : memref<!tpu.dma_semaphore, #tpu.memory_space<semaphore_mem>>)
      } else {
      }
      %add3A_568 = arith.constant 4 : i32
      %add3A_569 = arith.addi %mul3A_82, %add3A_568 : i32
      %mul3A_570 = arith.constant 2 : i32
      %mul3A_571 = arith.muli %scan3A_80, %mul3A_570 : i32
      %add3A_572 = arith.constant 1 : i32
      %add3A_573 = arith.addi %mul3A_571, %add3A_572 : i32
      %mul3A_574 = arith.constant 16 : i32
      %mul3A_575 = arith.muli %add3A_573, %mul3A_574 : i32
      %add3A_576 = arith.addi %mul3A_2, %mul3A_575 : i32
      %mul3A_577 = arith.constant 1024 : i32
      %mul3A_578 = arith.muli %add3A_576, %mul3A_577 : i32
      %dma_wait3A_579 = arith.constant 1 : i32
      %dma_wait3A_580 = tpu.memref_slice %arg3[%mul3A_578] : memref<8388608xf32, #tpu.memory_space<hbm>> -> memref<16384xf32, #tpu.memory_space<hbm>>
      %dma_wait3A_581 = tpu.memref_slice %arg11[%dma_wait3A_579] : memref<2x!tpu.dma_semaphore, #tpu.memory_space<semaphore_mem>> -> memref<1x!tpu.dma_semaphore, #tpu.memory_space<semaphore_mem>>
      %dma_wait3A_582 = tpu.memref_squeeze %dma_wait3A_581 : memref<1x!tpu.dma_semaphore, #tpu.memory_space<semaphore_mem>> -> memref<!tpu.dma_semaphore, #tpu.memory_space<semaphore_mem>>
      %dma_wait3A_583 = tpu.memref_slice %arg3[%mul3A_578] : memref<8388608xf32, #tpu.memory_space<hbm>> -> memref<16384xf32, #tpu.memory_space<hbm>>
      tpu.wait_dma2 semaphore(%dma_wait3A_582 : memref<!tpu.dma_semaphore, #tpu.memory_space<semaphore_mem>>) src(%dma_wait3A_583 : memref<16384xf32, #tpu.memory_space<hbm>>) dst(%arg6 : memref<16384xf32, #tpu.memory_space<vmem>>)
      %add3A_584 = arith.constant 1 : i32
      %add3A_585 = arith.addi %scan3A_80, %add3A_584 : i32
      %lt3A_586 = arith.constant 8 : i32
      %lt3A_587 = arith.cmpi slt, %add3A_585, %lt3A_586 : i32
      %convert_element_type3A_588 = arith.extui %lt3A_587 : i1 to i32
      %cond3A_589 = arith.constant 0 : i32
      %cond3A_590 = arith.cmpi ne, %convert_element_type3A_588, %cond3A_589 : i32
      scf.if %cond3A_590 {
        %mul3A_1061 = arith.constant 2 : i32
        %mul3A_1062 = arith.muli %scan3A_80, %mul3A_1061 : i32
        %add3A_1063 = arith.constant 2 : i32
        %add3A_1064 = arith.addi %mul3A_1062, %add3A_1063 : i32
        %mul3A_1065 = arith.constant 16 : i32
        %mul3A_1066 = arith.muli %add3A_1064, %mul3A_1065 : i32
        %add3A_1067 = arith.addi %mul3A_2, %mul3A_1066 : i32
        %mul3A_1068 = arith.constant 1024 : i32
        %mul3A_1069 = arith.muli %add3A_1067, %mul3A_1068 : i32
        %dma_start3A_1070 = arith.constant 0 : i32
        %dma_start3A_1071 = tpu.memref_slice %arg3[%mul3A_1069] : memref<8388608xf32, #tpu.memory_space<hbm>> -> memref<16384xf32, #tpu.memory_space<hbm>>
        %dma_start3A_1072 = tpu.memref_slice %arg11[%dma_start3A_1070] : memref<2x!tpu.dma_semaphore, #tpu.memory_space<semaphore_mem>> -> memref<1x!tpu.dma_semaphore, #tpu.memory_space<semaphore_mem>>
        %dma_start3A_1073 = tpu.memref_squeeze %dma_start3A_1072 : memref<1x!tpu.dma_semaphore, #tpu.memory_space<semaphore_mem>> -> memref<!tpu.dma_semaphore, #tpu.memory_space<semaphore_mem>>
        %dma_start3A_1074 = tpu.memref_slice %arg3[%mul3A_1069] : memref<8388608xf32, #tpu.memory_space<hbm>> -> memref<16384xf32, #tpu.memory_space<hbm>>
        tpu.enqueue_dma source(%dma_start3A_1074 : memref<16384xf32, #tpu.memory_space<hbm>>) target(%arg5 : memref<16384xf32, #tpu.memory_space<vmem>>) target_semaphore(%dma_start3A_1073 : memref<!tpu.dma_semaphore, #tpu.memory_space<semaphore_mem>>)
      } else {
      }
      %jit3A_591 = arith.constant 4 : i32
      %div3A_592 = arith.divsi %add3A_569, %jit3A_591 : i32
      %sign3A_593 = arith.constant 0 : i32
      %sign3A_594 = arith.cmpi sgt, %add3A_569, %sign3A_593 : i32
      %sign3A_595 = arith.extui %sign3A_594 : i1 to i32
      %sign3A_596 = arith.constant 0 : i32
      %sign3A_597 = arith.cmpi slt, %add3A_569, %sign3A_596 : i32
      %sign3A_598 = arith.extui %sign3A_597 : i1 to i32
      %sign3A_599 = arith.subi %sign3A_595, %sign3A_598 : i32
      %sign3A_600 = arith.constant 0 : i32
      %sign3A_601 = arith.cmpi sgt, %jit3A_591, %sign3A_600 : i32
      %sign3A_602 = arith.extui %sign3A_601 : i1 to i32
      %sign3A_603 = arith.constant 0 : i32
      %sign3A_604 = arith.cmpi slt, %jit3A_591, %sign3A_603 : i32
      %sign3A_605 = arith.extui %sign3A_604 : i1 to i32
      %sign3A_606 = arith.subi %sign3A_602, %sign3A_605 : i32
      %ne3A_607 = arith.cmpi ne, %sign3A_599, %sign3A_606 : i32
      %rem3A_608 = arith.remsi %add3A_569, %jit3A_591 : i32
      %ne3A_609 = arith.constant 0 : i32
      %ne3A_610 = arith.cmpi ne, %rem3A_608, %ne3A_609 : i32
      %and3A_611 = arith.andi %ne3A_607, %ne3A_610 : i1
      %sub3A_612 = arith.constant 1 : i32
      %sub3A_613 = arith.subi %div3A_592, %sub3A_612 : i32
      %select_n3A_614 = arith.select %and3A_611, %sub3A_613, %div3A_592 : i32
      %jit3A_615 = arith.constant 4 : i32
      %eq3A_616 = arith.constant 0 : i32
      %eq3A_617 = arith.cmpi eq, %jit3A_615, %eq3A_616 : i32
      %jit3A_618 = arith.constant 1 : i32
      %select_n3A_619 = arith.select %eq3A_617, %jit3A_618, %jit3A_615 : i32
      %rem3A_620 = arith.remsi %add3A_569, %select_n3A_619 : i32
      %ne3A_621 = arith.constant 0 : i32
      %ne3A_622 = arith.cmpi ne, %rem3A_620, %ne3A_621 : i32
      %lt3A_623 = arith.constant 0 : i32
      %lt3A_624 = arith.cmpi slt, %rem3A_620, %lt3A_623 : i32
      %lt3A_625 = arith.constant 0 : i32
      %lt3A_626 = arith.cmpi slt, %select_n3A_619, %lt3A_625 : i32
      %ne3A_627 = arith.xori %lt3A_624, %lt3A_626 : i1
      %and3A_628 = arith.andi %ne3A_627, %ne3A_622 : i1
      %add3A_629 = arith.addi %rem3A_620, %select_n3A_619 : i32
      %select_n3A_630 = arith.select %and3A_628, %add3A_629, %rem3A_620 : i32
      %mul3A_631 = arith.constant 8192 : i32
      %mul3A_632 = arith.muli %select_n3A_630, %mul3A_631 : i32
      %add3A_633 = arith.addi %mul3A_632, %mul3A_2 : i32
      %mul3A_634 = arith.constant 16 : i32
      %mul3A_635 = arith.muli %select_n3A_614, %mul3A_634 : i32
      %add3A_636 = arith.addi %add3A_633, %mul3A_635 : i32
      %mul3A_637 = arith.constant 1024 : i32
      %mul3A_638 = arith.muli %add3A_636, %mul3A_637 : i32
      %dma_wait3A_639 = arith.constant 0 : i32
      %dma_wait3A_640 = tpu.memref_slice %arg2[%mul3A_638] : memref<33554432xf32, #tpu.memory_space<hbm>> -> memref<16384xf32, #tpu.memory_space<hbm>>
      %dma_wait3A_641 = tpu.memref_slice %arg12[%dma_wait3A_639] : memref<4x!tpu.dma_semaphore, #tpu.memory_space<semaphore_mem>> -> memref<1x!tpu.dma_semaphore, #tpu.memory_space<semaphore_mem>>
      %dma_wait3A_642 = tpu.memref_squeeze %dma_wait3A_641 : memref<1x!tpu.dma_semaphore, #tpu.memory_space<semaphore_mem>> -> memref<!tpu.dma_semaphore, #tpu.memory_space<semaphore_mem>>
      %dma_wait3A_643 = tpu.memref_slice %arg2[%mul3A_638] : memref<33554432xf32, #tpu.memory_space<hbm>> -> memref<16384xf32, #tpu.memory_space<hbm>>
      tpu.wait_dma2 semaphore(%dma_wait3A_642 : memref<!tpu.dma_semaphore, #tpu.memory_space<semaphore_mem>>) src(%dma_wait3A_643 : memref<16384xf32, #tpu.memory_space<hbm>>) dst(%arg7 : memref<16384xf32, #tpu.memory_space<vmem>>)
      %parallel_loop3A_644 = arith.constant 0 : i32
      %parallel_loop3A_645 = arith.constant 1024 : i32
      %parallel_loop3A_646 = arith.constant 1 : i32
      scf.for %parallel_loop3A_1061 = %parallel_loop3A_644 to %parallel_loop3A_645 step %parallel_loop3A_646  : i32 {
        %parallel_loop3A_1062 = arith.constant 16 : i32
        %parallel_loop3A_1063 = arith.muli %parallel_loop3A_1061, %parallel_loop3A_1062 : i32
        %parallel_loop3A_1064 = arith.index_cast %parallel_loop3A_1063 : i32 to index
        %parallel_loop3A_1065 = tpu.vector_load %arg7[%parallel_loop3A_1064] {strides = array<i32>} : memref<16384xf32, #tpu.memory_space<vmem>>, vector<16xf32>,
        %parallel_loop3A_1066 = vector.shape_cast %parallel_loop3A_1065 : vector<16xf32> to vector<16xf32>
        %parallel_loop3A_1067 = arith.index_cast %parallel_loop3A_1063 : i32 to index
        %parallel_loop3A_1068 = tpu.vector_load %arg6[%parallel_loop3A_1067] {strides = array<i32>} : memref<16384xf32, #tpu.memory_space<vmem>>, vector<16xf32>,
        %parallel_loop3A_1069 = vector.shape_cast %parallel_loop3A_1068 : vector<16xf32> to vector<16xf32>
        %parallel_loop3A_1070 = arith.addf %parallel_loop3A_1066, %parallel_loop3A_1069 : vector<16xf32>
        %parallel_loop3A_1071 = arith.index_cast %parallel_loop3A_1063 : i32 to index
        %parallel_loop3A_1072 = tpu.vector_load %arg7[%parallel_loop3A_1071] {strides = array<i32>} : memref<16384xf32, #tpu.memory_space<vmem>>, vector<16xf32>,
        %parallel_loop3A_1073 = vector.shape_cast %parallel_loop3A_1072 : vector<16xf32> to vector<16xf32>
        %parallel_loop3A_1074 = vector.shape_cast %parallel_loop3A_1070 : vector<16xf32> to vector<16xf32>
        tpu.vector_store %arg7[%parallel_loop3A_1071], %parallel_loop3A_1074 {strides = array<i32>} : memref<16384xf32, #tpu.memory_space<vmem>>, vector<16xf32>,
      } {sc.loop_unroll_factor = 8 : i64, sc.parallel_access}
      %jit3A_647 = arith.constant 4 : i32
      %div3A_648 = arith.divsi %add3A_569, %jit3A_647 : i32
      %sign3A_649 = arith.constant 0 : i32
      %sign3A_650 = arith.cmpi sgt, %add3A_569, %sign3A_649 : i32
      %sign3A_651 = arith.extui %sign3A_650 : i1 to i32
      %sign3A_652 = arith.constant 0 : i32
      %sign3A_653 = arith.cmpi slt, %add3A_569, %sign3A_652 : i32
      %sign3A_654 = arith.extui %sign3A_653 : i1 to i32
      %sign3A_655 = arith.subi %sign3A_651, %sign3A_654 : i32
      %sign3A_656 = arith.constant 0 : i32
      %sign3A_657 = arith.cmpi sgt, %jit3A_647, %sign3A_656 : i32
      %sign3A_658 = arith.extui %sign3A_657 : i1 to i32
      %sign3A_659 = arith.constant 0 : i32
      %sign3A_660 = arith.cmpi slt, %jit3A_647, %sign3A_659 : i32
      %sign3A_661 = arith.extui %sign3A_660 : i1 to i32
      %sign3A_662 = arith.subi %sign3A_658, %sign3A_661 : i32
      %ne3A_663 = arith.cmpi ne, %sign3A_655, %sign3A_662 : i32
      %rem3A_664 = arith.remsi %add3A_569, %jit3A_647 : i32
      %ne3A_665 = arith.constant 0 : i32
      %ne3A_666 = arith.cmpi ne, %rem3A_664, %ne3A_665 : i32
      %and3A_667 = arith.andi %ne3A_663, %ne3A_666 : i1
      %sub3A_668 = arith.constant 1 : i32
      %sub3A_669 = arith.subi %div3A_648, %sub3A_668 : i32
      %select_n3A_670 = arith.select %and3A_667, %sub3A_669, %div3A_648 : i32
      %jit3A_671 = arith.constant 4 : i32
      %eq3A_672 = arith.constant 0 : i32
      %eq3A_673 = arith.cmpi eq, %jit3A_671, %eq3A_672 : i32
      %jit3A_674 = arith.constant 1 : i32
      %select_n3A_675 = arith.select %eq3A_673, %jit3A_674, %jit3A_671 : i32
      %rem3A_676 = arith.remsi %add3A_569, %select_n3A_675 : i32
      %ne3A_677 = arith.constant 0 : i32
      %ne3A_678 = arith.cmpi ne, %rem3A_676, %ne3A_677 : i32
      %lt3A_679 = arith.constant 0 : i32
      %lt3A_680 = arith.cmpi slt, %rem3A_676, %lt3A_679 : i32
      %lt3A_681 = arith.constant 0 : i32
      %lt3A_682 = arith.cmpi slt, %select_n3A_675, %lt3A_681 : i32
      %ne3A_683 = arith.xori %lt3A_680, %lt3A_682 : i1
      %and3A_684 = arith.andi %ne3A_683, %ne3A_678 : i1
      %add3A_685 = arith.addi %rem3A_676, %select_n3A_675 : i32
      %select_n3A_686 = arith.select %and3A_684, %add3A_685, %rem3A_676 : i32
      %mul3A_687 = arith.constant 8192 : i32
      %mul3A_688 = arith.muli %select_n3A_686, %mul3A_687 : i32
      %add3A_689 = arith.addi %mul3A_688, %mul3A_2 : i32
      %mul3A_690 = arith.constant 16 : i32
      %mul3A_691 = arith.muli %select_n3A_670, %mul3A_690 : i32
      %add3A_692 = arith.addi %add3A_689, %mul3A_691 : i32
      %mul3A_693 = arith.constant 1024 : i32
      %mul3A_694 = arith.muli %add3A_692, %mul3A_693 : i32
      %dma_start3A_695 = arith.constant 0 : i32
      %dma_start3A_696 = tpu.memref_slice %arg4[%mul3A_694] : memref<33554432xf32, #tpu.memory_space<hbm>> -> memref<16384xf32, #tpu.memory_space<hbm>>
      %dma_start3A_697 = tpu.memref_slice %arg13[%dma_start3A_695] : memref<4x!tpu.dma_semaphore, #tpu.memory_space<semaphore_mem>> -> memref<1x!tpu.dma_semaphore, #tpu.memory_space<semaphore_mem>>
      %dma_start3A_698 = tpu.memref_squeeze %dma_start3A_697 : memref<1x!tpu.dma_semaphore, #tpu.memory_space<semaphore_mem>> -> memref<!tpu.dma_semaphore, #tpu.memory_space<semaphore_mem>>
      %dma_start3A_699 = tpu.memref_slice %arg4[%mul3A_694] : memref<33554432xf32, #tpu.memory_space<hbm>> -> memref<16384xf32, #tpu.memory_space<hbm>>
      tpu.enqueue_dma source(%arg7 : memref<16384xf32, #tpu.memory_space<vmem>>) target(%dma_start3A_699 : memref<16384xf32, #tpu.memory_space<hbm>>) target_semaphore(%dma_start3A_698 : memref<!tpu.dma_semaphore, #tpu.memory_space<semaphore_mem>>)
      %add3A_700 = arith.constant 2 : i32
      %add3A_701 = arith.addi %add3A_569, %add3A_700 : i32
      %lt3A_702 = arith.constant 64 : i32
      %lt3A_703 = arith.cmpi slt, %add3A_701, %lt3A_702 : i32
      %convert_element_type3A_704 = arith.extui %lt3A_703 : i1 to i32
      %cond3A_705 = arith.constant 0 : i32
      %cond3A_706 = arith.cmpi ne, %convert_element_type3A_704, %cond3A_705 : i32
      scf.if %cond3A_706 {
        %ge3A = arith.constant 2 : i32
        %ge3A_1061 = arith.cmpi sge, %add3A_569, %ge3A : i32
        %convert_element_type3A_1062 = arith.extui %ge3A_1061 : i1 to i32
        %cond3A_1063 = arith.constant 0 : i32
        %cond3A_1064 = arith.cmpi ne, %convert_element_type3A_1062, %cond3A_1063 : i32
        scf.if %cond3A_1064 {
          %sub3A_1118 = arith.constant 2 : i32
          %sub3A_1119 = arith.subi %add3A_569, %sub3A_1118 : i32
          %jit3A_1120 = arith.constant 4 : i32
          %div3A_1121 = arith.divsi %sub3A_1119, %jit3A_1120 : i32
          %sign3A_1122 = arith.constant 0 : i32
          %sign3A_1123 = arith.cmpi sgt, %sub3A_1119, %sign3A_1122 : i32
          %sign3A_1124 = arith.extui %sign3A_1123 : i1 to i32
          %sign3A_1125 = arith.constant 0 : i32
          %sign3A_1126 = arith.cmpi slt, %sub3A_1119, %sign3A_1125 : i32
          %sign3A_1127 = arith.extui %sign3A_1126 : i1 to i32
          %sign3A_1128 = arith.subi %sign3A_1124, %sign3A_1127 : i32
          %sign3A_1129 = arith.constant 0 : i32
          %sign3A_1130 = arith.cmpi sgt, %jit3A_1120, %sign3A_1129 : i32
          %sign3A_1131 = arith.extui %sign3A_1130 : i1 to i32
          %sign3A_1132 = arith.constant 0 : i32
          %sign3A_1133 = arith.cmpi slt, %jit3A_1120, %sign3A_1132 : i32
          %sign3A_1134 = arith.extui %sign3A_1133 : i1 to i32
          %sign3A_1135 = arith.subi %sign3A_1131, %sign3A_1134 : i32
          %ne3A_1136 = arith.cmpi ne, %sign3A_1128, %sign3A_1135 : i32
          %rem3A_1137 = arith.remsi %sub3A_1119, %jit3A_1120 : i32
          %ne3A_1138 = arith.constant 0 : i32
          %ne3A_1139 = arith.cmpi ne, %rem3A_1137, %ne3A_1138 : i32
          %and3A_1140 = arith.andi %ne3A_1136, %ne3A_1139 : i1
          %sub3A_1141 = arith.constant 1 : i32
          %sub3A_1142 = arith.subi %div3A_1121, %sub3A_1141 : i32
          %select_n3A_1143 = arith.select %and3A_1140, %sub3A_1142, %div3A_1121 : i32
          %jit3A_1144 = arith.constant 4 : i32
          %eq3A_1145 = arith.constant 0 : i32
          %eq3A_1146 = arith.cmpi eq, %jit3A_1144, %eq3A_1145 : i32
          %jit3A_1147 = arith.constant 1 : i32
          %select_n3A_1148 = arith.select %eq3A_1146, %jit3A_1147, %jit3A_1144 : i32
          %rem3A_1149 = arith.remsi %sub3A_1119, %select_n3A_1148 : i32
          %ne3A_1150 = arith.constant 0 : i32
          %ne3A_1151 = arith.cmpi ne, %rem3A_1149, %ne3A_1150 : i32
          %lt3A_1152 = arith.constant 0 : i32
          %lt3A_1153 = arith.cmpi slt, %rem3A_1149, %lt3A_1152 : i32
          %lt3A_1154 = arith.constant 0 : i32
          %lt3A_1155 = arith.cmpi slt, %select_n3A_1148, %lt3A_1154 : i32
          %ne3A_1156 = arith.xori %lt3A_1153, %lt3A_1155 : i1
          %and3A_1157 = arith.andi %ne3A_1156, %ne3A_1151 : i1
          %add3A_1158 = arith.addi %rem3A_1149, %select_n3A_1148 : i32
          %select_n3A_1159 = arith.select %and3A_1157, %add3A_1158, %rem3A_1149 : i32
          %mul3A_1160 = arith.constant 8192 : i32
          %mul3A_1161 = arith.muli %select_n3A_1159, %mul3A_1160 : i32
          %add3A_1162 = arith.addi %mul3A_1161, %mul3A_2 : i32
          %mul3A_1163 = arith.constant 16 : i32
          %mul3A_1164 = arith.muli %select_n3A_1143, %mul3A_1163 : i32
          %add3A_1165 = arith.addi %add3A_1162, %mul3A_1164 : i32
          %mul3A_1166 = arith.constant 1024 : i32
          %mul3A_1167 = arith.muli %add3A_1165, %mul3A_1166 : i32
          %dma_wait3A_1168 = arith.constant 2 : i32
          %dma_wait3A_1169 = tpu.memref_slice %arg4[%mul3A_1167] : memref<33554432xf32, #tpu.memory_space<hbm>> -> memref<16384xf32, #tpu.memory_space<hbm>>
          %dma_wait3A_1170 = tpu.memref_slice %arg13[%dma_wait3A_1168] : memref<4x!tpu.dma_semaphore, #tpu.memory_space<semaphore_mem>> -> memref<1x!tpu.dma_semaphore, #tpu.memory_space<semaphore_mem>>
          %dma_wait3A_1171 = tpu.memref_squeeze %dma_wait3A_1170 : memref<1x!tpu.dma_semaphore, #tpu.memory_space<semaphore_mem>> -> memref<!tpu.dma_semaphore, #tpu.memory_space<semaphore_mem>>
          %dma_wait3A_1172 = tpu.memref_slice %arg4[%mul3A_1167] : memref<33554432xf32, #tpu.memory_space<hbm>> -> memref<16384xf32, #tpu.memory_space<hbm>>
          tpu.wait_dma2 semaphore(%dma_wait3A_1171 : memref<!tpu.dma_semaphore, #tpu.memory_space<semaphore_mem>>) src(%arg9 : memref<16384xf32, #tpu.memory_space<vmem>>) dst(%dma_wait3A_1172 : memref<16384xf32, #tpu.memory_space<hbm>>)
        } else {
        }
        %jit3A_1065 = arith.constant 4 : i32
        %div3A_1066 = arith.divsi %add3A_701, %jit3A_1065 : i32
        %sign3A_1067 = arith.constant 0 : i32
        %sign3A_1068 = arith.cmpi sgt, %add3A_701, %sign3A_1067 : i32
        %sign3A_1069 = arith.extui %sign3A_1068 : i1 to i32
        %sign3A_1070 = arith.constant 0 : i32
        %sign3A_1071 = arith.cmpi slt, %add3A_701, %sign3A_1070 : i32
        %sign3A_1072 = arith.extui %sign3A_1071 : i1 to i32
        %sign3A_1073 = arith.subi %sign3A_1069, %sign3A_1072 : i32
        %sign3A_1074 = arith.constant 0 : i32
        %sign3A_1075 = arith.cmpi sgt, %jit3A_1065, %sign3A_1074 : i32
        %sign3A_1076 = arith.extui %sign3A_1075 : i1 to i32
        %sign3A_1077 = arith.constant 0 : i32
        %sign3A_1078 = arith.cmpi slt, %jit3A_1065, %sign3A_1077 : i32
        %sign3A_1079 = arith.extui %sign3A_1078 : i1 to i32
        %sign3A_1080 = arith.subi %sign3A_1076, %sign3A_1079 : i32
        %ne3A_1081 = arith.cmpi ne, %sign3A_1073, %sign3A_1080 : i32
        %rem3A_1082 = arith.remsi %add3A_701, %jit3A_1065 : i32
        %ne3A_1083 = arith.constant 0 : i32
        %ne3A_1084 = arith.cmpi ne, %rem3A_1082, %ne3A_1083 : i32
        %and3A_1085 = arith.andi %ne3A_1081, %ne3A_1084 : i1
        %sub3A_1086 = arith.constant 1 : i32
        %sub3A_1087 = arith.subi %div3A_1066, %sub3A_1086 : i32
        %select_n3A_1088 = arith.select %and3A_1085, %sub3A_1087, %div3A_1066 : i32
        %jit3A_1089 = arith.constant 4 : i32
        %eq3A_1090 = arith.constant 0 : i32
        %eq3A_1091 = arith.cmpi eq, %jit3A_1089, %eq3A_1090 : i32
        %jit3A_1092 = arith.constant 1 : i32
        %select_n3A_1093 = arith.select %eq3A_1091, %jit3A_1092, %jit3A_1089 : i32
        %rem3A_1094 = arith.remsi %add3A_701, %select_n3A_1093 : i32
        %ne3A_1095 = arith.constant 0 : i32
        %ne3A_1096 = arith.cmpi ne, %rem3A_1094, %ne3A_1095 : i32
        %lt3A_1097 = arith.constant 0 : i32
        %lt3A_1098 = arith.cmpi slt, %rem3A_1094, %lt3A_1097 : i32
        %lt3A_1099 = arith.constant 0 : i32
        %lt3A_1100 = arith.cmpi slt, %select_n3A_1093, %lt3A_1099 : i32
        %ne3A_1101 = arith.xori %lt3A_1098, %lt3A_1100 : i1
        %and3A_1102 = arith.andi %ne3A_1101, %ne3A_1096 : i1
        %add3A_1103 = arith.addi %rem3A_1094, %select_n3A_1093 : i32
        %select_n3A_1104 = arith.select %and3A_1102, %add3A_1103, %rem3A_1094 : i32
        %mul3A_1105 = arith.constant 8192 : i32
        %mul3A_1106 = arith.muli %select_n3A_1104, %mul3A_1105 : i32
        %add3A_1107 = arith.addi %mul3A_1106, %mul3A_2 : i32
        %mul3A_1108 = arith.constant 16 : i32
        %mul3A_1109 = arith.muli %select_n3A_1088, %mul3A_1108 : i32
        %add3A_1110 = arith.addi %add3A_1107, %mul3A_1109 : i32
        %mul3A_1111 = arith.constant 1024 : i32
        %mul3A_1112 = arith.muli %add3A_1110, %mul3A_1111 : i32
        %dma_start3A_1113 = arith.constant 2 : i32
        %dma_start3A_1114 = tpu.memref_slice %arg2[%mul3A_1112] : memref<33554432xf32, #tpu.memory_space<hbm>> -> memref<16384xf32, #tpu.memory_space<hbm>>
        %dma_start3A_1115 = tpu.memref_slice %arg12[%dma_start3A_1113] : memref<4x!tpu.dma_semaphore, #tpu.memory_space<semaphore_mem>> -> memref<1x!tpu.dma_semaphore, #tpu.memory_space<semaphore_mem>>
        %dma_start3A_1116 = tpu.memref_squeeze %dma_start3A_1115 : memref<1x!tpu.dma_semaphore, #tpu.memory_space<semaphore_mem>> -> memref<!tpu.dma_semaphore, #tpu.memory_space<semaphore_mem>>
        %dma_start3A_1117 = tpu.memref_slice %arg2[%mul3A_1112] : memref<33554432xf32, #tpu.memory_space<hbm>> -> memref<16384xf32, #tpu.memory_space<hbm>>
        tpu.enqueue_dma source(%dma_start3A_1117 : memref<16384xf32, #tpu.memory_space<hbm>>) target(%arg9 : memref<16384xf32, #tpu.memory_space<vmem>>) target_semaphore(%dma_start3A_1116 : memref<!tpu.dma_semaphore, #tpu.memory_space<semaphore_mem>>)
      } else {
      }
      %add3A_707 = arith.constant 5 : i32
      %add3A_708 = arith.addi %mul3A_82, %add3A_707 : i32
      %jit3A_709 = arith.constant 4 : i32
      %div3A_710 = arith.divsi %add3A_708, %jit3A_709 : i32
      %sign3A_711 = arith.constant 0 : i32
      %sign3A_712 = arith.cmpi sgt, %add3A_708, %sign3A_711 : i32
      %sign3A_713 = arith.extui %sign3A_712 : i1 to i32
      %sign3A_714 = arith.constant 0 : i32
      %sign3A_715 = arith.cmpi slt, %add3A_708, %sign3A_714 : i32
      %sign3A_716 = arith.extui %sign3A_715 : i1 to i32
      %sign3A_717 = arith.subi %sign3A_713, %sign3A_716 : i32
      %sign3A_718 = arith.constant 0 : i32
      %sign3A_719 = arith.cmpi sgt, %jit3A_709, %sign3A_718 : i32
      %sign3A_720 = arith.extui %sign3A_719 : i1 to i32
      %sign3A_721 = arith.constant 0 : i32
      %sign3A_722 = arith.cmpi slt, %jit3A_709, %sign3A_721 : i32
      %sign3A_723 = arith.extui %sign3A_722 : i1 to i32
      %sign3A_724 = arith.subi %sign3A_720, %sign3A_723 : i32
      %ne3A_725 = arith.cmpi ne, %sign3A_717, %sign3A_724 : i32
      %rem3A_726 = arith.remsi %add3A_708, %jit3A_709 : i32
      %ne3A_727 = arith.constant 0 : i32
      %ne3A_728 = arith.cmpi ne, %rem3A_726, %ne3A_727 : i32
      %and3A_729 = arith.andi %ne3A_725, %ne3A_728 : i1
      %sub3A_730 = arith.constant 1 : i32
      %sub3A_731 = arith.subi %div3A_710, %sub3A_730 : i32
      %select_n3A_732 = arith.select %and3A_729, %sub3A_731, %div3A_710 : i32
      %jit3A_733 = arith.constant 4 : i32
      %eq3A_734 = arith.constant 0 : i32
      %eq3A_735 = arith.cmpi eq, %jit3A_733, %eq3A_734 : i32
      %jit3A_736 = arith.constant 1 : i32
      %select_n3A_737 = arith.select %eq3A_735, %jit3A_736, %jit3A_733 : i32
      %rem3A_738 = arith.remsi %add3A_708, %select_n3A_737 : i32
      %ne3A_739 = arith.constant 0 : i32
      %ne3A_740 = arith.cmpi ne, %rem3A_738, %ne3A_739 : i32
      %lt3A_741 = arith.constant 0 : i32
      %lt3A_742 = arith.cmpi slt, %rem3A_738, %lt3A_741 : i32
      %lt3A_743 = arith.constant 0 : i32
      %lt3A_744 = arith.cmpi slt, %select_n3A_737, %lt3A_743 : i32
      %ne3A_745 = arith.xori %lt3A_742, %lt3A_744 : i1
      %and3A_746 = arith.andi %ne3A_745, %ne3A_740 : i1
      %add3A_747 = arith.addi %rem3A_738, %select_n3A_737 : i32
      %select_n3A_748 = arith.select %and3A_746, %add3A_747, %rem3A_738 : i32
      %mul3A_749 = arith.constant 8192 : i32
      %mul3A_750 = arith.muli %select_n3A_748, %mul3A_749 : i32
      %add3A_751 = arith.addi %mul3A_750, %mul3A_2 : i32
      %mul3A_752 = arith.constant 16 : i32
      %mul3A_753 = arith.muli %select_n3A_732, %mul3A_752 : i32
      %add3A_754 = arith.addi %add3A_751, %mul3A_753 : i32
      %mul3A_755 = arith.constant 1024 : i32
      %mul3A_756 = arith.muli %add3A_754, %mul3A_755 : i32
      %dma_wait3A_757 = arith.constant 1 : i32
      %dma_wait3A_758 = tpu.memref_slice %arg2[%mul3A_756] : memref<33554432xf32, #tpu.memory_space<hbm>> -> memref<16384xf32, #tpu.memory_space<hbm>>
      %dma_wait3A_759 = tpu.memref_slice %arg12[%dma_wait3A_757] : memref<4x!tpu.dma_semaphore, #tpu.memory_space<semaphore_mem>> -> memref<1x!tpu.dma_semaphore, #tpu.memory_space<semaphore_mem>>
      %dma_wait3A_760 = tpu.memref_squeeze %dma_wait3A_759 : memref<1x!tpu.dma_semaphore, #tpu.memory_space<semaphore_mem>> -> memref<!tpu.dma_semaphore, #tpu.memory_space<semaphore_mem>>
      %dma_wait3A_761 = tpu.memref_slice %arg2[%mul3A_756] : memref<33554432xf32, #tpu.memory_space<hbm>> -> memref<16384xf32, #tpu.memory_space<hbm>>
      tpu.wait_dma2 semaphore(%dma_wait3A_760 : memref<!tpu.dma_semaphore, #tpu.memory_space<semaphore_mem>>) src(%dma_wait3A_761 : memref<16384xf32, #tpu.memory_space<hbm>>) dst(%arg8 : memref<16384xf32, #tpu.memory_space<vmem>>)
      %parallel_loop3A_762 = arith.constant 0 : i32
      %parallel_loop3A_763 = arith.constant 1024 : i32
      %parallel_loop3A_764 = arith.constant 1 : i32
      scf.for %parallel_loop3A_1061 = %parallel_loop3A_762 to %parallel_loop3A_763 step %parallel_loop3A_764  : i32 {
        %parallel_loop3A_1062 = arith.constant 16 : i32
        %parallel_loop3A_1063 = arith.muli %parallel_loop3A_1061, %parallel_loop3A_1062 : i32
        %parallel_loop3A_1064 = arith.index_cast %parallel_loop3A_1063 : i32 to index
        %parallel_loop3A_1065 = tpu.vector_load %arg8[%parallel_loop3A_1064] {strides = array<i32>} : memref<16384xf32, #tpu.memory_space<vmem>>, vector<16xf32>,
        %parallel_loop3A_1066 = vector.shape_cast %parallel_loop3A_1065 : vector<16xf32> to vector<16xf32>
        %parallel_loop3A_1067 = arith.index_cast %parallel_loop3A_1063 : i32 to index
        %parallel_loop3A_1068 = tpu.vector_load %arg6[%parallel_loop3A_1067] {strides = array<i32>} : memref<16384xf32, #tpu.memory_space<vmem>>, vector<16xf32>,
        %parallel_loop3A_1069 = vector.shape_cast %parallel_loop3A_1068 : vector<16xf32> to vector<16xf32>
        %parallel_loop3A_1070 = arith.addf %parallel_loop3A_1066, %parallel_loop3A_1069 : vector<16xf32>
        %parallel_loop3A_1071 = arith.index_cast %parallel_loop3A_1063 : i32 to index
        %parallel_loop3A_1072 = tpu.vector_load %arg8[%parallel_loop3A_1071] {strides = array<i32>} : memref<16384xf32, #tpu.memory_space<vmem>>, vector<16xf32>,
        %parallel_loop3A_1073 = vector.shape_cast %parallel_loop3A_1072 : vector<16xf32> to vector<16xf32>
        %parallel_loop3A_1074 = vector.shape_cast %parallel_loop3A_1070 : vector<16xf32> to vector<16xf32>
        tpu.vector_store %arg8[%parallel_loop3A_1071], %parallel_loop3A_1074 {strides = array<i32>} : memref<16384xf32, #tpu.memory_space<vmem>>, vector<16xf32>,
      } {sc.loop_unroll_factor = 8 : i64, sc.parallel_access}
      %jit3A_765 = arith.constant 4 : i32
      %div3A_766 = arith.divsi %add3A_708, %jit3A_765 : i32
      %sign3A_767 = arith.constant 0 : i32
      %sign3A_768 = arith.cmpi sgt, %add3A_708, %sign3A_767 : i32
      %sign3A_769 = arith.extui %sign3A_768 : i1 to i32
      %sign3A_770 = arith.constant 0 : i32
      %sign3A_771 = arith.cmpi slt, %add3A_708, %sign3A_770 : i32
      %sign3A_772 = arith.extui %sign3A_771 : i1 to i32
      %sign3A_773 = arith.subi %sign3A_769, %sign3A_772 : i32
      %sign3A_774 = arith.constant 0 : i32
      %sign3A_775 = arith.cmpi sgt, %jit3A_765, %sign3A_774 : i32
      %sign3A_776 = arith.extui %sign3A_775 : i1 to i32
      %sign3A_777 = arith.constant 0 : i32
      %sign3A_778 = arith.cmpi slt, %jit3A_765, %sign3A_777 : i32
      %sign3A_779 = arith.extui %sign3A_778 : i1 to i32
      %sign3A_780 = arith.subi %sign3A_776, %sign3A_779 : i32
      %ne3A_781 = arith.cmpi ne, %sign3A_773, %sign3A_780 : i32
      %rem3A_782 = arith.remsi %add3A_708, %jit3A_765 : i32
      %ne3A_783 = arith.constant 0 : i32
      %ne3A_784 = arith.cmpi ne, %rem3A_782, %ne3A_783 : i32
      %and3A_785 = arith.andi %ne3A_781, %ne3A_784 : i1
      %sub3A_786 = arith.constant 1 : i32
      %sub3A_787 = arith.subi %div3A_766, %sub3A_786 : i32
      %select_n3A_788 = arith.select %and3A_785, %sub3A_787, %div3A_766 : i32
      %jit3A_789 = arith.constant 4 : i32
      %eq3A_790 = arith.constant 0 : i32
      %eq3A_791 = arith.cmpi eq, %jit3A_789, %eq3A_790 : i32
      %jit3A_792 = arith.constant 1 : i32
      %select_n3A_793 = arith.select %eq3A_791, %jit3A_792, %jit3A_789 : i32
      %rem3A_794 = arith.remsi %add3A_708, %select_n3A_793 : i32
      %ne3A_795 = arith.constant 0 : i32
      %ne3A_796 = arith.cmpi ne, %rem3A_794, %ne3A_795 : i32
      %lt3A_797 = arith.constant 0 : i32
      %lt3A_798 = arith.cmpi slt, %rem3A_794, %lt3A_797 : i32
      %lt3A_799 = arith.constant 0 : i32
      %lt3A_800 = arith.cmpi slt, %select_n3A_793, %lt3A_799 : i32
      %ne3A_801 = arith.xori %lt3A_798, %lt3A_800 : i1
      %and3A_802 = arith.andi %ne3A_801, %ne3A_796 : i1
      %add3A_803 = arith.addi %rem3A_794, %select_n3A_793 : i32
      %select_n3A_804 = arith.select %and3A_802, %add3A_803, %rem3A_794 : i32
      %mul3A_805 = arith.constant 8192 : i32
      %mul3A_806 = arith.muli %select_n3A_804, %mul3A_805 : i32
      %add3A_807 = arith.addi %mul3A_806, %mul3A_2 : i32
      %mul3A_808 = arith.constant 16 : i32
      %mul3A_809 = arith.muli %select_n3A_788, %mul3A_808 : i32
      %add3A_810 = arith.addi %add3A_807, %mul3A_809 : i32
      %mul3A_811 = arith.constant 1024 : i32
      %mul3A_812 = arith.muli %add3A_810, %mul3A_811 : i32
      %dma_start3A_813 = arith.constant 1 : i32
      %dma_start3A_814 = tpu.memref_slice %arg4[%mul3A_812] : memref<33554432xf32, #tpu.memory_space<hbm>> -> memref<16384xf32, #tpu.memory_space<hbm>>
      %dma_start3A_815 = tpu.memref_slice %arg13[%dma_start3A_813] : memref<4x!tpu.dma_semaphore, #tpu.memory_space<semaphore_mem>> -> memref<1x!tpu.dma_semaphore, #tpu.memory_space<semaphore_mem>>
      %dma_start3A_816 = tpu.memref_squeeze %dma_start3A_815 : memref<1x!tpu.dma_semaphore, #tpu.memory_space<semaphore_mem>> -> memref<!tpu.dma_semaphore, #tpu.memory_space<semaphore_mem>>
      %dma_start3A_817 = tpu.memref_slice %arg4[%mul3A_812] : memref<33554432xf32, #tpu.memory_space<hbm>> -> memref<16384xf32, #tpu.memory_space<hbm>>
      tpu.enqueue_dma source(%arg8 : memref<16384xf32, #tpu.memory_space<vmem>>) target(%dma_start3A_817 : memref<16384xf32, #tpu.memory_space<hbm>>) target_semaphore(%dma_start3A_816 : memref<!tpu.dma_semaphore, #tpu.memory_space<semaphore_mem>>)
      %add3A_818 = arith.constant 2 : i32
      %add3A_819 = arith.addi %add3A_708, %add3A_818 : i32
      %lt3A_820 = arith.constant 64 : i32
      %lt3A_821 = arith.cmpi slt, %add3A_819, %lt3A_820 : i32
      %convert_element_type3A_822 = arith.extui %lt3A_821 : i1 to i32
      %cond3A_823 = arith.constant 0 : i32
      %cond3A_824 = arith.cmpi ne, %convert_element_type3A_822, %cond3A_823 : i32
      scf.if %cond3A_824 {
        %ge3A = arith.constant 2 : i32
        %ge3A_1061 = arith.cmpi sge, %add3A_708, %ge3A : i32
        %convert_element_type3A_1062 = arith.extui %ge3A_1061 : i1 to i32
        %cond3A_1063 = arith.constant 0 : i32
        %cond3A_1064 = arith.cmpi ne, %convert_element_type3A_1062, %cond3A_1063 : i32
        scf.if %cond3A_1064 {
          %sub3A_1118 = arith.constant 2 : i32
          %sub3A_1119 = arith.subi %add3A_708, %sub3A_1118 : i32
          %jit3A_1120 = arith.constant 4 : i32
          %div3A_1121 = arith.divsi %sub3A_1119, %jit3A_1120 : i32
          %sign3A_1122 = arith.constant 0 : i32
          %sign3A_1123 = arith.cmpi sgt, %sub3A_1119, %sign3A_1122 : i32
          %sign3A_1124 = arith.extui %sign3A_1123 : i1 to i32
          %sign3A_1125 = arith.constant 0 : i32
          %sign3A_1126 = arith.cmpi slt, %sub3A_1119, %sign3A_1125 : i32
          %sign3A_1127 = arith.extui %sign3A_1126 : i1 to i32
          %sign3A_1128 = arith.subi %sign3A_1124, %sign3A_1127 : i32
          %sign3A_1129 = arith.constant 0 : i32
          %sign3A_1130 = arith.cmpi sgt, %jit3A_1120, %sign3A_1129 : i32
          %sign3A_1131 = arith.extui %sign3A_1130 : i1 to i32
          %sign3A_1132 = arith.constant 0 : i32
          %sign3A_1133 = arith.cmpi slt, %jit3A_1120, %sign3A_1132 : i32
          %sign3A_1134 = arith.extui %sign3A_1133 : i1 to i32
          %sign3A_1135 = arith.subi %sign3A_1131, %sign3A_1134 : i32
          %ne3A_1136 = arith.cmpi ne, %sign3A_1128, %sign3A_1135 : i32
          %rem3A_1137 = arith.remsi %sub3A_1119, %jit3A_1120 : i32
          %ne3A_1138 = arith.constant 0 : i32
          %ne3A_1139 = arith.cmpi ne, %rem3A_1137, %ne3A_1138 : i32
          %and3A_1140 = arith.andi %ne3A_1136, %ne3A_1139 : i1
          %sub3A_1141 = arith.constant 1 : i32
          %sub3A_1142 = arith.subi %div3A_1121, %sub3A_1141 : i32
          %select_n3A_1143 = arith.select %and3A_1140, %sub3A_1142, %div3A_1121 : i32
          %jit3A_1144 = arith.constant 4 : i32
          %eq3A_1145 = arith.constant 0 : i32
          %eq3A_1146 = arith.cmpi eq, %jit3A_1144, %eq3A_1145 : i32
          %jit3A_1147 = arith.constant 1 : i32
          %select_n3A_1148 = arith.select %eq3A_1146, %jit3A_1147, %jit3A_1144 : i32
          %rem3A_1149 = arith.remsi %sub3A_1119, %select_n3A_1148 : i32
          %ne3A_1150 = arith.constant 0 : i32
          %ne3A_1151 = arith.cmpi ne, %rem3A_1149, %ne3A_1150 : i32
          %lt3A_1152 = arith.constant 0 : i32
          %lt3A_1153 = arith.cmpi slt, %rem3A_1149, %lt3A_1152 : i32
          %lt3A_1154 = arith.constant 0 : i32
          %lt3A_1155 = arith.cmpi slt, %select_n3A_1148, %lt3A_1154 : i32
          %ne3A_1156 = arith.xori %lt3A_1153, %lt3A_1155 : i1
          %and3A_1157 = arith.andi %ne3A_1156, %ne3A_1151 : i1
          %add3A_1158 = arith.addi %rem3A_1149, %select_n3A_1148 : i32
          %select_n3A_1159 = arith.select %and3A_1157, %add3A_1158, %rem3A_1149 : i32
          %mul3A_1160 = arith.constant 8192 : i32
          %mul3A_1161 = arith.muli %select_n3A_1159, %mul3A_1160 : i32
          %add3A_1162 = arith.addi %mul3A_1161, %mul3A_2 : i32
          %mul3A_1163 = arith.constant 16 : i32
          %mul3A_1164 = arith.muli %select_n3A_1143, %mul3A_1163 : i32
          %add3A_1165 = arith.addi %add3A_1162, %mul3A_1164 : i32
          %mul3A_1166 = arith.constant 1024 : i32
          %mul3A_1167 = arith.muli %add3A_1165, %mul3A_1166 : i32
          %dma_wait3A_1168 = arith.constant 3 : i32
          %dma_wait3A_1169 = tpu.memref_slice %arg4[%mul3A_1167] : memref<33554432xf32, #tpu.memory_space<hbm>> -> memref<16384xf32, #tpu.memory_space<hbm>>
          %dma_wait3A_1170 = tpu.memref_slice %arg13[%dma_wait3A_1168] : memref<4x!tpu.dma_semaphore, #tpu.memory_space<semaphore_mem>> -> memref<1x!tpu.dma_semaphore, #tpu.memory_space<semaphore_mem>>
          %dma_wait3A_1171 = tpu.memref_squeeze %dma_wait3A_1170 : memref<1x!tpu.dma_semaphore, #tpu.memory_space<semaphore_mem>> -> memref<!tpu.dma_semaphore, #tpu.memory_space<semaphore_mem>>
          %dma_wait3A_1172 = tpu.memref_slice %arg4[%mul3A_1167] : memref<33554432xf32, #tpu.memory_space<hbm>> -> memref<16384xf32, #tpu.memory_space<hbm>>
          tpu.wait_dma2 semaphore(%dma_wait3A_1171 : memref<!tpu.dma_semaphore, #tpu.memory_space<semaphore_mem>>) src(%arg10 : memref<16384xf32, #tpu.memory_space<vmem>>) dst(%dma_wait3A_1172 : memref<16384xf32, #tpu.memory_space<hbm>>)
        } else {
        }
        %jit3A_1065 = arith.constant 4 : i32
        %div3A_1066 = arith.divsi %add3A_819, %jit3A_1065 : i32
        %sign3A_1067 = arith.constant 0 : i32
        %sign3A_1068 = arith.cmpi sgt, %add3A_819, %sign3A_1067 : i32
        %sign3A_1069 = arith.extui %sign3A_1068 : i1 to i32
        %sign3A_1070 = arith.constant 0 : i32
        %sign3A_1071 = arith.cmpi slt, %add3A_819, %sign3A_1070 : i32
        %sign3A_1072 = arith.extui %sign3A_1071 : i1 to i32
        %sign3A_1073 = arith.subi %sign3A_1069, %sign3A_1072 : i32
        %sign3A_1074 = arith.constant 0 : i32
        %sign3A_1075 = arith.cmpi sgt, %jit3A_1065, %sign3A_1074 : i32
        %sign3A_1076 = arith.extui %sign3A_1075 : i1 to i32
        %sign3A_1077 = arith.constant 0 : i32
        %sign3A_1078 = arith.cmpi slt, %jit3A_1065, %sign3A_1077 : i32
        %sign3A_1079 = arith.extui %sign3A_1078 : i1 to i32
        %sign3A_1080 = arith.subi %sign3A_1076, %sign3A_1079 : i32
        %ne3A_1081 = arith.cmpi ne, %sign3A_1073, %sign3A_1080 : i32
        %rem3A_1082 = arith.remsi %add3A_819, %jit3A_1065 : i32
        %ne3A_1083 = arith.constant 0 : i32
        %ne3A_1084 = arith.cmpi ne, %rem3A_1082, %ne3A_1083 : i32
        %and3A_1085 = arith.andi %ne3A_1081, %ne3A_1084 : i1
        %sub3A_1086 = arith.constant 1 : i32
        %sub3A_1087 = arith.subi %div3A_1066, %sub3A_1086 : i32
        %select_n3A_1088 = arith.select %and3A_1085, %sub3A_1087, %div3A_1066 : i32
        %jit3A_1089 = arith.constant 4 : i32
        %eq3A_1090 = arith.constant 0 : i32
        %eq3A_1091 = arith.cmpi eq, %jit3A_1089, %eq3A_1090 : i32
        %jit3A_1092 = arith.constant 1 : i32
        %select_n3A_1093 = arith.select %eq3A_1091, %jit3A_1092, %jit3A_1089 : i32
        %rem3A_1094 = arith.remsi %add3A_819, %select_n3A_1093 : i32
        %ne3A_1095 = arith.constant 0 : i32
        %ne3A_1096 = arith.cmpi ne, %rem3A_1094, %ne3A_1095 : i32
        %lt3A_1097 = arith.constant 0 : i32
        %lt3A_1098 = arith.cmpi slt, %rem3A_1094, %lt3A_1097 : i32
        %lt3A_1099 = arith.constant 0 : i32
        %lt3A_1100 = arith.cmpi slt, %select_n3A_1093, %lt3A_1099 : i32
        %ne3A_1101 = arith.xori %lt3A_1098, %lt3A_1100 : i1
        %and3A_1102 = arith.andi %ne3A_1101, %ne3A_1096 : i1
        %add3A_1103 = arith.addi %rem3A_1094, %select_n3A_1093 : i32
        %select_n3A_1104 = arith.select %and3A_1102, %add3A_1103, %rem3A_1094 : i32
        %mul3A_1105 = arith.constant 8192 : i32
        %mul3A_1106 = arith.muli %select_n3A_1104, %mul3A_1105 : i32
        %add3A_1107 = arith.addi %mul3A_1106, %mul3A_2 : i32
        %mul3A_1108 = arith.constant 16 : i32
        %mul3A_1109 = arith.muli %select_n3A_1088, %mul3A_1108 : i32
        %add3A_1110 = arith.addi %add3A_1107, %mul3A_1109 : i32
        %mul3A_1111 = arith.constant 1024 : i32
        %mul3A_1112 = arith.muli %add3A_1110, %mul3A_1111 : i32
        %dma_start3A_1113 = arith.constant 3 : i32
        %dma_start3A_1114 = tpu.memref_slice %arg2[%mul3A_1112] : memref<33554432xf32, #tpu.memory_space<hbm>> -> memref<16384xf32, #tpu.memory_space<hbm>>
        %dma_start3A_1115 = tpu.memref_slice %arg12[%dma_start3A_1113] : memref<4x!tpu.dma_semaphore, #tpu.memory_space<semaphore_mem>> -> memref<1x!tpu.dma_semaphore, #tpu.memory_space<semaphore_mem>>
        %dma_start3A_1116 = tpu.memref_squeeze %dma_start3A_1115 : memref<1x!tpu.dma_semaphore, #tpu.memory_space<semaphore_mem>> -> memref<!tpu.dma_semaphore, #tpu.memory_space<semaphore_mem>>
        %dma_start3A_1117 = tpu.memref_slice %arg2[%mul3A_1112] : memref<33554432xf32, #tpu.memory_space<hbm>> -> memref<16384xf32, #tpu.memory_space<hbm>>
        tpu.enqueue_dma source(%dma_start3A_1117 : memref<16384xf32, #tpu.memory_space<hbm>>) target(%arg10 : memref<16384xf32, #tpu.memory_space<vmem>>) target_semaphore(%dma_start3A_1116 : memref<!tpu.dma_semaphore, #tpu.memory_space<semaphore_mem>>)
      } else {
      }
      %add3A_825 = arith.constant 6 : i32
      %add3A_826 = arith.addi %mul3A_82, %add3A_825 : i32
      %jit3A_827 = arith.constant 4 : i32
      %div3A_828 = arith.divsi %add3A_826, %jit3A_827 : i32
      %sign3A_829 = arith.constant 0 : i32
      %sign3A_830 = arith.cmpi sgt, %add3A_826, %sign3A_829 : i32
      %sign3A_831 = arith.extui %sign3A_830 : i1 to i32
      %sign3A_832 = arith.constant 0 : i32
      %sign3A_833 = arith.cmpi slt, %add3A_826, %sign3A_832 : i32
      %sign3A_834 = arith.extui %sign3A_833 : i1 to i32
      %sign3A_835 = arith.subi %sign3A_831, %sign3A_834 : i32
      %sign3A_836 = arith.constant 0 : i32
      %sign3A_837 = arith.cmpi sgt, %jit3A_827, %sign3A_836 : i32
      %sign3A_838 = arith.extui %sign3A_837 : i1 to i32
      %sign3A_839 = arith.constant 0 : i32
      %sign3A_840 = arith.cmpi slt, %jit3A_827, %sign3A_839 : i32
      %sign3A_841 = arith.extui %sign3A_840 : i1 to i32
      %sign3A_842 = arith.subi %sign3A_838, %sign3A_841 : i32
      %ne3A_843 = arith.cmpi ne, %sign3A_835, %sign3A_842 : i32
      %rem3A_844 = arith.remsi %add3A_826, %jit3A_827 : i32
      %ne3A_845 = arith.constant 0 : i32
      %ne3A_846 = arith.cmpi ne, %rem3A_844, %ne3A_845 : i32
      %and3A_847 = arith.andi %ne3A_843, %ne3A_846 : i1
      %sub3A_848 = arith.constant 1 : i32
      %sub3A_849 = arith.subi %div3A_828, %sub3A_848 : i32
      %select_n3A_850 = arith.select %and3A_847, %sub3A_849, %div3A_828 : i32
      %jit3A_851 = arith.constant 4 : i32
      %eq3A_852 = arith.constant 0 : i32
      %eq3A_853 = arith.cmpi eq, %jit3A_851, %eq3A_852 : i32
      %jit3A_854 = arith.constant 1 : i32
      %select_n3A_855 = arith.select %eq3A_853, %jit3A_854, %jit3A_851 : i32
      %rem3A_856 = arith.remsi %add3A_826, %select_n3A_855 : i32
      %ne3A_857 = arith.constant 0 : i32
      %ne3A_858 = arith.cmpi ne, %rem3A_856, %ne3A_857 : i32
      %lt3A_859 = arith.constant 0 : i32
      %lt3A_860 = arith.cmpi slt, %rem3A_856, %lt3A_859 : i32
      %lt3A_861 = arith.constant 0 : i32
      %lt3A_862 = arith.cmpi slt, %select_n3A_855, %lt3A_861 : i32
      %ne3A_863 = arith.xori %lt3A_860, %lt3A_862 : i1
      %and3A_864 = arith.andi %ne3A_863, %ne3A_858 : i1
      %add3A_865 = arith.addi %rem3A_856, %select_n3A_855 : i32
      %select_n3A_866 = arith.select %and3A_864, %add3A_865, %rem3A_856 : i32
      %mul3A_867 = arith.constant 8192 : i32
      %mul3A_868 = arith.muli %select_n3A_866, %mul3A_867 : i32
      %add3A_869 = arith.addi %mul3A_868, %mul3A_2 : i32
      %mul3A_870 = arith.constant 16 : i32
      %mul3A_871 = arith.muli %select_n3A_850, %mul3A_870 : i32
      %add3A_872 = arith.addi %add3A_869, %mul3A_871 : i32
      %mul3A_873 = arith.constant 1024 : i32
      %mul3A_874 = arith.muli %add3A_872, %mul3A_873 : i32
      %dma_wait3A_875 = arith.constant 2 : i32
      %dma_wait3A_876 = tpu.memref_slice %arg2[%mul3A_874] : memref<33554432xf32, #tpu.memory_space<hbm>> -> memref<16384xf32, #tpu.memory_space<hbm>>
      %dma_wait3A_877 = tpu.memref_slice %arg12[%dma_wait3A_875] : memref<4x!tpu.dma_semaphore, #tpu.memory_space<semaphore_mem>> -> memref<1x!tpu.dma_semaphore, #tpu.memory_space<semaphore_mem>>
      %dma_wait3A_878 = tpu.memref_squeeze %dma_wait3A_877 : memref<1x!tpu.dma_semaphore, #tpu.memory_space<semaphore_mem>> -> memref<!tpu.dma_semaphore, #tpu.memory_space<semaphore_mem>>
      %dma_wait3A_879 = tpu.memref_slice %arg2[%mul3A_874] : memref<33554432xf32, #tpu.memory_space<hbm>> -> memref<16384xf32, #tpu.memory_space<hbm>>
      tpu.wait_dma2 semaphore(%dma_wait3A_878 : memref<!tpu.dma_semaphore, #tpu.memory_space<semaphore_mem>>) src(%dma_wait3A_879 : memref<16384xf32, #tpu.memory_space<hbm>>) dst(%arg9 : memref<16384xf32, #tpu.memory_space<vmem>>)
      %parallel_loop3A_880 = arith.constant 0 : i32
      %parallel_loop3A_881 = arith.constant 1024 : i32
      %parallel_loop3A_882 = arith.constant 1 : i32
      scf.for %parallel_loop3A_1061 = %parallel_loop3A_880 to %parallel_loop3A_881 step %parallel_loop3A_882  : i32 {
        %parallel_loop3A_1062 = arith.constant 16 : i32
        %parallel_loop3A_1063 = arith.muli %parallel_loop3A_1061, %parallel_loop3A_1062 : i32
        %parallel_loop3A_1064 = arith.index_cast %parallel_loop3A_1063 : i32 to index
        %parallel_loop3A_1065 = tpu.vector_load %arg9[%parallel_loop3A_1064] {strides = array<i32>} : memref<16384xf32, #tpu.memory_space<vmem>>, vector<16xf32>,
        %parallel_loop3A_1066 = vector.shape_cast %parallel_loop3A_1065 : vector<16xf32> to vector<16xf32>
        %parallel_loop3A_1067 = arith.index_cast %parallel_loop3A_1063 : i32 to index
        %parallel_loop3A_1068 = tpu.vector_load %arg6[%parallel_loop3A_1067] {strides = array<i32>} : memref<16384xf32, #tpu.memory_space<vmem>>, vector<16xf32>,
        %parallel_loop3A_1069 = vector.shape_cast %parallel_loop3A_1068 : vector<16xf32> to vector<16xf32>
        %parallel_loop3A_1070 = arith.addf %parallel_loop3A_1066, %parallel_loop3A_1069 : vector<16xf32>
        %parallel_loop3A_1071 = arith.index_cast %parallel_loop3A_1063 : i32 to index
        %parallel_loop3A_1072 = tpu.vector_load %arg9[%parallel_loop3A_1071] {strides = array<i32>} : memref<16384xf32, #tpu.memory_space<vmem>>, vector<16xf32>,
        %parallel_loop3A_1073 = vector.shape_cast %parallel_loop3A_1072 : vector<16xf32> to vector<16xf32>
        %parallel_loop3A_1074 = vector.shape_cast %parallel_loop3A_1070 : vector<16xf32> to vector<16xf32>
        tpu.vector_store %arg9[%parallel_loop3A_1071], %parallel_loop3A_1074 {strides = array<i32>} : memref<16384xf32, #tpu.memory_space<vmem>>, vector<16xf32>,
      } {sc.loop_unroll_factor = 8 : i64, sc.parallel_access}
      %jit3A_883 = arith.constant 4 : i32
      %div3A_884 = arith.divsi %add3A_826, %jit3A_883 : i32
      %sign3A_885 = arith.constant 0 : i32
      %sign3A_886 = arith.cmpi sgt, %add3A_826, %sign3A_885 : i32
      %sign3A_887 = arith.extui %sign3A_886 : i1 to i32
      %sign3A_888 = arith.constant 0 : i32
      %sign3A_889 = arith.cmpi slt, %add3A_826, %sign3A_888 : i32
      %sign3A_890 = arith.extui %sign3A_889 : i1 to i32
      %sign3A_891 = arith.subi %sign3A_887, %sign3A_890 : i32
      %sign3A_892 = arith.constant 0 : i32
      %sign3A_893 = arith.cmpi sgt, %jit3A_883, %sign3A_892 : i32
      %sign3A_894 = arith.extui %sign3A_893 : i1 to i32
      %sign3A_895 = arith.constant 0 : i32
      %sign3A_896 = arith.cmpi slt, %jit3A_883, %sign3A_895 : i32
      %sign3A_897 = arith.extui %sign3A_896 : i1 to i32
      %sign3A_898 = arith.subi %sign3A_894, %sign3A_897 : i32
      %ne3A_899 = arith.cmpi ne, %sign3A_891, %sign3A_898 : i32
      %rem3A_900 = arith.remsi %add3A_826, %jit3A_883 : i32
      %ne3A_901 = arith.constant 0 : i32
      %ne3A_902 = arith.cmpi ne, %rem3A_900, %ne3A_901 : i32
      %and3A_903 = arith.andi %ne3A_899, %ne3A_902 : i1
      %sub3A_904 = arith.constant 1 : i32
      %sub3A_905 = arith.subi %div3A_884, %sub3A_904 : i32
      %select_n3A_906 = arith.select %and3A_903, %sub3A_905, %div3A_884 : i32
      %jit3A_907 = arith.constant 4 : i32
      %eq3A_908 = arith.constant 0 : i32
      %eq3A_909 = arith.cmpi eq, %jit3A_907, %eq3A_908 : i32
      %jit3A_910 = arith.constant 1 : i32
      %select_n3A_911 = arith.select %eq3A_909, %jit3A_910, %jit3A_907 : i32
      %rem3A_912 = arith.remsi %add3A_826, %select_n3A_911 : i32
      %ne3A_913 = arith.constant 0 : i32
      %ne3A_914 = arith.cmpi ne, %rem3A_912, %ne3A_913 : i32
      %lt3A_915 = arith.constant 0 : i32
      %lt3A_916 = arith.cmpi slt, %rem3A_912, %lt3A_915 : i32
      %lt3A_917 = arith.constant 0 : i32
      %lt3A_918 = arith.cmpi slt, %select_n3A_911, %lt3A_917 : i32
      %ne3A_919 = arith.xori %lt3A_916, %lt3A_918 : i1
      %and3A_920 = arith.andi %ne3A_919, %ne3A_914 : i1
      %add3A_921 = arith.addi %rem3A_912, %select_n3A_911 : i32
      %select_n3A_922 = arith.select %and3A_920, %add3A_921, %rem3A_912 : i32
      %mul3A_923 = arith.constant 8192 : i32
      %mul3A_924 = arith.muli %select_n3A_922, %mul3A_923 : i32
      %add3A_925 = arith.addi %mul3A_924, %mul3A_2 : i32
      %mul3A_926 = arith.constant 16 : i32
      %mul3A_927 = arith.muli %select_n3A_906, %mul3A_926 : i32
      %add3A_928 = arith.addi %add3A_925, %mul3A_927 : i32
      %mul3A_929 = arith.constant 1024 : i32
      %mul3A_930 = arith.muli %add3A_928, %mul3A_929 : i32
      %dma_start3A_931 = arith.constant 2 : i32
      %dma_start3A_932 = tpu.memref_slice %arg4[%mul3A_930] : memref<33554432xf32, #tpu.memory_space<hbm>> -> memref<16384xf32, #tpu.memory_space<hbm>>
      %dma_start3A_933 = tpu.memref_slice %arg13[%dma_start3A_931] : memref<4x!tpu.dma_semaphore, #tpu.memory_space<semaphore_mem>> -> memref<1x!tpu.dma_semaphore, #tpu.memory_space<semaphore_mem>>
      %dma_start3A_934 = tpu.memref_squeeze %dma_start3A_933 : memref<1x!tpu.dma_semaphore, #tpu.memory_space<semaphore_mem>> -> memref<!tpu.dma_semaphore, #tpu.memory_space<semaphore_mem>>
      %dma_start3A_935 = tpu.memref_slice %arg4[%mul3A_930] : memref<33554432xf32, #tpu.memory_space<hbm>> -> memref<16384xf32, #tpu.memory_space<hbm>>
      tpu.enqueue_dma source(%arg9 : memref<16384xf32, #tpu.memory_space<vmem>>) target(%dma_start3A_935 : memref<16384xf32, #tpu.memory_space<hbm>>) target_semaphore(%dma_start3A_934 : memref<!tpu.dma_semaphore, #tpu.memory_space<semaphore_mem>>)
      %add3A_936 = arith.constant 2 : i32
      %add3A_937 = arith.addi %add3A_826, %add3A_936 : i32
      %lt3A_938 = arith.constant 64 : i32
      %lt3A_939 = arith.cmpi slt, %add3A_937, %lt3A_938 : i32
      %convert_element_type3A_940 = arith.extui %lt3A_939 : i1 to i32
      %cond3A_941 = arith.constant 0 : i32
      %cond3A_942 = arith.cmpi ne, %convert_element_type3A_940, %cond3A_941 : i32
      scf.if %cond3A_942 {
        %ge3A = arith.constant 2 : i32
        %ge3A_1061 = arith.cmpi sge, %add3A_826, %ge3A : i32
        %convert_element_type3A_1062 = arith.extui %ge3A_1061 : i1 to i32
        %cond3A_1063 = arith.constant 0 : i32
        %cond3A_1064 = arith.cmpi ne, %convert_element_type3A_1062, %cond3A_1063 : i32
        scf.if %cond3A_1064 {
          %sub3A_1118 = arith.constant 2 : i32
          %sub3A_1119 = arith.subi %add3A_826, %sub3A_1118 : i32
          %jit3A_1120 = arith.constant 4 : i32
          %div3A_1121 = arith.divsi %sub3A_1119, %jit3A_1120 : i32
          %sign3A_1122 = arith.constant 0 : i32
          %sign3A_1123 = arith.cmpi sgt, %sub3A_1119, %sign3A_1122 : i32
          %sign3A_1124 = arith.extui %sign3A_1123 : i1 to i32
          %sign3A_1125 = arith.constant 0 : i32
          %sign3A_1126 = arith.cmpi slt, %sub3A_1119, %sign3A_1125 : i32
          %sign3A_1127 = arith.extui %sign3A_1126 : i1 to i32
          %sign3A_1128 = arith.subi %sign3A_1124, %sign3A_1127 : i32
          %sign3A_1129 = arith.constant 0 : i32
          %sign3A_1130 = arith.cmpi sgt, %jit3A_1120, %sign3A_1129 : i32
          %sign3A_1131 = arith.extui %sign3A_1130 : i1 to i32
          %sign3A_1132 = arith.constant 0 : i32
          %sign3A_1133 = arith.cmpi slt, %jit3A_1120, %sign3A_1132 : i32
          %sign3A_1134 = arith.extui %sign3A_1133 : i1 to i32
          %sign3A_1135 = arith.subi %sign3A_1131, %sign3A_1134 : i32
          %ne3A_1136 = arith.cmpi ne, %sign3A_1128, %sign3A_1135 : i32
          %rem3A_1137 = arith.remsi %sub3A_1119, %jit3A_1120 : i32
          %ne3A_1138 = arith.constant 0 : i32
          %ne3A_1139 = arith.cmpi ne, %rem3A_1137, %ne3A_1138 : i32
          %and3A_1140 = arith.andi %ne3A_1136, %ne3A_1139 : i1
          %sub3A_1141 = arith.constant 1 : i32
          %sub3A_1142 = arith.subi %div3A_1121, %sub3A_1141 : i32
          %select_n3A_1143 = arith.select %and3A_1140, %sub3A_1142, %div3A_1121 : i32
          %jit3A_1144 = arith.constant 4 : i32
          %eq3A_1145 = arith.constant 0 : i32
          %eq3A_1146 = arith.cmpi eq, %jit3A_1144, %eq3A_1145 : i32
          %jit3A_1147 = arith.constant 1 : i32
          %select_n3A_1148 = arith.select %eq3A_1146, %jit3A_1147, %jit3A_1144 : i32
          %rem3A_1149 = arith.remsi %sub3A_1119, %select_n3A_1148 : i32
          %ne3A_1150 = arith.constant 0 : i32
          %ne3A_1151 = arith.cmpi ne, %rem3A_1149, %ne3A_1150 : i32
          %lt3A_1152 = arith.constant 0 : i32
          %lt3A_1153 = arith.cmpi slt, %rem3A_1149, %lt3A_1152 : i32
          %lt3A_1154 = arith.constant 0 : i32
          %lt3A_1155 = arith.cmpi slt, %select_n3A_1148, %lt3A_1154 : i32
          %ne3A_1156 = arith.xori %lt3A_1153, %lt3A_1155 : i1
          %and3A_1157 = arith.andi %ne3A_1156, %ne3A_1151 : i1
          %add3A_1158 = arith.addi %rem3A_1149, %select_n3A_1148 : i32
          %select_n3A_1159 = arith.select %and3A_1157, %add3A_1158, %rem3A_1149 : i32
          %mul3A_1160 = arith.constant 8192 : i32
          %mul3A_1161 = arith.muli %select_n3A_1159, %mul3A_1160 : i32
          %add3A_1162 = arith.addi %mul3A_1161, %mul3A_2 : i32
          %mul3A_1163 = arith.constant 16 : i32
          %mul3A_1164 = arith.muli %select_n3A_1143, %mul3A_1163 : i32
          %add3A_1165 = arith.addi %add3A_1162, %mul3A_1164 : i32
          %mul3A_1166 = arith.constant 1024 : i32
          %mul3A_1167 = arith.muli %add3A_1165, %mul3A_1166 : i32
          %dma_wait3A_1168 = arith.constant 0 : i32
          %dma_wait3A_1169 = tpu.memref_slice %arg4[%mul3A_1167] : memref<33554432xf32, #tpu.memory_space<hbm>> -> memref<16384xf32, #tpu.memory_space<hbm>>
          %dma_wait3A_1170 = tpu.memref_slice %arg13[%dma_wait3A_1168] : memref<4x!tpu.dma_semaphore, #tpu.memory_space<semaphore_mem>> -> memref<1x!tpu.dma_semaphore, #tpu.memory_space<semaphore_mem>>
          %dma_wait3A_1171 = tpu.memref_squeeze %dma_wait3A_1170 : memref<1x!tpu.dma_semaphore, #tpu.memory_space<semaphore_mem>> -> memref<!tpu.dma_semaphore, #tpu.memory_space<semaphore_mem>>
          %dma_wait3A_1172 = tpu.memref_slice %arg4[%mul3A_1167] : memref<33554432xf32, #tpu.memory_space<hbm>> -> memref<16384xf32, #tpu.memory_space<hbm>>
          tpu.wait_dma2 semaphore(%dma_wait3A_1171 : memref<!tpu.dma_semaphore, #tpu.memory_space<semaphore_mem>>) src(%arg7 : memref<16384xf32, #tpu.memory_space<vmem>>) dst(%dma_wait3A_1172 : memref<16384xf32, #tpu.memory_space<hbm>>)
        } else {
        }
        %jit3A_1065 = arith.constant 4 : i32
        %div3A_1066 = arith.divsi %add3A_937, %jit3A_1065 : i32
        %sign3A_1067 = arith.constant 0 : i32
        %sign3A_1068 = arith.cmpi sgt, %add3A_937, %sign3A_1067 : i32
        %sign3A_1069 = arith.extui %sign3A_1068 : i1 to i32
        %sign3A_1070 = arith.constant 0 : i32
        %sign3A_1071 = arith.cmpi slt, %add3A_937, %sign3A_1070 : i32
        %sign3A_1072 = arith.extui %sign3A_1071 : i1 to i32
        %sign3A_1073 = arith.subi %sign3A_1069, %sign3A_1072 : i32
        %sign3A_1074 = arith.constant 0 : i32
        %sign3A_1075 = arith.cmpi sgt, %jit3A_1065, %sign3A_1074 : i32
        %sign3A_1076 = arith.extui %sign3A_1075 : i1 to i32
        %sign3A_1077 = arith.constant 0 : i32
        %sign3A_1078 = arith.cmpi slt, %jit3A_1065, %sign3A_1077 : i32
        %sign3A_1079 = arith.extui %sign3A_1078 : i1 to i32
        %sign3A_1080 = arith.subi %sign3A_1076, %sign3A_1079 : i32
        %ne3A_1081 = arith.cmpi ne, %sign3A_1073, %sign3A_1080 : i32
        %rem3A_1082 = arith.remsi %add3A_937, %jit3A_1065 : i32
        %ne3A_1083 = arith.constant 0 : i32
        %ne3A_1084 = arith.cmpi ne, %rem3A_1082, %ne3A_1083 : i32
        %and3A_1085 = arith.andi %ne3A_1081, %ne3A_1084 : i1
        %sub3A_1086 = arith.constant 1 : i32
        %sub3A_1087 = arith.subi %div3A_1066, %sub3A_1086 : i32
        %select_n3A_1088 = arith.select %and3A_1085, %sub3A_1087, %div3A_1066 : i32
        %jit3A_1089 = arith.constant 4 : i32
        %eq3A_1090 = arith.constant 0 : i32
        %eq3A_1091 = arith.cmpi eq, %jit3A_1089, %eq3A_1090 : i32
        %jit3A_1092 = arith.constant 1 : i32
        %select_n3A_1093 = arith.select %eq3A_1091, %jit3A_1092, %jit3A_1089 : i32
        %rem3A_1094 = arith.remsi %add3A_937, %select_n3A_1093 : i32
        %ne3A_1095 = arith.constant 0 : i32
        %ne3A_1096 = arith.cmpi ne, %rem3A_1094, %ne3A_1095 : i32
        %lt3A_1097 = arith.constant 0 : i32
        %lt3A_1098 = arith.cmpi slt, %rem3A_1094, %lt3A_1097 : i32
        %lt3A_1099 = arith.constant 0 : i32
        %lt3A_1100 = arith.cmpi slt, %select_n3A_1093, %lt3A_1099 : i32
        %ne3A_1101 = arith.xori %lt3A_1098, %lt3A_1100 : i1
        %and3A_1102 = arith.andi %ne3A_1101, %ne3A_1096 : i1
        %add3A_1103 = arith.addi %rem3A_1094, %select_n3A_1093 : i32
        %select_n3A_1104 = arith.select %and3A_1102, %add3A_1103, %rem3A_1094 : i32
        %mul3A_1105 = arith.constant 8192 : i32
        %mul3A_1106 = arith.muli %select_n3A_1104, %mul3A_1105 : i32
        %add3A_1107 = arith.addi %mul3A_1106, %mul3A_2 : i32
        %mul3A_1108 = arith.constant 16 : i32
        %mul3A_1109 = arith.muli %select_n3A_1088, %mul3A_1108 : i32
        %add3A_1110 = arith.addi %add3A_1107, %mul3A_1109 : i32
        %mul3A_1111 = arith.constant 1024 : i32
        %mul3A_1112 = arith.muli %add3A_1110, %mul3A_1111 : i32
        %dma_start3A_1113 = arith.constant 0 : i32
        %dma_start3A_1114 = tpu.memref_slice %arg2[%mul3A_1112] : memref<33554432xf32, #tpu.memory_space<hbm>> -> memref<16384xf32, #tpu.memory_space<hbm>>
        %dma_start3A_1115 = tpu.memref_slice %arg12[%dma_start3A_1113] : memref<4x!tpu.dma_semaphore, #tpu.memory_space<semaphore_mem>> -> memref<1x!tpu.dma_semaphore, #tpu.memory_space<semaphore_mem>>
        %dma_start3A_1116 = tpu.memref_squeeze %dma_start3A_1115 : memref<1x!tpu.dma_semaphore, #tpu.memory_space<semaphore_mem>> -> memref<!tpu.dma_semaphore, #tpu.memory_space<semaphore_mem>>
        %dma_start3A_1117 = tpu.memref_slice %arg2[%mul3A_1112] : memref<33554432xf32, #tpu.memory_space<hbm>> -> memref<16384xf32, #tpu.memory_space<hbm>>
        tpu.enqueue_dma source(%dma_start3A_1117 : memref<16384xf32, #tpu.memory_space<hbm>>) target(%arg7 : memref<16384xf32, #tpu.memory_space<vmem>>) target_semaphore(%dma_start3A_1116 : memref<!tpu.dma_semaphore, #tpu.memory_space<semaphore_mem>>)
      } else {
      }
      %add3A_943 = arith.constant 7 : i32
      %add3A_944 = arith.addi %mul3A_82, %add3A_943 : i32
      %jit3A_945 = arith.constant 4 : i32
      %div3A_946 = arith.divsi %add3A_944, %jit3A_945 : i32
      %sign3A_947 = arith.constant 0 : i32
      %sign3A_948 = arith.cmpi sgt, %add3A_944, %sign3A_947 : i32
      %sign3A_949 = arith.extui %sign3A_948 : i1 to i32
      %sign3A_950 = arith.constant 0 : i32
      %sign3A_951 = arith.cmpi slt, %add3A_944, %sign3A_950 : i32
      %sign3A_952 = arith.extui %sign3A_951 : i1 to i32
      %sign3A_953 = arith.subi %sign3A_949, %sign3A_952 : i32
      %sign3A_954 = arith.constant 0 : i32
      %sign3A_955 = arith.cmpi sgt, %jit3A_945, %sign3A_954 : i32
      %sign3A_956 = arith.extui %sign3A_955 : i1 to i32
      %sign3A_957 = arith.constant 0 : i32
      %sign3A_958 = arith.cmpi slt, %jit3A_945, %sign3A_957 : i32
      %sign3A_959 = arith.extui %sign3A_958 : i1 to i32
      %sign3A_960 = arith.subi %sign3A_956, %sign3A_959 : i32
      %ne3A_961 = arith.cmpi ne, %sign3A_953, %sign3A_960 : i32
      %rem3A_962 = arith.remsi %add3A_944, %jit3A_945 : i32
      %ne3A_963 = arith.constant 0 : i32
      %ne3A_964 = arith.cmpi ne, %rem3A_962, %ne3A_963 : i32
      %and3A_965 = arith.andi %ne3A_961, %ne3A_964 : i1
      %sub3A_966 = arith.constant 1 : i32
      %sub3A_967 = arith.subi %div3A_946, %sub3A_966 : i32
      %select_n3A_968 = arith.select %and3A_965, %sub3A_967, %div3A_946 : i32
      %jit3A_969 = arith.constant 4 : i32
      %eq3A_970 = arith.constant 0 : i32
      %eq3A_971 = arith.cmpi eq, %jit3A_969, %eq3A_970 : i32
      %jit3A_972 = arith.constant 1 : i32
      %select_n3A_973 = arith.select %eq3A_971, %jit3A_972, %jit3A_969 : i32
      %rem3A_974 = arith.remsi %add3A_944, %select_n3A_973 : i32
      %ne3A_975 = arith.constant 0 : i32
      %ne3A_976 = arith.cmpi ne, %rem3A_974, %ne3A_975 : i32
      %lt3A_977 = arith.constant 0 : i32
      %lt3A_978 = arith.cmpi slt, %rem3A_974, %lt3A_977 : i32
      %lt3A_979 = arith.constant 0 : i32
      %lt3A_980 = arith.cmpi slt, %select_n3A_973, %lt3A_979 : i32
      %ne3A_981 = arith.xori %lt3A_978, %lt3A_980 : i1
      %and3A_982 = arith.andi %ne3A_981, %ne3A_976 : i1
      %add3A_983 = arith.addi %rem3A_974, %select_n3A_973 : i32
      %select_n3A_984 = arith.select %and3A_982, %add3A_983, %rem3A_974 : i32
      %mul3A_985 = arith.constant 8192 : i32
      %mul3A_986 = arith.muli %select_n3A_984, %mul3A_985 : i32
      %add3A_987 = arith.addi %mul3A_986, %mul3A_2 : i32
      %mul3A_988 = arith.constant 16 : i32
      %mul3A_989 = arith.muli %select_n3A_968, %mul3A_988 : i32
      %add3A_990 = arith.addi %add3A_987, %mul3A_989 : i32
      %mul3A_991 = arith.constant 1024 : i32
      %mul3A_992 = arith.muli %add3A_990, %mul3A_991 : i32
      %dma_wait3A_993 = arith.constant 3 : i32
      %dma_wait3A_994 = tpu.memref_slice %arg2[%mul3A_992] : memref<33554432xf32, #tpu.memory_space<hbm>> -> memref<16384xf32, #tpu.memory_space<hbm>>
      %dma_wait3A_995 = tpu.memref_slice %arg12[%dma_wait3A_993] : memref<4x!tpu.dma_semaphore, #tpu.memory_space<semaphore_mem>> -> memref<1x!tpu.dma_semaphore, #tpu.memory_space<semaphore_mem>>
      %dma_wait3A_996 = tpu.memref_squeeze %dma_wait3A_995 : memref<1x!tpu.dma_semaphore, #tpu.memory_space<semaphore_mem>> -> memref<!tpu.dma_semaphore, #tpu.memory_space<semaphore_mem>>
      %dma_wait3A_997 = tpu.memref_slice %arg2[%mul3A_992] : memref<33554432xf32, #tpu.memory_space<hbm>> -> memref<16384xf32, #tpu.memory_space<hbm>>
      tpu.wait_dma2 semaphore(%dma_wait3A_996 : memref<!tpu.dma_semaphore, #tpu.memory_space<semaphore_mem>>) src(%dma_wait3A_997 : memref<16384xf32, #tpu.memory_space<hbm>>) dst(%arg10 : memref<16384xf32, #tpu.memory_space<vmem>>)
      %parallel_loop3A_998 = arith.constant 0 : i32
      %parallel_loop3A_999 = arith.constant 1024 : i32
      %parallel_loop3A_1000 = arith.constant 1 : i32
      scf.for %parallel_loop3A_1061 = %parallel_loop3A_998 to %parallel_loop3A_999 step %parallel_loop3A_1000  : i32 {
        %parallel_loop3A_1062 = arith.constant 16 : i32
        %parallel_loop3A_1063 = arith.muli %parallel_loop3A_1061, %parallel_loop3A_1062 : i32
        %parallel_loop3A_1064 = arith.index_cast %parallel_loop3A_1063 : i32 to index
        %parallel_loop3A_1065 = tpu.vector_load %arg10[%parallel_loop3A_1064] {strides = array<i32>} : memref<16384xf32, #tpu.memory_space<vmem>>, vector<16xf32>,
        %parallel_loop3A_1066 = vector.shape_cast %parallel_loop3A_1065 : vector<16xf32> to vector<16xf32>
        %parallel_loop3A_1067 = arith.index_cast %parallel_loop3A_1063 : i32 to index
        %parallel_loop3A_1068 = tpu.vector_load %arg6[%parallel_loop3A_1067] {strides = array<i32>} : memref<16384xf32, #tpu.memory_space<vmem>>, vector<16xf32>,
        %parallel_loop3A_1069 = vector.shape_cast %parallel_loop3A_1068 : vector<16xf32> to vector<16xf32>
        %parallel_loop3A_1070 = arith.addf %parallel_loop3A_1066, %parallel_loop3A_1069 : vector<16xf32>
        %parallel_loop3A_1071 = arith.index_cast %parallel_loop3A_1063 : i32 to index
        %parallel_loop3A_1072 = tpu.vector_load %arg10[%parallel_loop3A_1071] {strides = array<i32>} : memref<16384xf32, #tpu.memory_space<vmem>>, vector<16xf32>,
        %parallel_loop3A_1073 = vector.shape_cast %parallel_loop3A_1072 : vector<16xf32> to vector<16xf32>
        %parallel_loop3A_1074 = vector.shape_cast %parallel_loop3A_1070 : vector<16xf32> to vector<16xf32>
        tpu.vector_store %arg10[%parallel_loop3A_1071], %parallel_loop3A_1074 {strides = array<i32>} : memref<16384xf32, #tpu.memory_space<vmem>>, vector<16xf32>,
      } {sc.loop_unroll_factor = 8 : i64, sc.parallel_access}
      %jit3A_1001 = arith.constant 4 : i32
      %div3A_1002 = arith.divsi %add3A_944, %jit3A_1001 : i32
      %sign3A_1003 = arith.constant 0 : i32
      %sign3A_1004 = arith.cmpi sgt, %add3A_944, %sign3A_1003 : i32
      %sign3A_1005 = arith.extui %sign3A_1004 : i1 to i32
      %sign3A_1006 = arith.constant 0 : i32
      %sign3A_1007 = arith.cmpi slt, %add3A_944, %sign3A_1006 : i32
      %sign3A_1008 = arith.extui %sign3A_1007 : i1 to i32
      %sign3A_1009 = arith.subi %sign3A_1005, %sign3A_1008 : i32
      %sign3A_1010 = arith.constant 0 : i32
      %sign3A_1011 = arith.cmpi sgt, %jit3A_1001, %sign3A_1010 : i32
      %sign3A_1012 = arith.extui %sign3A_1011 : i1 to i32
      %sign3A_1013 = arith.constant 0 : i32
      %sign3A_1014 = arith.cmpi slt, %jit3A_1001, %sign3A_1013 : i32
      %sign3A_1015 = arith.extui %sign3A_1014 : i1 to i32
      %sign3A_1016 = arith.subi %sign3A_1012, %sign3A_1015 : i32
      %ne3A_1017 = arith.cmpi ne, %sign3A_1009, %sign3A_1016 : i32
      %rem3A_1018 = arith.remsi %add3A_944, %jit3A_1001 : i32
      %ne3A_1019 = arith.constant 0 : i32
      %ne3A_1020 = arith.cmpi ne, %rem3A_1018, %ne3A_1019 : i32
      %and3A_1021 = arith.andi %ne3A_1017, %ne3A_1020 : i1
      %sub3A_1022 = arith.constant 1 : i32
      %sub3A_1023 = arith.subi %div3A_1002, %sub3A_1022 : i32
      %select_n3A_1024 = arith.select %and3A_1021, %sub3A_1023, %div3A_1002 : i32
      %jit3A_1025 = arith.constant 4 : i32
      %eq3A_1026 = arith.constant 0 : i32
      %eq3A_1027 = arith.cmpi eq, %jit3A_1025, %eq3A_1026 : i32
      %jit3A_1028 = arith.constant 1 : i32
      %select_n3A_1029 = arith.select %eq3A_1027, %jit3A_1028, %jit3A_1025 : i32
      %rem3A_1030 = arith.remsi %add3A_944, %select_n3A_1029 : i32
      %ne3A_1031 = arith.constant 0 : i32
      %ne3A_1032 = arith.cmpi ne, %rem3A_1030, %ne3A_1031 : i32
      %lt3A_1033 = arith.constant 0 : i32
      %lt3A_1034 = arith.cmpi slt, %rem3A_1030, %lt3A_1033 : i32
      %lt3A_1035 = arith.constant 0 : i32
      %lt3A_1036 = arith.cmpi slt, %select_n3A_1029, %lt3A_1035 : i32
      %ne3A_1037 = arith.xori %lt3A_1034, %lt3A_1036 : i1
      %and3A_1038 = arith.andi %ne3A_1037, %ne3A_1032 : i1
      %add3A_1039 = arith.addi %rem3A_1030, %select_n3A_1029 : i32
      %select_n3A_1040 = arith.select %and3A_1038, %add3A_1039, %rem3A_1030 : i32
      %mul3A_1041 = arith.constant 8192 : i32
      %mul3A_1042 = arith.muli %select_n3A_1040, %mul3A_1041 : i32
      %add3A_1043 = arith.addi %mul3A_1042, %mul3A_2 : i32
      %mul3A_1044 = arith.constant 16 : i32
      %mul3A_1045 = arith.muli %select_n3A_1024, %mul3A_1044 : i32
      %add3A_1046 = arith.addi %add3A_1043, %mul3A_1045 : i32
      %mul3A_1047 = arith.constant 1024 : i32
      %mul3A_1048 = arith.muli %add3A_1046, %mul3A_1047 : i32
      %dma_start3A_1049 = arith.constant 3 : i32
      %dma_start3A_1050 = tpu.memref_slice %arg4[%mul3A_1048] : memref<33554432xf32, #tpu.memory_space<hbm>> -> memref<16384xf32, #tpu.memory_space<hbm>>
      %dma_start3A_1051 = tpu.memref_slice %arg13[%dma_start3A_1049] : memref<4x!tpu.dma_semaphore, #tpu.memory_space<semaphore_mem>> -> memref<1x!tpu.dma_semaphore, #tpu.memory_space<semaphore_mem>>
      %dma_start3A_1052 = tpu.memref_squeeze %dma_start3A_1051 : memref<1x!tpu.dma_semaphore, #tpu.memory_space<semaphore_mem>> -> memref<!tpu.dma_semaphore, #tpu.memory_space<semaphore_mem>>
      %dma_start3A_1053 = tpu.memref_slice %arg4[%mul3A_1048] : memref<33554432xf32, #tpu.memory_space<hbm>> -> memref<16384xf32, #tpu.memory_space<hbm>>
      tpu.enqueue_dma source(%arg10 : memref<16384xf32, #tpu.memory_space<vmem>>) target(%dma_start3A_1053 : memref<16384xf32, #tpu.memory_space<hbm>>) target_semaphore(%dma_start3A_1052 : memref<!tpu.dma_semaphore, #tpu.memory_space<semaphore_mem>>)
      %add3A_1054 = arith.constant 2 : i32
      %add3A_1055 = arith.addi %add3A_944, %add3A_1054 : i32
      %lt3A_1056 = arith.constant 64 : i32
      %lt3A_1057 = arith.cmpi slt, %add3A_1055, %lt3A_1056 : i32
      %convert_element_type3A_1058 = arith.extui %lt3A_1057 : i1 to i32
      %cond3A_1059 = arith.constant 0 : i32
      %cond3A_1060 = arith.cmpi ne, %convert_element_type3A_1058, %cond3A_1059 : i32
      scf.if %cond3A_1060 {
        %ge3A = arith.constant 2 : i32
        %ge3A_1061 = arith.cmpi sge, %add3A_944, %ge3A : i32
        %convert_element_type3A_1062 = arith.extui %ge3A_1061 : i1 to i32
        %cond3A_1063 = arith.constant 0 : i32
        %cond3A_1064 = arith.cmpi ne, %convert_element_type3A_1062, %cond3A_1063 : i32
        scf.if %cond3A_1064 {
          %sub3A_1118 = arith.constant 2 : i32
          %sub3A_1119 = arith.subi %add3A_944, %sub3A_1118 : i32
          %jit3A_1120 = arith.constant 4 : i32
          %div3A_1121 = arith.divsi %sub3A_1119, %jit3A_1120 : i32
          %sign3A_1122 = arith.constant 0 : i32
          %sign3A_1123 = arith.cmpi sgt, %sub3A_1119, %sign3A_1122 : i32
          %sign3A_1124 = arith.extui %sign3A_1123 : i1 to i32
          %sign3A_1125 = arith.constant 0 : i32
          %sign3A_1126 = arith.cmpi slt, %sub3A_1119, %sign3A_1125 : i32
          %sign3A_1127 = arith.extui %sign3A_1126 : i1 to i32
          %sign3A_1128 = arith.subi %sign3A_1124, %sign3A_1127 : i32
          %sign3A_1129 = arith.constant 0 : i32
          %sign3A_1130 = arith.cmpi sgt, %jit3A_1120, %sign3A_1129 : i32
          %sign3A_1131 = arith.extui %sign3A_1130 : i1 to i32
          %sign3A_1132 = arith.constant 0 : i32
          %sign3A_1133 = arith.cmpi slt, %jit3A_1120, %sign3A_1132 : i32
          %sign3A_1134 = arith.extui %sign3A_1133 : i1 to i32
          %sign3A_1135 = arith.subi %sign3A_1131, %sign3A_1134 : i32
          %ne3A_1136 = arith.cmpi ne, %sign3A_1128, %sign3A_1135 : i32
          %rem3A_1137 = arith.remsi %sub3A_1119, %jit3A_1120 : i32
          %ne3A_1138 = arith.constant 0 : i32
          %ne3A_1139 = arith.cmpi ne, %rem3A_1137, %ne3A_1138 : i32
          %and3A_1140 = arith.andi %ne3A_1136, %ne3A_1139 : i1
          %sub3A_1141 = arith.constant 1 : i32
          %sub3A_1142 = arith.subi %div3A_1121, %sub3A_1141 : i32
          %select_n3A_1143 = arith.select %and3A_1140, %sub3A_1142, %div3A_1121 : i32
          %jit3A_1144 = arith.constant 4 : i32
          %eq3A_1145 = arith.constant 0 : i32
          %eq3A_1146 = arith.cmpi eq, %jit3A_1144, %eq3A_1145 : i32
          %jit3A_1147 = arith.constant 1 : i32
          %select_n3A_1148 = arith.select %eq3A_1146, %jit3A_1147, %jit3A_1144 : i32
          %rem3A_1149 = arith.remsi %sub3A_1119, %select_n3A_1148 : i32
          %ne3A_1150 = arith.constant 0 : i32
          %ne3A_1151 = arith.cmpi ne, %rem3A_1149, %ne3A_1150 : i32
          %lt3A_1152 = arith.constant 0 : i32
          %lt3A_1153 = arith.cmpi slt, %rem3A_1149, %lt3A_1152 : i32
          %lt3A_1154 = arith.constant 0 : i32
          %lt3A_1155 = arith.cmpi slt, %select_n3A_1148, %lt3A_1154 : i32
          %ne3A_1156 = arith.xori %lt3A_1153, %lt3A_1155 : i1
          %and3A_1157 = arith.andi %ne3A_1156, %ne3A_1151 : i1
          %add3A_1158 = arith.addi %rem3A_1149, %select_n3A_1148 : i32
          %select_n3A_1159 = arith.select %and3A_1157, %add3A_1158, %rem3A_1149 : i32
          %mul3A_1160 = arith.constant 8192 : i32
          %mul3A_1161 = arith.muli %select_n3A_1159, %mul3A_1160 : i32
          %add3A_1162 = arith.addi %mul3A_1161, %mul3A_2 : i32
          %mul3A_1163 = arith.constant 16 : i32
          %mul3A_1164 = arith.muli %select_n3A_1143, %mul3A_1163 : i32
          %add3A_1165 = arith.addi %add3A_1162, %mul3A_1164 : i32
          %mul3A_1166 = arith.constant 1024 : i32
          %mul3A_1167 = arith.muli %add3A_1165, %mul3A_1166 : i32
          %dma_wait3A_1168 = arith.constant 1 : i32
          %dma_wait3A_1169 = tpu.memref_slice %arg4[%mul3A_1167] : memref<33554432xf32, #tpu.memory_space<hbm>> -> memref<16384xf32, #tpu.memory_space<hbm>>
          %dma_wait3A_1170 = tpu.memref_slice %arg13[%dma_wait3A_1168] : memref<4x!tpu.dma_semaphore, #tpu.memory_space<semaphore_mem>> -> memref<1x!tpu.dma_semaphore, #tpu.memory_space<semaphore_mem>>
          %dma_wait3A_1171 = tpu.memref_squeeze %dma_wait3A_1170 : memref<1x!tpu.dma_semaphore, #tpu.memory_space<semaphore_mem>> -> memref<!tpu.dma_semaphore, #tpu.memory_space<semaphore_mem>>
          %dma_wait3A_1172 = tpu.memref_slice %arg4[%mul3A_1167] : memref<33554432xf32, #tpu.memory_space<hbm>> -> memref<16384xf32, #tpu.memory_space<hbm>>
          tpu.wait_dma2 semaphore(%dma_wait3A_1171 : memref<!tpu.dma_semaphore, #tpu.memory_space<semaphore_mem>>) src(%arg8 : memref<16384xf32, #tpu.memory_space<vmem>>) dst(%dma_wait3A_1172 : memref<16384xf32, #tpu.memory_space<hbm>>)
        } else {
        }
        %jit3A_1065 = arith.constant 4 : i32
        %div3A_1066 = arith.divsi %add3A_1055, %jit3A_1065 : i32
        %sign3A_1067 = arith.constant 0 : i32
        %sign3A_1068 = arith.cmpi sgt, %add3A_1055, %sign3A_1067 : i32
        %sign3A_1069 = arith.extui %sign3A_1068 : i1 to i32
        %sign3A_1070 = arith.constant 0 : i32
        %sign3A_1071 = arith.cmpi slt, %add3A_1055, %sign3A_1070 : i32
        %sign3A_1072 = arith.extui %sign3A_1071 : i1 to i32
        %sign3A_1073 = arith.subi %sign3A_1069, %sign3A_1072 : i32
        %sign3A_1074 = arith.constant 0 : i32
        %sign3A_1075 = arith.cmpi sgt, %jit3A_1065, %sign3A_1074 : i32
        %sign3A_1076 = arith.extui %sign3A_1075 : i1 to i32
        %sign3A_1077 = arith.constant 0 : i32
        %sign3A_1078 = arith.cmpi slt, %jit3A_1065, %sign3A_1077 : i32
        %sign3A_1079 = arith.extui %sign3A_1078 : i1 to i32
        %sign3A_1080 = arith.subi %sign3A_1076, %sign3A_1079 : i32
        %ne3A_1081 = arith.cmpi ne, %sign3A_1073, %sign3A_1080 : i32
        %rem3A_1082 = arith.remsi %add3A_1055, %jit3A_1065 : i32
        %ne3A_1083 = arith.constant 0 : i32
        %ne3A_1084 = arith.cmpi ne, %rem3A_1082, %ne3A_1083 : i32
        %and3A_1085 = arith.andi %ne3A_1081, %ne3A_1084 : i1
        %sub3A_1086 = arith.constant 1 : i32
        %sub3A_1087 = arith.subi %div3A_1066, %sub3A_1086 : i32
        %select_n3A_1088 = arith.select %and3A_1085, %sub3A_1087, %div3A_1066 : i32
        %jit3A_1089 = arith.constant 4 : i32
        %eq3A_1090 = arith.constant 0 : i32
        %eq3A_1091 = arith.cmpi eq, %jit3A_1089, %eq3A_1090 : i32
        %jit3A_1092 = arith.constant 1 : i32
        %select_n3A_1093 = arith.select %eq3A_1091, %jit3A_1092, %jit3A_1089 : i32
        %rem3A_1094 = arith.remsi %add3A_1055, %select_n3A_1093 : i32
        %ne3A_1095 = arith.constant 0 : i32
        %ne3A_1096 = arith.cmpi ne, %rem3A_1094, %ne3A_1095 : i32
        %lt3A_1097 = arith.constant 0 : i32
        %lt3A_1098 = arith.cmpi slt, %rem3A_1094, %lt3A_1097 : i32
        %lt3A_1099 = arith.constant 0 : i32
        %lt3A_1100 = arith.cmpi slt, %select_n3A_1093, %lt3A_1099 : i32
        %ne3A_1101 = arith.xori %lt3A_1098, %lt3A_1100 : i1
        %and3A_1102 = arith.andi %ne3A_1101, %ne3A_1096 : i1
        %add3A_1103 = arith.addi %rem3A_1094, %select_n3A_1093 : i32
        %select_n3A_1104 = arith.select %and3A_1102, %add3A_1103, %rem3A_1094 : i32
        %mul3A_1105 = arith.constant 8192 : i32
        %mul3A_1106 = arith.muli %select_n3A_1104, %mul3A_1105 : i32
        %add3A_1107 = arith.addi %mul3A_1106, %mul3A_2 : i32
        %mul3A_1108 = arith.constant 16 : i32
        %mul3A_1109 = arith.muli %select_n3A_1088, %mul3A_1108 : i32
        %add3A_1110 = arith.addi %add3A_1107, %mul3A_1109 : i32
        %mul3A_1111 = arith.constant 1024 : i32
        %mul3A_1112 = arith.muli %add3A_1110, %mul3A_1111 : i32
        %dma_start3A_1113 = arith.constant 1 : i32
        %dma_start3A_1114 = tpu.memref_slice %arg2[%mul3A_1112] : memref<33554432xf32, #tpu.memory_space<hbm>> -> memref<16384xf32, #tpu.memory_space<hbm>>
        %dma_start3A_1115 = tpu.memref_slice %arg12[%dma_start3A_1113] : memref<4x!tpu.dma_semaphore, #tpu.memory_space<semaphore_mem>> -> memref<1x!tpu.dma_semaphore, #tpu.memory_space<semaphore_mem>>
        %dma_start3A_1116 = tpu.memref_squeeze %dma_start3A_1115 : memref<1x!tpu.dma_semaphore, #tpu.memory_space<semaphore_mem>> -> memref<!tpu.dma_semaphore, #tpu.memory_space<semaphore_mem>>
        %dma_start3A_1117 = tpu.memref_slice %arg2[%mul3A_1112] : memref<33554432xf32, #tpu.memory_space<hbm>> -> memref<16384xf32, #tpu.memory_space<hbm>>
        tpu.enqueue_dma source(%dma_start3A_1117 : memref<16384xf32, #tpu.memory_space<hbm>>) target(%arg8 : memref<16384xf32, #tpu.memory_space<vmem>>) target_semaphore(%dma_start3A_1116 : memref<!tpu.dma_semaphore, #tpu.memory_space<semaphore_mem>>)
      } else {
      }
    }
    %scan3A_36 = arith.constant 8 : i32
    %add3A_37 = arith.constant 0 : i32
    %add3A_38 = arith.addi %add3A_37, %mul3A_2 : i32
    %add3A_39 = arith.constant 240 : i32
    %add3A_40 = arith.addi %add3A_38, %add3A_39 : i32
    %mul3A_41 = arith.constant 1024 : i32
    %mul3A_42 = arith.muli %add3A_40, %mul3A_41 : i32
    %dma_wait3A = arith.constant 0 : i32
    %dma_wait3A_43 = tpu.memref_slice %arg4[%mul3A_42] : memref<33554432xf32, #tpu.memory_space<hbm>> -> memref<16384xf32, #tpu.memory_space<hbm>>
    %dma_wait3A_44 = tpu.memref_slice %arg13[%dma_wait3A] : memref<4x!tpu.dma_semaphore, #tpu.memory_space<semaphore_mem>> -> memref<1x!tpu.dma_semaphore, #tpu.memory_space<semaphore_mem>>
    %dma_wait3A_45 = tpu.memref_squeeze %dma_wait3A_44 : memref<1x!tpu.dma_semaphore, #tpu.memory_space<semaphore_mem>> -> memref<!tpu.dma_semaphore, #tpu.memory_space<semaphore_mem>>
    %dma_wait3A_46 = tpu.memref_slice %arg4[%mul3A_42] : memref<33554432xf32, #tpu.memory_space<hbm>> -> memref<16384xf32, #tpu.memory_space<hbm>>
    tpu.wait_dma2 semaphore(%dma_wait3A_45 : memref<!tpu.dma_semaphore, #tpu.memory_space<semaphore_mem>>) src(%arg7 : memref<16384xf32, #tpu.memory_space<vmem>>) dst(%dma_wait3A_46 : memref<16384xf32, #tpu.memory_space<hbm>>)
    %add3A_47 = arith.constant 8192 : i32
    %add3A_48 = arith.addi %add3A_47, %mul3A_2 : i32
    %add3A_49 = arith.constant 240 : i32
    %add3A_50 = arith.addi %add3A_48, %add3A_49 : i32
    %mul3A_51 = arith.constant 1024 : i32
    %mul3A_52 = arith.muli %add3A_50, %mul3A_51 : i32
    %dma_wait3A_53 = arith.constant 1 : i32
    %dma_wait3A_54 = tpu.memref_slice %arg4[%mul3A_52] : memref<33554432xf32, #tpu.memory_space<hbm>> -> memref<16384xf32, #tpu.memory_space<hbm>>
    %dma_wait3A_55 = tpu.memref_slice %arg13[%dma_wait3A_53] : memref<4x!tpu.dma_semaphore, #tpu.memory_space<semaphore_mem>> -> memref<1x!tpu.dma_semaphore, #tpu.memory_space<semaphore_mem>>
    %dma_wait3A_56 = tpu.memref_squeeze %dma_wait3A_55 : memref<1x!tpu.dma_semaphore, #tpu.memory_space<semaphore_mem>> -> memref<!tpu.dma_semaphore, #tpu.memory_space<semaphore_mem>>
    %dma_wait3A_57 = tpu.memref_slice %arg4[%mul3A_52] : memref<33554432xf32, #tpu.memory_space<hbm>> -> memref<16384xf32, #tpu.memory_space<hbm>>
    tpu.wait_dma2 semaphore(%dma_wait3A_56 : memref<!tpu.dma_semaphore, #tpu.memory_space<semaphore_mem>>) src(%arg8 : memref<16384xf32, #tpu.memory_space<vmem>>) dst(%dma_wait3A_57 : memref<16384xf32, #tpu.memory_space<hbm>>)
    %add3A_58 = arith.constant 16384 : i32
    %add3A_59 = arith.addi %add3A_58, %mul3A_2 : i32
    %add3A_60 = arith.constant 240 : i32
    %add3A_61 = arith.addi %add3A_59, %add3A_60 : i32
    %mul3A_62 = arith.constant 1024 : i32
    %mul3A_63 = arith.muli %add3A_61, %mul3A_62 : i32
    %dma_wait3A_64 = arith.constant 2 : i32
    %dma_wait3A_65 = tpu.memref_slice %arg4[%mul3A_63] : memref<33554432xf32, #tpu.memory_space<hbm>> -> memref<16384xf32, #tpu.memory_space<hbm>>
    %dma_wait3A_66 = tpu.memref_slice %arg13[%dma_wait3A_64] : memref<4x!tpu.dma_semaphore, #tpu.memory_space<semaphore_mem>> -> memref<1x!tpu.dma_semaphore, #tpu.memory_space<semaphore_mem>>
    %dma_wait3A_67 = tpu.memref_squeeze %dma_wait3A_66 : memref<1x!tpu.dma_semaphore, #tpu.memory_space<semaphore_mem>> -> memref<!tpu.dma_semaphore, #tpu.memory_space<semaphore_mem>>
    %dma_wait3A_68 = tpu.memref_slice %arg4[%mul3A_63] : memref<33554432xf32, #tpu.memory_space<hbm>> -> memref<16384xf32, #tpu.memory_space<hbm>>
    tpu.wait_dma2 semaphore(%dma_wait3A_67 : memref<!tpu.dma_semaphore, #tpu.memory_space<semaphore_mem>>) src(%arg9 : memref<16384xf32, #tpu.memory_space<vmem>>) dst(%dma_wait3A_68 : memref<16384xf32, #tpu.memory_space<hbm>>)
    %add3A_69 = arith.constant 24576 : i32
    %add3A_70 = arith.addi %add3A_69, %mul3A_2 : i32
    %add3A_71 = arith.constant 240 : i32
    %add3A_72 = arith.addi %add3A_70, %add3A_71 : i32
    %mul3A_73 = arith.constant 1024 : i32
    %mul3A_74 = arith.muli %add3A_72, %mul3A_73 : i32
    %dma_wait3A_75 = arith.constant 3 : i32
    %dma_wait3A_76 = tpu.memref_slice %arg4[%mul3A_74] : memref<33554432xf32, #tpu.memory_space<hbm>> -> memref<16384xf32, #tpu.memory_space<hbm>>
    %dma_wait3A_77 = tpu.memref_slice %arg13[%dma_wait3A_75] : memref<4x!tpu.dma_semaphore, #tpu.memory_space<semaphore_mem>> -> memref<1x!tpu.dma_semaphore, #tpu.memory_space<semaphore_mem>>
    %dma_wait3A_78 = tpu.memref_squeeze %dma_wait3A_77 : memref<1x!tpu.dma_semaphore, #tpu.memory_space<semaphore_mem>> -> memref<!tpu.dma_semaphore, #tpu.memory_space<semaphore_mem>>
    %dma_wait3A_79 = tpu.memref_slice %arg4[%mul3A_74] : memref<33554432xf32, #tpu.memory_space<hbm>> -> memref<16384xf32, #tpu.memory_space<hbm>>
    tpu.wait_dma2 semaphore(%dma_wait3A_78 : memref<!tpu.dma_semaphore, #tpu.memory_space<semaphore_mem>>) src(%arg10 : memref<16384xf32, #tpu.memory_space<vmem>>) dst(%dma_wait3A_79 : memref<16384xf32, #tpu.memory_space<hbm>>)
    return
  }
}

</mosaic_0001>

<sc_bundles>
// kernel: kernel.3.cloned.1.call-start
scs
__scs_entry_jumppad:
0x0: {  	(pc) =	sbr.rel $0x88, $3  }
0x1: {  	(tag) =	ssettag $0x0;
	lr =	simm.s32 $0x1  }
0x2: {  	[smem:$0x3F9F] =	sst lr;
	_ =	strace $0xD0000000  }
0x3: {  	_ = 	snop  }
0x4: {  	_ = 	snop  }
0x5: {  	_ = 	snop  }
0x6: {  	_ = 	snop  }
0x7: {  	_ = 	snop  }
__scs_overlays_trampoline_lowered:
0x8: {  	[smem:$0x3FAE] =	sst s0  }
0x9: {  	[smem:$0x3FAF] =	sst s1  }
0xa: {  	[smem:$0x3FB0] =	sst s2  }
0xb: {  	[smem:$0x3FB1] =	sst s3  }
0xc: {  	[smem:$0x3FB2] =	sst s4  }
0xd: {  	[smem:$0x3FB3] =	sst s5  }
0xe: {  	[smem:$0x3FB4] =	sst s6  }
0xf: {  	[smem:$0x3FB5] =	sst s7  }
0x10: {  	[smem:$0x3FB6] =	sst s8  }
0x11: {  	[smem:$0x3FB7] =	sst s9;
	s0 =	simm.s32 @!p0 $0x0  }
0x12: {  	s1 =	sld [smem:$0x3F9D];
	s0 =	simm.s32 @p0 $0x1  }
0x13: {  	[smem:$0x3FB8] =	sst s0;
	s0 =	simm.s32 @!p1 $0x0  }
0x14: {  	s2 =	sld [smem:$0x3F9C];
	s0 =	simm.s32 @p1 $0x1  }
0x15: {  	[smem:$0x3FB9] =	sst s0;
	s0 =	simm.s32 @!p2 $0x0  }
0x16: {  	s3 =	sld [smem:$0x3FDB];
	s0 =	simm.s32 @p2 $0x1  }
0x17: {  	s4 =	simm.s32 $0x1BF5;
	[smem:$0x3FBB] =	sst s0  }
0x18: {  	s0 =	sld [smem:$0x3F9E];
	_ =	swait.ge [sflag:s4], $0x0  }
0x19: {  	s7 =	sld [smem:$0x3F9F]  }
0x1a: {  	s8 =	sadd.s32 $0xFFFFE003, lr  }
0x1b: {  	s9 =	sadd.s32 $0xFFFFFEF7, lr;
	s5 =	simm.s32 $0xFFFFFFFF;
	p2 =	slt.u32 s8, $0xFFFFF086  }
0x1c: {  	p1 =	slt.u32 s9, $0xF7A;
	s5 =	simm.s32 @!p2 $0x0  }
0x1d: {  	s5 =	simm.s32 @p1 $0x1;
	p0 =	seq.s32 s7, s2  }
0x1e: {  	s7 =	smul.u32 @!p0 $0xF7A, s2;
	p2 =	seq.s32 @!p0 s5, $0x0  }
0x1f: {  	s9 =	smul.u32 $0xF7A, s1;
	s8 =	simm.s32 @!p0 $0x1BF5;
	p2 =	por !p2, p0  }
0x20: {  	[sflag:s8] =	ssyncset.s32 @!p0 $0xFFFFF086;
	s6 =	sadd.s32 @!p0 s3, s7;
	s7 =	simm.s32 @!p0 $0x108  }
0x21: {  	s3 =	sadd.s32 s3, s9;
	s6 =	sadd.s32 @!p0 $0x88, s6;
	s7 =	simm.s32 @p2 $0x1082  }
0x22: {  	[simem:s7], [sflag:s8] =	dma.local @!p0 [hbm:s6], $0xF7A  }
0x23: {  	s9 =	sor.u32 $0xD0000000, s2;
	s6 =	simm.s32 $0x108;
	_ =	swait.ge @!p0 [sflag:s8], $0x0  }
0x24: {  	s3 =	sadd.s32 $0x88, s3;
	s6 =	simm.s32 @!p1 $0x1082;
	[sflag:s4] =	ssyncset.s32 $0xFFFFF086  }
0x25: {  	[simem:s6], [sflag:s4] =	dma.local [hbm:s3], $0xF7A  }
0x26: {  	[smem:$0x3F9F] =	sst s1;
	(tag) =	ssettag s2;
	_ =	strace s9  }
0x27: {  	s1 =	sld [smem:$0x3FAF]  }
0x28: {  	s2 =	sld [smem:$0x3FB0]  }
0x29: {  	s4 =	sld [smem:$0x3FB2]  }
0x2a: {  	p0 =	seq.s32 s5, $0x0;
	s5 =	sld [smem:$0x3FB3]  }
0x2b: {  	s6 =	sld [smem:$0x3FB4]  }
0x2c: {  	s7 =	sld [smem:$0x3FB5]  }
0x2d: {  	s3 =	simm.s32 $0x108;
	s8 =	sld [smem:$0x3FB6]  }
0x2e: {  	s3 =	simm.s32 @!p0 $0x1082;
	s9 =	sld [smem:$0x3FB7]  }
0x2f: {  	lr =	sadd.s32 s0, s3;
	s0 =	sld [smem:$0x3FAE]  }
0x30: {  	s3 =	sld [smem:$0x3FB1]  }
0x31: {  	[smem:$0x3FBA] =	sst s10  }
0x32: {  	s10 =	sld [smem:$0x3FB8];
	_ =	sdelay $0x3  }
0x33: {  	p0 =	seq.s32 s10, $0x1;
	s10 =	sld [smem:$0x3FBA];
	_ =	sdelay $0x3  }
0x34: {  	[smem:$0x3FBA] =	sst s10  }
0x35: {  	s10 =	sld [smem:$0x3FB9];
	_ =	sdelay $0x3  }
0x36: {  	p1 =	seq.s32 s10, $0x1;
	s10 =	sld [smem:$0x3FBA];
	_ =	sdelay $0x3  }
0x37: {  	[smem:$0x3FBA] =	sst s10  }
0x38: {  	s10 =	sld [smem:$0x3FBB]  }
0x39: {  	_ = 	snop;
	(pc) =	sbr.ind lr, $3  }
0x3a: {  	_ = 	snop  }
0x3b: {  	_ = 	snop  }
0x3c: {  	p2 =	seq.s32 s10, $0x1;
	s10 =	sld [smem:$0x3FBA]  }
0x3d: {  	_ =	shalt  }
0x3e: {  	_ =	shalt  }
0x3f: {  	_ =	shalt  }
0x40: {  	_ =	shalt  }
0x41: {  	_ =	shalt  }
0x42: {  	_ =	shalt  }
0x43: {  	_ =	shalt  }
0x44: {  	_ =	shalt  }
0x45: {  	_ =	shalt  }
0x46: {  	_ =	shalt  }
0x47: {  	_ =	shalt  }
0x48: {  	_ =	shalt  }
0x49: {  	_ =	shalt  }
0x4a: {  	_ =	shalt  }
0x4b: {  	_ =	shalt  }
0x4c: {  	_ =	shalt  }
0x4d: {  	_ =	shalt  }
0x4e: {  	_ =	shalt  }
0x4f: {  	_ =	shalt  }
0x50: {  	_ =	shalt  }
0x51: {  	_ =	shalt  }
0x52: {  	_ =	shalt  }
0x53: {  	_ =	shalt  }
0x54: {  	_ =	shalt  }
0x55: {  	_ =	shalt  }
0x56: {  	_ =	shalt  }
0x57: {  	_ =	shalt  }
0x58: {  	_ =	shalt  }
0x59: {  	_ =	shalt  }
0x5a: {  	_ =	shalt  }
0x5b: {  	_ =	shalt  }
0x5c: {  	_ =	shalt  }
0x5d: {  	_ =	shalt  }
0x5e: {  	_ =	shalt  }
0x5f: {  	_ =	shalt  }
0x60: {  	_ =	shalt  }
0x61: {  	_ =	shalt  }
0x62: {  	_ =	shalt  }
0x63: {  	_ =	shalt  }
0x64: {  	_ =	shalt  }
0x65: {  	_ =	shalt  }
0x66: {  	_ =	shalt  }
0x67: {  	_ =	shalt  }
0x68: {  	_ =	shalt  }
0x69: {  	_ =	shalt  }
0x6a: {  	_ =	shalt  }
0x6b: {  	_ =	shalt  }
0x6c: {  	_ =	shalt  }
0x6d: {  	_ =	shalt  }
0x6e: {  	_ =	shalt  }
0x6f: {  	_ =	shalt  }
0x70: {  	_ =	shalt  }
0x71: {  	_ =	shalt  }
0x72: {  	_ =	shalt  }
0x73: {  	_ =	shalt  }
0x74: {  	_ =	shalt  }
0x75: {  	_ =	shalt  }
0x76: {  	_ =	shalt  }
0x77: {  	_ =	shalt  }
0x78: {  	_ =	shalt  }
0x79: {  	_ =	shalt  }
0x7a: {  	_ =	shalt  }
0x7b: {  	_ =	shalt  }
0x7c: {  	_ =	shalt  }
0x7d: {  	_ =	shalt  }
0x7e: {  	_ =	shalt  }
0x7f: {  	_ =	shalt  }
0x80: {  	_ =	shalt  }
0x81: {  	_ =	shalt  }
0x82: {  	_ =	shalt  }
0x83: {  	_ =	shalt  }
0x84: {  	_ =	shalt  }
0x85: {  	_ =	shalt  }
0x86: {  	_ =	shalt  }
0x87: {  	_ =	shalt  }
.Lfunc_end0:
.L_simem_size_0:
called_computation.2_lowered:
.L_overlay_start_0:
0x88: {  	s2 =	sld [smem:$0x3FD9]  }
0x89: {  	s3 =	sld [smem:$0x3FFE];
	_ =	sdelay $0x1  }
0x8a: {  	s1 =	srdreg.scid  }
0x8b: {  	s0 =	sand.u32 $0x1, s1  }
0x8c: {  	s17 =	sshll.u32 s0, $0xA;
	s2 =	sadd.s32 s3, s2  }
0x8d: {  	s2 =	sadd.s32 s2, s17  }
0x8e: {  	[smem:$0x3FC6] =	sst s2  }
0x8f: {  	_ = 	snop  }
0x90: {  	s2 =	sld [smem:$0x3FD0];
	(tm) =	ssettm $0x1  }
0x91: {  	s18 =	sld [smem:$0x3FFB];
	_ =	sdelay $0x3  }
0x92: {  	_ =	strace s18  }
0x93: {  	s3 =	sld [smem:$0x3FFC];
	_ =	sdelay $0x3  }
0x94: {  	_ =	strace s3  }
0x95: {  	s3 =	sld [smem:$0x3FFD];
	_ =	sdelay $0x3  }
0x96: {  	_ =	strace s3  }
0x97: {  	_ =	strace $0x8FFFFFFF  }
0x98: {  	s19 =	sld [smem:$0x3FDB];
	_ =	sdelay $0x1  }
0x99: {  	s4 =	simm.s32 $_scs_section_size  }
0x9a: {  	s5 =	simm.s32 $_size__tile_overlayer_lowered;
	s6 =	simm.s32 $_tile_overlayer_lowered  }
0x9b: {  	s22 =	simm.s32 $0x1BFF;
	s21 =	sshll.u32 s6, $0x1;
	s3 =	sadd.s32 s4, s19  }
0x9c: {  	s7 =	simm.s32 $0x0;
	s20 =	sshll.u32 s5, $0x1;
	s5 =	sadd.s32 s21, s3  }
0x9d: {  	[timem:s7], [sflag:s22] =	dma.local [hbm:s5], s20  }
0x9e: {  	_ =	swait.ge [sflag:s22], s20  }
0x9f: {  	s4 =	ssub.s32 $0x0, s20;
	[sflag:s22] =	ssyncset.done $0x0  }
0xa0: {  	[sflag:s22] =	ssyncadd.s32 s4;
	_ =	sdelay $0x1  }
0xa1: {  	s23 =	simm.s32 $0x1B8B  }
0xa2: {  	_ =	swait.ge [sflag:s23], $0x1  }
0xa3: {  	[sflag:s23] =	ssyncset.done $0x0  }
0xa4: {  	s25 =	simm.s32 $0x1B8E;
	s24 =	sld [smem:$0x3FFE];
	[sflag:s23] =	ssyncadd.s32 $0xFFFFFFFF  }
0xa5: {  	s26 =	simm.s32 $execute0_lowered;
	[smem:$0x3FD2] =	sst s25  }
0xa6: {  	s5 =	sshll.u32 s26, $0x1;
	_ =	strace $0x8000004C;
	[dreg:$0x1] =	wrdreg $0xFFFFFFFF  }
0xa7: {  	s28 =	simm.s32 $_size_execute0_lowered;
	s3 =	sadd.s32 s3, s5;
	[dreg:$0x0] =	wrdreg $0x0  }
0xa8: {  	s5 =	sshll.u32 s28, $0x1;
	[dreg:$0x2] =	wrdreg s3  }
0xa9: {  	[dreg:$0x3] =	wrdreg s5  }
0xaa: {  	[dreg:$0x4] =	wrdreg $0xC0  }
0xab: {  	_ =	task [dreg:s7], $0x5FFFF  }
0xac: {  	[dreg:$0x1] =	wrdreg $0xFFFFFFFF  }
0xad: {  	[dreg:$0x0] =	wrdreg $0x60  }
0xae: {  	[dreg:$0x2] =	wrdreg s2  }
0xaf: {  	[dreg:$0x3] =	wrdreg s24  }
0xb0: {  	[dreg:$0x4] =	wrdreg $0x9  }
0xb1: {  	_ =	task.clear_ibuf [dreg:s7], $0x5FFFF;
	_ =	strace $0x9000004C  }
0xb2: {  	s29 =	simm.s32 $0x9;
	_ =	strace $0x8000004E  }
0xb3: {  	_ =	swait.ge [sflag:s29], $0x1  }
0xb4: {  	[sflag:s29] =	ssyncadd.s32 $0xFFFFFFFF  }
0xb5: {  	_ =	strace $0x9000004E  }
0xb6: {  	_ =	sfence  }
0xb7: {  	s30 =	sld [smem:$0x0];
	_ =	sdelay $0x2  }
0xb8: {  	s31 =	sshll.u32 s1, $0xD;
	s1 =	sshrl.u32 s1, $0x2  }
0xb9: {  	s3 =	sand.u32 $0x4000, s31;
	s1 =	sadd.s32 s1, s30  }
0xba: {  	s0 =	sor.u32 s3, s0;
	s1 =	sshll.u32 s1, $0x11  }
0xbb: {  	s0 =	sor.u32 s1, s0  }
0xbc: {  	s0 =	sadd.s32 $0x8F2B, s0  }
0xbd: {  	[sflag:s0] =	ssyncadd.remote.s32 $0x1  }
0xbe: {  	_ =	sfence.sel $0xFFFF  }
0xbf: {  	[dreg:$0x0] =	wrdreg $0xFFFFFFFF;
	(pc) =	sbr.abs _section_cstart, $3  }
0xc0: {  	[dreg:$0x1] =	wrdreg $0xFFFFFFFF  }
0xc1: {  	_ =	task.clear_ibuf [dreg:s7], $0x2FFFF;
	_ =	strace $0x9FFFFFFF  }
0xc2: {  	(tm) =	ssettm $0x7FFFFFFF  }
0xc3: {  	_ =	shalt  }
tec
execute0_lowered:
.L_overlay_start_1:
0x0: {  	(tag) =	ssettag $0x1  }
0x1: {  	s1 =	rddreg [dreg:$0x0]  }
0x2: {  	s0 =	rddreg [dreg:$0x1]  }
0x3: {  	s3 =	simm.s32 $0x0;
	s2 =	srdreg.scid;
	s4 =	stileid.u32  }
0x4: {  	s28 =	simm.s32 $0x10000;
	s29 =	simm.s32 $0x4;
	s30 =	simm.s32 $0x14000  }
0x5: {  	s31 =	simm.s32 $0x5;
	[smem:$0x7FF] =	sst s3;
	s2 =	sand.u32 $0x1, s2  }
0x6: {  	s4 =	sshll.u32 s4, $0x1;
	s5 =	sadd.s32 $0x100C00, s0;
	s25 =	sadd.s32 $0x1000, s1  }
0x7: {  	_ =	strace $0x8000004D;
	s6 =	ssub.s32 $0x2, s2;
	s2 =	sor.u32 s2, s4  }
0x8: {  	s4 =	sadd.s32 $0xC00, s0;
	s7 =	sshrl.u32 s6, $0x1;
	s8 =	sshll.u32 s2, $0xF  }
0x9: {  	s11 =	sshll.u32 s2, $0x8;
	s2 =	simm.s32 $0x6;
	s12 =	sadd.s32 s4, s8  }
0xa: {  	s9 =	ssub.s32 s6, s7;
	s10 =	sadd.s32 s1, s8;
	[dreg:$0x4] =	wrdreg s12  }
0xb: {  	s14 =	sor.u32 $0x800, s8;
	s15 =	sadd.s32 s5, s8;
	[dreg:$0x3] =	wrdreg s10  }
0xc: {  	s16 =	sor.u32 $0x100000, s8;
	s20 =	sor.u32 $0x200000, s8;
	[dreg:$0x6] =	wrdreg s14  }
0xd: {  	s22 =	sor.u32 $0x300000, s8;
	s23 =	sor.u32 $0x100800, s8;
	[dreg:$0x7] =	wrdreg s15  }
0xe: {  	s17 =	smov.u32 s11;
	s24 =	sor.u32 $0x20, s11;
	[dreg:$0x8] =	wrdreg s20  }
0xf: {  	s26 =	sor.u32 $0x200800, s8;
	s18 =	sor.u32 $0x300800, s8;
	[dreg:$0xa] =	wrdreg s22  }
0x10: {  	s19 =	sadd.s32 s8, s25;
	s8 =	simm.s32 $0x8;
	[dreg:$0xb] =	wrdreg s23  }
0x11: {  	s6 =	simm.s32 $0xA;
	s13 =	sadd.s32 $0x100000, s10;
	[dreg:$0xc] =	wrdreg s24  }
0x12: {  	s21 =	sadd.s32 s5, s16;
	[dreg:$0xd] =	wrdreg s26;
	s20 =	sadd.s32 s16, s25  }
0x13: {  	s0 =	smax.u32 s9, $0x1;
	s22 =	simm.s32 $0x8000;
	s23 =	simm.s32 $0xC000  }
0x14: {  	s25 =	simm.s32 $0x1;
	s26 =	simm.s32 $0x3;
	[dreg:$0x5] =	wrdreg s13  }
0x15: {  	s9 =	simm.s32 $0x2;
	s10 =	simm.s32 $0x0;
	[dreg:$0x9] =	wrdreg s21  }
0x16: {  	[dreg:$0xe] =	wrdreg s0;
	s0 =	simm.s32 $0x7;
	s21 =	simm.s32 $0x9  }
.LBB2_1:
0x17: {  	[dreg:$0xf] =	wrdreg s10  }
0x18: {  	s7 =	rddreg [dreg:$0x4]  }
0x19: {  	[tilespmem:s3], [sflag:$0x1] =	stream.linear.gather [hbm4b:s7+s3], $0x4000, $0x38;
	[tilespmem:$0x18000] =	vst v63  }
0x1a: {  	s16 =	rddreg [dreg:$0x3]  }
0x1b: {  	[tilespmem:s22], [sflag:$0x3] =	stream.linear.gather [hbm4b:s16+s3], $0x4000, $0x38;
	[tilespmem:$0x18000] =	vst v63  }
0x1c: {  	s24 =	rddreg [dreg:$0x5];
	s7 =	simm.s32 $0x0  }
0x1d: {  	[tilespmem:s23], [sflag:$0x4] =	stream.linear.gather [hbm4b:s24+s3], $0x4000, $0x38;
	[tilespmem:$0x18000] =	vst v63  }
.LBB2_2:
0x1e: {  	s10 =	sshll.u32 s7, $0x5  }
0x1f: {  	s11 =	sadd.s32 s10, s17  }
0x20: {  	s11 =	sshll.u32 s11, $0x7  }
0x21: {  	s11 =	sadd.s32 $0x800, s11  }
0x22: {  	s11 =	sand.u32 $0x1FFFF800, s11  }
0x23: {  	s12 =	simm.s32 $0x4000;
	s11 =	sadd.s32 s4, s11  }
0x24: {  	[tilespmem:s12], [sflag:$0x2] =	stream.linear.gather [hbm4b:s11+s3], $0x4000, $0x38;
	[tilespmem:$0x18000] =	vst v63  }
0x25: {  	_ =	swait.ge [sflag:s25], $0x4000  }
0x26: {  	[sflag:s25] =	ssyncset.done $0x0  }
0x27: {  	[sflag:s25] =	ssyncadd.s32 $0xFFFFC000  }
0x28: {  	_ =	swait.ge [sflag:s26], $0x4000  }
0x29: {  	[sflag:s26] =	ssyncset.done $0x0  }
0x2a: {  	s11 =	simm.s32 $0x8040;
	[sflag:s26] =	ssyncadd.s32 $0xFFFFC000  }
0x2b: {  	s12 =	simm.s32 $0x40;
	v1 =	vld [tilespmem:s11+$0x30]  }
0x2c: {  	v2 =	vld [tilespmem:s12+$0x30]  }
0x2d: {  	v0 =	vld [tilespmem:s12+$0xFFFFFFC0]  }
0x2e: {  	v3 =	vld [tilespmem:s11+$0xFFFFFFD0]  }
0x2f: {  	v4 =	vld [tilespmem:s12+$0xFFFFFFD0]  }
0x30: {  	v5 =	vld [tilespmem:s11+$0xFFFFFFE0]  }
0x31: {  	v6 =	vld [tilespmem:s12+$0xFFFFFFE0]  }
0x32: {  	v7 =	vld [tilespmem:s11+$0xFFFFFFF0]  }
0x33: {  	v8 =	vld [tilespmem:s12+$0xFFFFFFF0]  }
0x34: {  	v9 =	vld [tilespmem:s11+$0x0]  }
0x35: {  	v10 =	vld [tilespmem:s12+$0x0];
	v2 =	vadd.f32 v2, v1  }
0x36: {  	v4 =	vadd.f32 v4, v3;
	v1 =	vld [tilespmem:s11+$0x10]  }
0x37: {  	v5 =	vadd.f32 v6, v5;
	v3 =	vld [tilespmem:s12+$0x10];
	[tilespmem:s11+$0x30] =	vst v2  }
0x38: {  	v6 =	vadd.f32 v8, v7;
	[tilespmem:s11+$0xFFFFFFD0] =	vst v4;
	v2 =	vld [tilespmem:s11+$0x20]  }
0x39: {  	[tilespmem:s11+$0xFFFFFFE0] =	vst v5;
	v5 =	vld [tilespmem:s12+$0x20]  }
0x3a: {  	s13 =	simm.s32 $0x0;
	s14 =	simm.s32 $0x80C0;
	v4 =	vld [tilespmem:s11+$0xFFFFFFC0];
	[tilespmem:s11+$0xFFFFFFF0] =	vst v6;
	v6 =	vadd.f32 v10, v9  }
.LBB2_3:
0x3b: {  	v7 =	vld [tilespmem:s14+$0x30];
	s12 =	sadd.s32 $0x80, s12  }
0x3c: {  	s13 =	sadd.s32 $0x8, s13;
	v8 =	vld [tilespmem:s12+$0x30];
	[tilespmem:s11+$0x0] =	vst v6;
	v1 =	vadd.f32 v3, v1  }
0x3d: {  	p0 =	slt.u32 s13, $0x3F8;
	v3 =	vld [tilespmem:s12+$0xFFFFFFC0]  }
0x3e: {  	v6 =	vld [tilespmem:s14+$0xFFFFFFD0];
	[tilespmem:s11+$0x10] =	vst v1;
	v1 =	vadd.f32 v5, v2  }
0x3f: {  	v2 =	vld [tilespmem:s12+$0xFFFFFFD0];
	v9 =	vadd.f32 v0, v4  }
0x40: {  	v4 =	vld [tilespmem:s14+$0xFFFFFFE0];
	[tilespmem:s11+$0x20] =	vst v1  }
0x41: {  	v1 =	vld [tilespmem:s12+$0xFFFFFFE0];
	v5 =	vadd.f32 v8, v7;
	[tilespmem:s11+$0xFFFFFFC0] =	vst v9;
	s11 =	smov.u32 s14  }
0x42: {  	v7 =	vld [tilespmem:s14+$0xFFFFFFF0];
	v0 =	vmov v3  }
0x43: {  	v8 =	vld [tilespmem:s12+$0xFFFFFFF0];
	[tilespmem:s14+$0x30] =	vst v5  }
0x44: {  	v2 =	vadd.f32 v2, v6;
	v6 =	vld [tilespmem:s14+$0x0]  }
0x45: {  	v9 =	vld [tilespmem:s12+$0x0]  }
.Ltmp0:
0x46: {  	[tilespmem:s14+$0xFFFFFFD0] =	vst v2;
	v2 =	vadd.f32 v1, v4;
	v1 =	vld [tilespmem:s14+$0x10];
	(pc) =	sbr.rel @p0 .LBB2_3-.Ltmp0, $4  }
0x47: {  	v3 =	vld [tilespmem:s12+$0x10]  }
0x48: {  	[tilespmem:s14+$0xFFFFFFE0] =	vst v2;
	v7 =	vadd.f32 v8, v7;
	v2 =	vld [tilespmem:s14+$0x20]  }
0x49: {  	v5 =	vld [tilespmem:s12+$0x20]  }
0x4a: {  	s14 =	sadd.s32 $0x80, s14;
	v4 =	vld [tilespmem:s11+$0xFFFFFFC0];
	[tilespmem:s11+$0xFFFFFFF0] =	vst v7;
	v6 =	vadd.f32 v9, v6  }
0x4b: {  	_ =	sdelay $0x1  }
0x4c: {  	v1 =	vadd.f32 v3, v1  }
0x4d: {  	[tilespmem:s11+$0x0] =	vst v6;
	v2 =	vadd.f32 v5, v2  }
0x4e: {  	[tilespmem:s11+$0x10] =	vst v1;
	v0 =	vadd.f32 v0, v4  }
0x4f: {  	[tilespmem:s11+$0x20] =	vst v2  }
0x50: {  	[tilespmem:s11+$0xFFFFFFC0] =	vst v0  }
0x51: {  	s24 =	sshll.u32 s7, $0xC;
	p0 =	seq.s32 s7, $0x0;
	s11 =	rddreg [dreg:$0x7]  }
0x52: {  	s12 =	simm.s32 @!p0 $0x9;
	s11 =	sadd.s32 s24, s11  }
0x53: {  	[hbm4b:s11+s3] =	stream.linear.scatter [tilespmem:s22], [sflag:$0x7], $0x4000, $0x38;
	[tilespmem:$0x18000] =	vst v63  }
0x54: {  	_ =	swait.ge @!p0 [sflag:s12], $0x4000  }
0x55: {  	s15 =	rddreg [dreg:$0x8]  }
0x56: {  	[sflag:s12] =	ssyncset.done @!p0 $0x0;
	s11 =	sor.u32 s15, s24  }
0x57: {  	[sflag:s12] =	ssyncadd.s32 @!p0 $0xFFFFC000;
	s16 =	sadd.s32 s1, s11  }
0x58: {  	[tilespmem:s28], [sflag:$0x5] =	stream.linear.gather [hbm4b:s16+s3], $0x4000, $0x38;
	[tilespmem:$0x18000] =	vst v63  }
0x59: {  	_ =	swait.ge [sflag:s29], $0x4000  }
0x5a: {  	[sflag:s29] =	ssyncset.done $0x0  }
0x5b: {  	s12 =	simm.s32 $0xC040;
	[sflag:s29] =	ssyncadd.s32 $0xFFFFC000  }
0x5c: {  	s13 =	simm.s32 $0x40;
	v1 =	vld [tilespmem:s12+$0x30]  }
0x5d: {  	v2 =	vld [tilespmem:s13+$0x30]  }
0x5e: {  	v0 =	vld [tilespmem:s13+$0xFFFFFFC0]  }
0x5f: {  	v3 =	vld [tilespmem:s12+$0xFFFFFFD0]  }
0x60: {  	v4 =	vld [tilespmem:s13+$0xFFFFFFD0]  }
0x61: {  	v5 =	vld [tilespmem:s12+$0xFFFFFFE0]  }
0x62: {  	v6 =	vld [tilespmem:s13+$0xFFFFFFE0]  }
0x63: {  	v7 =	vld [tilespmem:s12+$0xFFFFFFF0]  }
0x64: {  	v8 =	vld [tilespmem:s13+$0xFFFFFFF0]  }
0x65: {  	v9 =	vld [tilespmem:s12+$0x0]  }
0x66: {  	v10 =	vld [tilespmem:s13+$0x0];
	v2 =	vadd.f32 v2, v1  }
0x67: {  	v4 =	vadd.f32 v4, v3;
	v1 =	vld [tilespmem:s12+$0x10]  }
0x68: {  	v5 =	vadd.f32 v6, v5;
	v3 =	vld [tilespmem:s13+$0x10];
	[tilespmem:s12+$0x30] =	vst v2  }
0x69: {  	v6 =	vadd.f32 v8, v7;
	[tilespmem:s12+$0xFFFFFFD0] =	vst v4;
	v2 =	vld [tilespmem:s12+$0x20]  }
0x6a: {  	[tilespmem:s12+$0xFFFFFFE0] =	vst v5;
	v5 =	vld [tilespmem:s13+$0x20]  }
0x6b: {  	s14 =	simm.s32 $0x0;
	s15 =	simm.s32 $0xC0C0;
	v4 =	vld [tilespmem:s12+$0xFFFFFFC0];
	[tilespmem:s12+$0xFFFFFFF0] =	vst v6;
	v6 =	vadd.f32 v10, v9  }
.LBB2_5:
0x6c: {  	v7 =	vld [tilespmem:s15+$0x30];
	s13 =	sadd.s32 $0x80, s13  }
0x6d: {  	s14 =	sadd.s32 $0x8, s14;
	v8 =	vld [tilespmem:s13+$0x30];
	[tilespmem:s12+$0x0] =	vst v6;
	v1 =	vadd.f32 v3, v1  }
0x6e: {  	p1 =	slt.u32 s14, $0x3F8;
	v3 =	vld [tilespmem:s13+$0xFFFFFFC0]  }
0x6f: {  	v6 =	vld [tilespmem:s15+$0xFFFFFFD0];
	[tilespmem:s12+$0x10] =	vst v1;
	v1 =	vadd.f32 v5, v2  }
0x70: {  	v2 =	vld [tilespmem:s13+$0xFFFFFFD0];
	v9 =	vadd.f32 v0, v4  }
0x71: {  	v4 =	vld [tilespmem:s15+$0xFFFFFFE0];
	[tilespmem:s12+$0x20] =	vst v1  }
0x72: {  	v1 =	vld [tilespmem:s13+$0xFFFFFFE0];
	v5 =	vadd.f32 v8, v7;
	[tilespmem:s12+$0xFFFFFFC0] =	vst v9;
	s12 =	smov.u32 s15  }
0x73: {  	v7 =	vld [tilespmem:s15+$0xFFFFFFF0];
	v0 =	vmov v3  }
0x74: {  	v8 =	vld [tilespmem:s13+$0xFFFFFFF0];
	[tilespmem:s15+$0x30] =	vst v5  }
0x75: {  	v2 =	vadd.f32 v2, v6;
	v6 =	vld [tilespmem:s15+$0x0]  }
0x76: {  	v9 =	vld [tilespmem:s13+$0x0]  }
.Ltmp1:
0x77: {  	[tilespmem:s15+$0xFFFFFFD0] =	vst v2;
	v2 =	vadd.f32 v1, v4;
	v1 =	vld [tilespmem:s15+$0x10];
	(pc) =	sbr.rel @p1 .LBB2_5-.Ltmp1, $4  }
0x78: {  	v3 =	vld [tilespmem:s13+$0x10]  }
0x79: {  	[tilespmem:s15+$0xFFFFFFE0] =	vst v2;
	v7 =	vadd.f32 v8, v7;
	v2 =	vld [tilespmem:s15+$0x20]  }
0x7a: {  	v5 =	vld [tilespmem:s13+$0x20]  }
0x7b: {  	s15 =	sadd.s32 $0x80, s15;
	v4 =	vld [tilespmem:s12+$0xFFFFFFC0];
	[tilespmem:s12+$0xFFFFFFF0] =	vst v7;
	v6 =	vadd.f32 v9, v6  }
0x7c: {  	_ =	sdelay $0x1  }
0x7d: {  	v1 =	vadd.f32 v3, v1  }
0x7e: {  	[tilespmem:s12+$0x0] =	vst v6;
	v2 =	vadd.f32 v5, v2  }
0x7f: {  	[tilespmem:s12+$0x10] =	vst v1;
	v0 =	vadd.f32 v0, v4  }
0x80: {  	[tilespmem:s12+$0x20] =	vst v2  }
0x81: {  	[tilespmem:s12+$0xFFFFFFC0] =	vst v0  }
0x82: {  	s12 =	rddreg [dreg:$0x9]  }
0x83: {  	s13 =	simm.s32 @!p0 $0xA;
	s12 =	sadd.s32 s24, s12  }
0x84: {  	[hbm4b:s12+s3] =	stream.linear.scatter [tilespmem:s23], [sflag:$0x8], $0x4000, $0x38;
	[tilespmem:$0x18000] =	vst v63  }
0x85: {  	_ =	swait.ge @!p0 [sflag:s13], $0x4000  }
0x86: {  	s15 =	rddreg [dreg:$0xa]  }
0x87: {  	[sflag:s13] =	ssyncset.done @!p0 $0x0;
	s12 =	sor.u32 s15, s24  }
0x88: {  	[sflag:s13] =	ssyncadd.s32 @!p0 $0xFFFFC000;
	s16 =	sadd.s32 s1, s12  }
0x89: {  	[tilespmem:s30], [sflag:$0x6] =	stream.linear.gather [hbm4b:s16+s3], $0x4000, $0x38;
	[tilespmem:$0x18000] =	vst v63  }
0x8a: {  	_ =	swait.ge [sflag:s31], $0x4000  }
0x8b: {  	[sflag:s31] =	ssyncset.done $0x0  }
0x8c: {  	s13 =	simm.s32 $0x10040;
	[sflag:s31] =	ssyncadd.s32 $0xFFFFC000  }
0x8d: {  	s14 =	simm.s32 $0x40;
	v1 =	vld [tilespmem:s13+$0x30]  }
0x8e: {  	v2 =	vld [tilespmem:s14+$0x30]  }
0x8f: {  	v0 =	vld [tilespmem:s14+$0xFFFFFFC0]  }
0x90: {  	v3 =	vld [tilespmem:s13+$0xFFFFFFD0]  }
0x91: {  	v4 =	vld [tilespmem:s14+$0xFFFFFFD0]  }
0x92: {  	v5 =	vld [tilespmem:s13+$0xFFFFFFE0]  }
0x93: {  	v6 =	vld [tilespmem:s14+$0xFFFFFFE0]  }
0x94: {  	v7 =	vld [tilespmem:s13+$0xFFFFFFF0]  }
0x95: {  	v8 =	vld [tilespmem:s14+$0xFFFFFFF0]  }
0x96: {  	v9 =	vld [tilespmem:s13+$0x0]  }
0x97: {  	v10 =	vld [tilespmem:s14+$0x0];
	v2 =	vadd.f32 v2, v1  }
0x98: {  	v4 =	vadd.f32 v4, v3;
	v1 =	vld [tilespmem:s13+$0x10]  }
0x99: {  	v5 =	vadd.f32 v6, v5;
	v3 =	vld [tilespmem:s14+$0x10];
	[tilespmem:s13+$0x30] =	vst v2  }
0x9a: {  	v6 =	vadd.f32 v8, v7;
	[tilespmem:s13+$0xFFFFFFD0] =	vst v4;
	v2 =	vld [tilespmem:s13+$0x20]  }
0x9b: {  	[tilespmem:s13+$0xFFFFFFE0] =	vst v5;
	v5 =	vld [tilespmem:s14+$0x20]  }
0x9c: {  	s15 =	simm.s32 $0x0;
	s16 =	simm.s32 $0x100C0;
	v4 =	vld [tilespmem:s13+$0xFFFFFFC0];
	[tilespmem:s13+$0xFFFFFFF0] =	vst v6;
	v6 =	vadd.f32 v10, v9  }
.LBB2_7:
0x9d: {  	v7 =	vld [tilespmem:s16+$0x30];
	s14 =	sadd.s32 $0x80, s14  }
0x9e: {  	s15 =	sadd.s32 $0x8, s15;
	v8 =	vld [tilespmem:s14+$0x30];
	[tilespmem:s13+$0x0] =	vst v6;
	v1 =	vadd.f32 v3, v1  }
0x9f: {  	p0 =	slt.u32 s15, $0x3F8;
	v3 =	vld [tilespmem:s14+$0xFFFFFFC0]  }
0xa0: {  	v6 =	vld [tilespmem:s16+$0xFFFFFFD0];
	[tilespmem:s13+$0x10] =	vst v1;
	v1 =	vadd.f32 v5, v2  }
0xa1: {  	v2 =	vld [tilespmem:s14+$0xFFFFFFD0];
	v9 =	vadd.f32 v0, v4  }
0xa2: {  	v4 =	vld [tilespmem:s16+$0xFFFFFFE0];
	[tilespmem:s13+$0x20] =	vst v1  }
0xa3: {  	v1 =	vld [tilespmem:s14+$0xFFFFFFE0];
	v5 =	vadd.f32 v8, v7;
	[tilespmem:s13+$0xFFFFFFC0] =	vst v9;
	s13 =	smov.u32 s16  }
0xa4: {  	v7 =	vld [tilespmem:s16+$0xFFFFFFF0];
	v0 =	vmov v3  }
0xa5: {  	v8 =	vld [tilespmem:s14+$0xFFFFFFF0];
	[tilespmem:s16+$0x30] =	vst v5  }
0xa6: {  	v2 =	vadd.f32 v2, v6;
	v6 =	vld [tilespmem:s16+$0x0]  }
0xa7: {  	v9 =	vld [tilespmem:s14+$0x0]  }
.Ltmp2:
0xa8: {  	[tilespmem:s16+$0xFFFFFFD0] =	vst v2;
	v2 =	vadd.f32 v1, v4;
	v1 =	vld [tilespmem:s16+$0x10];
	(pc) =	sbr.rel @p0 .LBB2_7-.Ltmp2, $4  }
0xa9: {  	v3 =	vld [tilespmem:s14+$0x10]  }
0xaa: {  	[tilespmem:s16+$0xFFFFFFE0] =	vst v2;
	v7 =	vadd.f32 v8, v7;
	v2 =	vld [tilespmem:s16+$0x20]  }
0xab: {  	v5 =	vld [tilespmem:s14+$0x20]  }
0xac: {  	s16 =	sadd.s32 $0x80, s16;
	v4 =	vld [tilespmem:s13+$0xFFFFFFC0];
	[tilespmem:s13+$0xFFFFFFF0] =	vst v7;
	v6 =	vadd.f32 v9, v6  }
0xad: {  	_ =	sdelay $0x1  }
0xae: {  	v1 =	vadd.f32 v3, v1  }
0xaf: {  	[tilespmem:s13+$0x0] =	vst v6;
	v2 =	vadd.f32 v5, v2  }
0xb0: {  	[tilespmem:s13+$0x10] =	vst v1;
	v0 =	vadd.f32 v0, v4  }
0xb1: {  	[tilespmem:s13+$0x20] =	vst v2  }
0xb2: {  	s11 =	sadd.s32 s5, s11;
	[tilespmem:s13+$0xFFFFFFC0] =	vst v0  }
0xb3: {  	[hbm4b:s11+s3] =	stream.linear.scatter [tilespmem:s28], [sflag:$0x9], $0x4000, $0x38;
	[tilespmem:$0x18000] =	vst v63  }
0xb4: {  	_ =	swait.ge [sflag:s0], $0x4000  }
0xb5: {  	s15 =	rddreg [dreg:$0x6]  }
0xb6: {  	[sflag:s0] =	ssyncset.done $0x0;
	s11 =	sadd.s32 s15, s24  }
0xb7: {  	[sflag:s0] =	ssyncadd.s32 $0xFFFFC000;
	s16 =	sadd.s32 s1, s11  }
0xb8: {  	[tilespmem:s22], [sflag:$0x3] =	stream.linear.gather [hbm4b:s16+s3], $0x4000, $0x38;
	[tilespmem:$0x18000] =	vst v63  }
0xb9: {  	_ =	swait.ge [sflag:s2], $0x4000  }
0xba: {  	[sflag:s2] =	ssyncset.done $0x0  }
0xbb: {  	s13 =	simm.s32 $0x14040;
	[sflag:s2] =	ssyncadd.s32 $0xFFFFC000  }
0xbc: {  	s14 =	simm.s32 $0x40;
	v1 =	vld [tilespmem:s13+$0x30]  }
0xbd: {  	v2 =	vld [tilespmem:s14+$0x30]  }
0xbe: {  	v0 =	vld [tilespmem:s14+$0xFFFFFFC0]  }
0xbf: {  	v3 =	vld [tilespmem:s13+$0xFFFFFFD0]  }
0xc0: {  	v4 =	vld [tilespmem:s14+$0xFFFFFFD0]  }
0xc1: {  	v5 =	vld [tilespmem:s13+$0xFFFFFFE0]  }
0xc2: {  	v6 =	vld [tilespmem:s14+$0xFFFFFFE0]  }
0xc3: {  	v7 =	vld [tilespmem:s13+$0xFFFFFFF0]  }
0xc4: {  	v8 =	vld [tilespmem:s14+$0xFFFFFFF0]  }
0xc5: {  	v9 =	vld [tilespmem:s13+$0x0]  }
0xc6: {  	v10 =	vld [tilespmem:s14+$0x0];
	v2 =	vadd.f32 v2, v1  }
0xc7: {  	v4 =	vadd.f32 v4, v3;
	v1 =	vld [tilespmem:s13+$0x10]  }
0xc8: {  	v5 =	vadd.f32 v6, v5;
	v3 =	vld [tilespmem:s14+$0x10];
	[tilespmem:s13+$0x30] =	vst v2  }
0xc9: {  	v6 =	vadd.f32 v8, v7;
	[tilespmem:s13+$0xFFFFFFD0] =	vst v4;
	v2 =	vld [tilespmem:s13+$0x20]  }
0xca: {  	[tilespmem:s13+$0xFFFFFFE0] =	vst v5;
	v5 =	vld [tilespmem:s14+$0x20]  }
0xcb: {  	s15 =	simm.s32 $0x0;
	s16 =	simm.s32 $0x140C0;
	v4 =	vld [tilespmem:s13+$0xFFFFFFC0];
	[tilespmem:s13+$0xFFFFFFF0] =	vst v6;
	v6 =	vadd.f32 v10, v9  }
.LBB2_9:
0xcc: {  	v7 =	vld [tilespmem:s16+$0x30];
	s14 =	sadd.s32 $0x80, s14  }
0xcd: {  	s15 =	sadd.s32 $0x8, s15;
	v8 =	vld [tilespmem:s14+$0x30];
	[tilespmem:s13+$0x0] =	vst v6;
	v1 =	vadd.f32 v3, v1  }
0xce: {  	p0 =	slt.u32 s15, $0x3F8;
	v3 =	vld [tilespmem:s14+$0xFFFFFFC0]  }
0xcf: {  	v6 =	vld [tilespmem:s16+$0xFFFFFFD0];
	[tilespmem:s13+$0x10] =	vst v1;
	v1 =	vadd.f32 v5, v2  }
0xd0: {  	v2 =	vld [tilespmem:s14+$0xFFFFFFD0];
	v9 =	vadd.f32 v0, v4  }
0xd1: {  	v4 =	vld [tilespmem:s16+$0xFFFFFFE0];
	[tilespmem:s13+$0x20] =	vst v1  }
0xd2: {  	v1 =	vld [tilespmem:s14+$0xFFFFFFE0];
	v5 =	vadd.f32 v8, v7;
	[tilespmem:s13+$0xFFFFFFC0] =	vst v9;
	s13 =	smov.u32 s16  }
0xd3: {  	v7 =	vld [tilespmem:s16+$0xFFFFFFF0];
	v0 =	vmov v3  }
0xd4: {  	v8 =	vld [tilespmem:s14+$0xFFFFFFF0];
	[tilespmem:s16+$0x30] =	vst v5  }
0xd5: {  	v2 =	vadd.f32 v2, v6;
	v6 =	vld [tilespmem:s16+$0x0]  }
0xd6: {  	v9 =	vld [tilespmem:s14+$0x0]  }
.Ltmp3:
0xd7: {  	[tilespmem:s16+$0xFFFFFFD0] =	vst v2;
	v2 =	vadd.f32 v1, v4;
	v1 =	vld [tilespmem:s16+$0x10];
	(pc) =	sbr.rel @p0 .LBB2_9-.Ltmp3, $4  }
0xd8: {  	v3 =	vld [tilespmem:s14+$0x10]  }
0xd9: {  	[tilespmem:s16+$0xFFFFFFE0] =	vst v2;
	v7 =	vadd.f32 v8, v7;
	v2 =	vld [tilespmem:s16+$0x20]  }
0xda: {  	v5 =	vld [tilespmem:s14+$0x20]  }
0xdb: {  	s16 =	sadd.s32 $0x80, s16;
	v4 =	vld [tilespmem:s13+$0xFFFFFFC0];
	[tilespmem:s13+$0xFFFFFFF0] =	vst v7;
	v6 =	vadd.f32 v9, v6  }
0xdc: {  	_ =	sdelay $0x1  }
0xdd: {  	v1 =	vadd.f32 v3, v1  }
0xde: {  	[tilespmem:s13+$0x0] =	vst v6;
	v2 =	vadd.f32 v5, v2  }
0xdf: {  	[tilespmem:s13+$0x10] =	vst v1;
	v0 =	vadd.f32 v0, v4  }
0xe0: {  	[tilespmem:s13+$0x20] =	vst v2  }
0xe1: {  	s12 =	sadd.s32 s5, s12;
	[tilespmem:s13+$0xFFFFFFC0] =	vst v0  }
0xe2: {  	[hbm4b:s12+s3] =	stream.linear.scatter [tilespmem:s30], [sflag:$0xA], $0x4000, $0x38;
	[tilespmem:$0x18000] =	vst v63  }
0xe3: {  	_ =	swait.ge [sflag:s8], $0x4000  }
0xe4: {  	p0 =	seq.s32 s7, $0x7;
	s15 =	rddreg [dreg:$0xb]  }
0xe5: {  	[sflag:s8] =	ssyncset.done $0x0;
	s13 =	rddreg [dreg:$0xc];
	s12 =	sadd.s32 s15, s24  }
0xe6: {  	[sflag:s8] =	ssyncadd.s32 $0xFFFFC000;
	s10 =	sadd.s32 @!p0 s10, s13;
	s16 =	sadd.s32 s1, s12  }
0xe7: {  	[tilespmem:s23], [sflag:$0x4] =	stream.linear.gather [hbm4b:s16+s3], $0x4000, $0x38;
	[tilespmem:$0x18000] =	vst v63  }
0xe8: {  	s10 =	sshll.u32 @!p0 s10, $0x7;
	_ =	swait.ge [sflag:s9], $0x4000  }
0xe9: {  	s10 =	sand.u32 @!p0 $0x1FFFF000, s10;
	[sflag:s9] =	ssyncset.done $0x0  }
0xea: {  	s13 =	simm.s32 @!p0 $0x0;
	s10 =	sadd.s32 @!p0 s4, s10;
	[sflag:s9] =	ssyncadd.s32 $0xFFFFC000  }
0xeb: {  	[tilespmem:s13], [sflag:$0x1] =	stream.linear.gather @!p0 [hbm4b:s10+s13], $0x4000, $0x38;
	[tilespmem:$0x18000] =	vst v63  }
0xec: {  	_ =	swait.ge [sflag:s26], $0x4000  }
0xed: {  	[sflag:s26] =	ssyncset.done $0x0  }
0xee: {  	s10 =	simm.s32 $0x8040;
	[sflag:s26] =	ssyncadd.s32 $0xFFFFC000  }
0xef: {  	s13 =	simm.s32 $0x4040;
	v1 =	vld [tilespmem:s10+$0x30]  }
0xf0: {  	v2 =	vld [tilespmem:s13+$0x30]  }
0xf1: {  	v0 =	vld [tilespmem:s13+$0xFFFFFFC0]  }
0xf2: {  	v3 =	vld [tilespmem:s10+$0xFFFFFFD0]  }
0xf3: {  	v4 =	vld [tilespmem:s13+$0xFFFFFFD0]  }
0xf4: {  	v5 =	vld [tilespmem:s10+$0xFFFFFFE0]  }
0xf5: {  	v6 =	vld [tilespmem:s13+$0xFFFFFFE0]  }
0xf6: {  	v7 =	vld [tilespmem:s10+$0xFFFFFFF0]  }
0xf7: {  	v8 =	vld [tilespmem:s13+$0xFFFFFFF0]  }
0xf8: {  	v9 =	vld [tilespmem:s10+$0x0]  }
0xf9: {  	v10 =	vld [tilespmem:s13+$0x0];
	v2 =	vadd.f32 v2, v1  }
0xfa: {  	v4 =	vadd.f32 v4, v3;
	v1 =	vld [tilespmem:s10+$0x10]  }
0xfb: {  	v5 =	vadd.f32 v6, v5;
	v3 =	vld [tilespmem:s13+$0x10];
	[tilespmem:s10+$0x30] =	vst v2  }
0xfc: {  	v6 =	vadd.f32 v8, v7;
	[tilespmem:s10+$0xFFFFFFD0] =	vst v4;
	v2 =	vld [tilespmem:s10+$0x20]  }
0xfd: {  	[tilespmem:s10+$0xFFFFFFE0] =	vst v5;
	v4 =	vld [tilespmem:s13+$0x20]  }
0xfe: {  	s7 =	sadd.s32 $0x1, s7;
	s14 =	simm.s32 $0x0;
	s15 =	simm.s32 $0x80C0;
	v5 =	vld [tilespmem:s10+$0xFFFFFFC0];
	[tilespmem:s10+$0xFFFFFFF0] =	vst v6;
	v6 =	vadd.f32 v10, v9  }
.LBB2_11:
0xff: {  	v7 =	vld [tilespmem:s15+$0x30];
	s13 =	sadd.s32 $0x80, s13  }
0x100: {  	s14 =	sadd.s32 $0x8, s14;
	v8 =	vld [tilespmem:s13+$0x30];
	[tilespmem:s10+$0x0] =	vst v6;
	v1 =	vadd.f32 v3, v1  }
0x101: {  	p1 =	slt.u32 s14, $0x3F8;
	v3 =	vld [tilespmem:s13+$0xFFFFFFC0]  }
0x102: {  	v6 =	vld [tilespmem:s15+$0xFFFFFFD0];
	[tilespmem:s10+$0x10] =	vst v1;
	v1 =	vadd.f32 v4, v2  }
0x103: {  	v2 =	vld [tilespmem:s13+$0xFFFFFFD0];
	v9 =	vadd.f32 v0, v5  }
0x104: {  	v4 =	vld [tilespmem:s15+$0xFFFFFFE0];
	[tilespmem:s10+$0x20] =	vst v1  }
0x105: {  	v1 =	vld [tilespmem:s13+$0xFFFFFFE0];
	v5 =	vadd.f32 v8, v7;
	[tilespmem:s10+$0xFFFFFFC0] =	vst v9;
	s10 =	smov.u32 s15  }
0x106: {  	v7 =	vld [tilespmem:s15+$0xFFFFFFF0];
	v0 =	vmov v3  }
0x107: {  	v8 =	vld [tilespmem:s13+$0xFFFFFFF0];
	[tilespmem:s15+$0x30] =	vst v5  }
0x108: {  	v2 =	vadd.f32 v2, v6;
	v6 =	vld [tilespmem:s15+$0x0]  }
0x109: {  	v9 =	vld [tilespmem:s13+$0x0]  }
.Ltmp4:
0x10a: {  	[tilespmem:s15+$0xFFFFFFD0] =	vst v2;
	v2 =	vadd.f32 v1, v4;
	v1 =	vld [tilespmem:s15+$0x10];
	(pc) =	sbr.rel @p1 .LBB2_11-.Ltmp4, $4  }
0x10b: {  	v3 =	vld [tilespmem:s13+$0x10]  }
0x10c: {  	[tilespmem:s15+$0xFFFFFFE0] =	vst v2;
	v7 =	vadd.f32 v8, v7;
	v2 =	vld [tilespmem:s15+$0x20]  }
0x10d: {  	v4 =	vld [tilespmem:s13+$0x20]  }
0x10e: {  	s15 =	sadd.s32 $0x80, s15;
	v5 =	vld [tilespmem:s10+$0xFFFFFFC0];
	[tilespmem:s10+$0xFFFFFFF0] =	vst v7;
	v6 =	vadd.f32 v9, v6  }
0x10f: {  	_ =	sdelay $0x1  }
0x110: {  	v1 =	vadd.f32 v3, v1  }
0x111: {  	[tilespmem:s10+$0x0] =	vst v6;
	v2 =	vadd.f32 v4, v2  }
0x112: {  	[tilespmem:s10+$0x10] =	vst v1;
	v0 =	vadd.f32 v0, v5  }
0x113: {  	[tilespmem:s10+$0x20] =	vst v2  }
0x114: {  	s15 =	sadd.s32 s5, s11;
	[tilespmem:s10+$0xFFFFFFC0] =	vst v0  }
0x115: {  	[hbm4b:s15+s3] =	stream.linear.scatter [tilespmem:s22], [sflag:$0x7], $0x4000, $0x38;
	[tilespmem:$0x18000] =	vst v63  }
0x116: {  	_ =	swait.ge [sflag:s21], $0x4000  }
0x117: {  	s16 =	rddreg [dreg:$0xd]  }
0x118: {  	[sflag:s21] =	ssyncset.done $0x0;
	s11 =	sadd.s32 s16, s24  }
0x119: {  	[sflag:s21] =	ssyncadd.s32 $0xFFFFC000;
	s10 =	sadd.s32 s1, s11  }
0x11a: {  	[tilespmem:s28], [sflag:$0x5] =	stream.linear.gather [hbm4b:s10+s3], $0x4000, $0x38;
	[tilespmem:$0x18000] =	vst v63  }
0x11b: {  	_ =	swait.ge [sflag:s29], $0x4000  }
0x11c: {  	[sflag:s29] =	ssyncset.done $0x0  }
0x11d: {  	s10 =	simm.s32 $0xC040;
	[sflag:s29] =	ssyncadd.s32 $0xFFFFC000  }
0x11e: {  	s13 =	simm.s32 $0x4040;
	v1 =	vld [tilespmem:s10+$0x30]  }
0x11f: {  	v2 =	vld [tilespmem:s13+$0x30]  }
0x120: {  	v0 =	vld [tilespmem:s13+$0xFFFFFFC0]  }
0x121: {  	v3 =	vld [tilespmem:s10+$0xFFFFFFD0]  }
0x122: {  	v4 =	vld [tilespmem:s13+$0xFFFFFFD0]  }
0x123: {  	v5 =	vld [tilespmem:s10+$0xFFFFFFE0]  }
0x124: {  	v6 =	vld [tilespmem:s13+$0xFFFFFFE0]  }
0x125: {  	v7 =	vld [tilespmem:s10+$0xFFFFFFF0]  }
0x126: {  	v8 =	vld [tilespmem:s13+$0xFFFFFFF0]  }
0x127: {  	v9 =	vld [tilespmem:s10+$0x0]  }
0x128: {  	v10 =	vld [tilespmem:s13+$0x0];
	v2 =	vadd.f32 v2, v1  }
0x129: {  	v4 =	vadd.f32 v4, v3;
	v1 =	vld [tilespmem:s10+$0x10]  }
0x12a: {  	v5 =	vadd.f32 v6, v5;
	v3 =	vld [tilespmem:s13+$0x10];
	[tilespmem:s10+$0x30] =	vst v2  }
0x12b: {  	v6 =	vadd.f32 v8, v7;
	[tilespmem:s10+$0xFFFFFFD0] =	vst v4;
	v2 =	vld [tilespmem:s10+$0x20]  }
0x12c: {  	[tilespmem:s10+$0xFFFFFFE0] =	vst v5;
	v5 =	vld [tilespmem:s13+$0x20]  }
0x12d: {  	s14 =	simm.s32 $0x0;
	s15 =	simm.s32 $0xC0C0;
	v4 =	vld [tilespmem:s10+$0xFFFFFFC0];
	[tilespmem:s10+$0xFFFFFFF0] =	vst v6;
	v6 =	vadd.f32 v10, v9  }
.LBB2_13:
0x12e: {  	v7 =	vld [tilespmem:s15+$0x30];
	s13 =	sadd.s32 $0x80, s13  }
0x12f: {  	s14 =	sadd.s32 $0x8, s14;
	v8 =	vld [tilespmem:s13+$0x30];
	[tilespmem:s10+$0x0] =	vst v6;
	v1 =	vadd.f32 v3, v1  }
0x130: {  	p1 =	slt.u32 s14, $0x3F8;
	v3 =	vld [tilespmem:s13+$0xFFFFFFC0]  }
0x131: {  	v6 =	vld [tilespmem:s15+$0xFFFFFFD0];
	[tilespmem:s10+$0x10] =	vst v1;
	v1 =	vadd.f32 v5, v2  }
0x132: {  	v2 =	vld [tilespmem:s13+$0xFFFFFFD0];
	v9 =	vadd.f32 v0, v4  }
0x133: {  	v4 =	vld [tilespmem:s15+$0xFFFFFFE0];
	[tilespmem:s10+$0x20] =	vst v1  }
0x134: {  	v1 =	vld [tilespmem:s13+$0xFFFFFFE0];
	v5 =	vadd.f32 v8, v7;
	[tilespmem:s10+$0xFFFFFFC0] =	vst v9;
	s10 =	smov.u32 s15  }
0x135: {  	v7 =	vld [tilespmem:s15+$0xFFFFFFF0];
	v0 =	vmov v3  }
0x136: {  	v8 =	vld [tilespmem:s13+$0xFFFFFFF0];
	[tilespmem:s15+$0x30] =	vst v5  }
0x137: {  	v2 =	vadd.f32 v2, v6;
	v6 =	vld [tilespmem:s15+$0x0]  }
0x138: {  	v9 =	vld [tilespmem:s13+$0x0]  }
.Ltmp5:
0x139: {  	[tilespmem:s15+$0xFFFFFFD0] =	vst v2;
	v2 =	vadd.f32 v1, v4;
	v1 =	vld [tilespmem:s15+$0x10];
	(pc) =	sbr.rel @p1 .LBB2_13-.Ltmp5, $4  }
0x13a: {  	v3 =	vld [tilespmem:s13+$0x10]  }
0x13b: {  	[tilespmem:s15+$0xFFFFFFE0] =	vst v2;
	v7 =	vadd.f32 v8, v7;
	v2 =	vld [tilespmem:s15+$0x20]  }
0x13c: {  	v5 =	vld [tilespmem:s13+$0x20]  }
0x13d: {  	s15 =	sadd.s32 $0x80, s15;
	v4 =	vld [tilespmem:s10+$0xFFFFFFC0];
	[tilespmem:s10+$0xFFFFFFF0] =	vst v7;
	v6 =	vadd.f32 v9, v6  }
0x13e: {  	_ =	sdelay $0x1  }
0x13f: {  	v1 =	vadd.f32 v3, v1  }
0x140: {  	[tilespmem:s10+$0x0] =	vst v6;
	v2 =	vadd.f32 v5, v2  }
0x141: {  	[tilespmem:s10+$0x10] =	vst v1;
	v0 =	vadd.f32 v0, v4  }
0x142: {  	[tilespmem:s10+$0x20] =	vst v2  }
0x143: {  	s15 =	sadd.s32 s5, s12;
	[tilespmem:s10+$0xFFFFFFC0] =	vst v0  }
0x144: {  	[hbm4b:s15+s3] =	stream.linear.scatter [tilespmem:s23], [sflag:$0x8], $0x4000, $0x38;
	[tilespmem:$0x18000] =	vst v63  }
0x145: {  	_ =	swait.ge [sflag:s6], $0x4000  }
0x146: {  	s10 =	sadd.s32 s18, s24;
	[sflag:s6] =	ssyncset.done $0x0  }
0x147: {  	s16 =	sadd.s32 s1, s10;
	[sflag:s6] =	ssyncadd.s32 $0xFFFFC000  }
0x148: {  	[tilespmem:s30], [sflag:$0x6] =	stream.linear.gather [hbm4b:s16+s3], $0x4000, $0x38;
	[tilespmem:$0x18000] =	vst v63  }
0x149: {  	_ =	swait.ge [sflag:s31], $0x4000  }
0x14a: {  	[sflag:s31] =	ssyncset.done $0x0  }
0x14b: {  	s12 =	simm.s32 $0x10040;
	[sflag:s31] =	ssyncadd.s32 $0xFFFFC000  }
0x14c: {  	s13 =	simm.s32 $0x4040;
	v1 =	vld [tilespmem:s12+$0x30]  }
0x14d: {  	v2 =	vld [tilespmem:s13+$0x30]  }
0x14e: {  	v0 =	vld [tilespmem:s13+$0xFFFFFFC0]  }
0x14f: {  	v3 =	vld [tilespmem:s12+$0xFFFFFFD0]  }
0x150: {  	v4 =	vld [tilespmem:s13+$0xFFFFFFD0]  }
0x151: {  	v5 =	vld [tilespmem:s12+$0xFFFFFFE0]  }
0x152: {  	v6 =	vld [tilespmem:s13+$0xFFFFFFE0]  }
0x153: {  	v7 =	vld [tilespmem:s12+$0xFFFFFFF0]  }
0x154: {  	v8 =	vld [tilespmem:s13+$0xFFFFFFF0]  }
0x155: {  	v9 =	vld [tilespmem:s12+$0x0]  }
0x156: {  	v10 =	vld [tilespmem:s13+$0x0];
	v2 =	vadd.f32 v2, v1  }
0x157: {  	v4 =	vadd.f32 v4, v3;
	v1 =	vld [tilespmem:s12+$0x10]  }
0x158: {  	v5 =	vadd.f32 v6, v5;
	v3 =	vld [tilespmem:s13+$0x10];
	[tilespmem:s12+$0x30] =	vst v2  }
0x159: {  	v6 =	vadd.f32 v8, v7;
	[tilespmem:s12+$0xFFFFFFD0] =	vst v4;
	v2 =	vld [tilespmem:s12+$0x20]  }
0x15a: {  	[tilespmem:s12+$0xFFFFFFE0] =	vst v5;
	v5 =	vld [tilespmem:s13+$0x20]  }
0x15b: {  	s14 =	simm.s32 $0x0;
	s15 =	simm.s32 $0x100C0;
	v4 =	vld [tilespmem:s12+$0xFFFFFFC0];
	[tilespmem:s12+$0xFFFFFFF0] =	vst v6;
	v6 =	vadd.f32 v10, v9  }
.LBB2_15:
0x15c: {  	v7 =	vld [tilespmem:s15+$0x30];
	s13 =	sadd.s32 $0x80, s13  }
0x15d: {  	s14 =	sadd.s32 $0x8, s14;
	v8 =	vld [tilespmem:s13+$0x30];
	[tilespmem:s12+$0x0] =	vst v6;
	v1 =	vadd.f32 v3, v1  }
0x15e: {  	p1 =	slt.u32 s14, $0x3F8;
	v3 =	vld [tilespmem:s13+$0xFFFFFFC0]  }
0x15f: {  	v6 =	vld [tilespmem:s15+$0xFFFFFFD0];
	[tilespmem:s12+$0x10] =	vst v1;
	v1 =	vadd.f32 v5, v2  }
0x160: {  	v2 =	vld [tilespmem:s13+$0xFFFFFFD0];
	v9 =	vadd.f32 v0, v4  }
0x161: {  	v4 =	vld [tilespmem:s15+$0xFFFFFFE0];
	[tilespmem:s12+$0x20] =	vst v1  }
0x162: {  	v1 =	vld [tilespmem:s13+$0xFFFFFFE0];
	v5 =	vadd.f32 v8, v7;
	[tilespmem:s12+$0xFFFFFFC0] =	vst v9;
	s12 =	smov.u32 s15  }
0x163: {  	v7 =	vld [tilespmem:s15+$0xFFFFFFF0];
	v0 =	vmov v3  }
0x164: {  	v8 =	vld [tilespmem:s13+$0xFFFFFFF0];
	[tilespmem:s15+$0x30] =	vst v5  }
0x165: {  	v2 =	vadd.f32 v2, v6;
	v6 =	vld [tilespmem:s15+$0x0]  }
0x166: {  	v9 =	vld [tilespmem:s13+$0x0]  }
.Ltmp6:
0x167: {  	[tilespmem:s15+$0xFFFFFFD0] =	vst v2;
	v2 =	vadd.f32 v1, v4;
	v1 =	vld [tilespmem:s15+$0x10];
	(pc) =	sbr.rel @p1 .LBB2_15-.Ltmp6, $4  }
0x168: {  	v3 =	vld [tilespmem:s13+$0x10]  }
0x169: {  	[tilespmem:s15+$0xFFFFFFE0] =	vst v2;
	v7 =	vadd.f32 v8, v7;
	v2 =	vld [tilespmem:s15+$0x20]  }
0x16a: {  	v5 =	vld [tilespmem:s13+$0x20]  }
0x16b: {  	s15 =	sadd.s32 $0x80, s15;
	v4 =	vld [tilespmem:s12+$0xFFFFFFC0];
	[tilespmem:s12+$0xFFFFFFF0] =	vst v7;
	v6 =	vadd.f32 v9, v6  }
0x16c: {  	_ =	sdelay $0x1  }
0x16d: {  	v1 =	vadd.f32 v3, v1  }
0x16e: {  	[tilespmem:s12+$0x0] =	vst v6;
	v2 =	vadd.f32 v5, v2  }
0x16f: {  	[tilespmem:s12+$0x10] =	vst v1;
	v0 =	vadd.f32 v0, v4  }
0x170: {  	[tilespmem:s12+$0x20] =	vst v2  }
0x171: {  	s11 =	sadd.s32 s5, s11;
	[tilespmem:s12+$0xFFFFFFC0] =	vst v0  }
0x172: {  	[hbm4b:s11+s3] =	stream.linear.scatter [tilespmem:s28], [sflag:$0x9], $0x4000, $0x38;
	[tilespmem:$0x18000] =	vst v63  }
0x173: {  	s11 =	simm.s32 @!p0 $0x7  }
0x174: {  	_ =	swait.ge @!p0 [sflag:s11], $0x4000  }
0x175: {  	s13 =	simm.s32 @!p0 $0x8000;
	[sflag:s11] =	ssyncset.done @!p0 $0x0  }
0x176: {  	s12 =	simm.s32 @!p0 $0x0;
	[sflag:s11] =	ssyncadd.s32 @!p0 $0xFFFFC000;
	s11 =	sadd.s32 @!p0 s24, s19  }
0x177: {  	[tilespmem:s13], [sflag:$0x3] =	stream.linear.gather @!p0 [hbm4b:s11+s12], $0x4000, $0x38;
	[tilespmem:$0x18000] =	vst v63  }
0x178: {  	_ =	swait.ge [sflag:s2], $0x4000  }
0x179: {  	[sflag:s2] =	ssyncset.done $0x0  }
0x17a: {  	s11 =	simm.s32 $0x14040;
	[sflag:s2] =	ssyncadd.s32 $0xFFFFC000  }
0x17b: {  	s12 =	simm.s32 $0x4040;
	v1 =	vld [tilespmem:s11+$0x30]  }
0x17c: {  	v2 =	vld [tilespmem:s12+$0x30]  }
0x17d: {  	v0 =	vld [tilespmem:s12+$0xFFFFFFC0]  }
0x17e: {  	v3 =	vld [tilespmem:s11+$0xFFFFFFD0]  }
0x17f: {  	v4 =	vld [tilespmem:s12+$0xFFFFFFD0]  }
0x180: {  	v5 =	vld [tilespmem:s11+$0xFFFFFFE0]  }
0x181: {  	v6 =	vld [tilespmem:s12+$0xFFFFFFE0]  }
0x182: {  	v7 =	vld [tilespmem:s11+$0xFFFFFFF0]  }
0x183: {  	v8 =	vld [tilespmem:s12+$0xFFFFFFF0]  }
0x184: {  	v9 =	vld [tilespmem:s11+$0x0]  }
0x185: {  	v10 =	vld [tilespmem:s12+$0x0];
	v2 =	vadd.f32 v2, v1  }
0x186: {  	v4 =	vadd.f32 v4, v3;
	v1 =	vld [tilespmem:s11+$0x10]  }
0x187: {  	v5 =	vadd.f32 v6, v5;
	v3 =	vld [tilespmem:s12+$0x10];
	[tilespmem:s11+$0x30] =	vst v2  }
0x188: {  	v6 =	vadd.f32 v8, v7;
	[tilespmem:s11+$0xFFFFFFD0] =	vst v4;
	v2 =	vld [tilespmem:s11+$0x20]  }
0x189: {  	[tilespmem:s11+$0xFFFFFFE0] =	vst v5;
	v5 =	vld [tilespmem:s12+$0x20]  }
0x18a: {  	s14 =	simm.s32 $0x140C0;
	s13 =	simm.s32 $0x0;
	v4 =	vld [tilespmem:s11+$0xFFFFFFC0];
	[tilespmem:s11+$0xFFFFFFF0] =	vst v6;
	v6 =	vadd.f32 v10, v9  }
.LBB2_17:
0x18b: {  	v7 =	vld [tilespmem:s14+$0x30];
	s12 =	sadd.s32 $0x80, s12  }
0x18c: {  	s13 =	sadd.s32 $0x8, s13;
	v8 =	vld [tilespmem:s12+$0x30];
	[tilespmem:s11+$0x0] =	vst v6;
	v1 =	vadd.f32 v3, v1  }
0x18d: {  	p1 =	slt.u32 s13, $0x3F8;
	v3 =	vld [tilespmem:s12+$0xFFFFFFC0]  }
0x18e: {  	v6 =	vld [tilespmem:s14+$0xFFFFFFD0];
	[tilespmem:s11+$0x10] =	vst v1;
	v1 =	vadd.f32 v5, v2  }
0x18f: {  	v2 =	vld [tilespmem:s12+$0xFFFFFFD0];
	v9 =	vadd.f32 v0, v4  }
0x190: {  	v4 =	vld [tilespmem:s14+$0xFFFFFFE0];
	[tilespmem:s11+$0x20] =	vst v1  }
0x191: {  	v1 =	vld [tilespmem:s12+$0xFFFFFFE0];
	v5 =	vadd.f32 v8, v7;
	[tilespmem:s11+$0xFFFFFFC0] =	vst v9;
	s11 =	smov.u32 s14  }
0x192: {  	v7 =	vld [tilespmem:s14+$0xFFFFFFF0];
	v0 =	vmov v3  }
0x193: {  	v8 =	vld [tilespmem:s12+$0xFFFFFFF0];
	[tilespmem:s14+$0x30] =	vst v5  }
0x194: {  	v2 =	vadd.f32 v2, v6;
	v6 =	vld [tilespmem:s14+$0x0]  }
0x195: {  	v9 =	vld [tilespmem:s12+$0x0]  }
.Ltmp7:
0x196: {  	[tilespmem:s14+$0xFFFFFFD0] =	vst v2;
	v2 =	vadd.f32 v1, v4;
	v1 =	vld [tilespmem:s14+$0x10];
	(pc) =	sbr.rel @p1 .LBB2_17-.Ltmp7, $4  }
0x197: {  	v3 =	vld [tilespmem:s12+$0x10]  }
0x198: {  	[tilespmem:s14+$0xFFFFFFE0] =	vst v2;
	v7 =	vadd.f32 v8, v7;
	v2 =	vld [tilespmem:s14+$0x20]  }
0x199: {  	v5 =	vld [tilespmem:s12+$0x20]  }
0x19a: {  	s14 =	sadd.s32 $0x80, s14;
	v4 =	vld [tilespmem:s11+$0xFFFFFFC0];
	[tilespmem:s11+$0xFFFFFFF0] =	vst v7;
	v6 =	vadd.f32 v9, v6  }
0x19b: {  	_ =	sdelay $0x1  }
0x19c: {  	v1 =	vadd.f32 v3, v1  }
0x19d: {  	[tilespmem:s11+$0x0] =	vst v6;
	v2 =	vadd.f32 v5, v2  }
0x19e: {  	[tilespmem:s11+$0x10] =	vst v1;
	v0 =	vadd.f32 v0, v4  }
0x19f: {  	[tilespmem:s11+$0x20] =	vst v2  }
0x1a0: {  	s10 =	sadd.s32 s5, s10;
	[tilespmem:s11+$0xFFFFFFC0] =	vst v0  }
0x1a1: {  	[hbm4b:s10+s3] =	stream.linear.scatter [tilespmem:s30], [sflag:$0xA], $0x4000, $0x38;
	[tilespmem:$0x18000] =	vst v63  }
0x1a2: {  	s10 =	simm.s32 @!p0 $0x8  }
0x1a3: {  	_ =	swait.ge @!p0 [sflag:s10], $0x4000  }
0x1a4: {  	s12 =	simm.s32 @!p0 $0xC000;
	p1 =	sne.s32 @!p0 s7, $0x8;
	[sflag:s10] =	ssyncset.done @!p0 $0x0  }
0x1a5: {  	s11 =	simm.s32 @!p0 $0x0;
	[sflag:s10] =	ssyncadd.s32 @!p0 $0xFFFFC000;
	s10 =	sadd.s32 @!p0 s24, s20  }
0x1a6: {  	[tilespmem:s12], [sflag:$0x4] =	stream.linear.gather @!p0 [hbm4b:s10+s11], $0x4000, $0x38;
	[tilespmem:$0x18000] =	vst v63  }
0x1a7: {  	p0 =	por p0, !p1  }
.Ltmp8:
0x1a8: {  	_ = 	snop;
	(pc) =	sbr.rel @!p0 .LBB2_2-.Ltmp8, $1  }
0x1a9: {  	_ =	sdelay $0x3  }
0x1aa: {  	_ =	swait.ge [sflag:s0], $0x4000  }
0x1ab: {  	[sflag:s0] =	ssyncset.done $0x0  }
0x1ac: {  	[sflag:s0] =	ssyncadd.s32 $0xFFFFC000  }
0x1ad: {  	_ =	swait.ge [sflag:s8], $0x4000  }
0x1ae: {  	[sflag:s8] =	ssyncset.done $0x0  }
0x1af: {  	[sflag:s8] =	ssyncadd.s32 $0xFFFFC000  }
0x1b0: {  	_ =	swait.ge [sflag:s21], $0x4000  }
0x1b1: {  	[sflag:s21] =	ssyncset.done $0x0  }
0x1b2: {  	[sflag:s21] =	ssyncadd.s32 $0xFFFFC000  }
0x1b3: {  	_ =	swait.ge [sflag:s6], $0x4000  }
0x1b4: {  	s10 =	rddreg [dreg:$0xf]  }
0x1b5: {  	s7 =	rddreg [dreg:$0xe];
	s10 =	sadd.s32 $0x1, s10  }
0x1b6: {  	p0 =	sne.s32 s10, s7  }
.Ltmp9:
0x1b7: {  	_ = 	snop;
	(pc) =	sbr.rel @p0 .LBB2_1-.Ltmp9, $3  }
0x1b8: {  	_ =	sdelay $0x1  }
0x1b9: {  	[sflag:s6] =	ssyncset.done $0x0  }
0x1ba: {  	[sflag:s6] =	ssyncadd.s32 $0xFFFFC000  }
0x1bb: {  	_ =	sfence.sel $0x180000  }
0x1bc: {  	[bflag:$0x0] =	sbarrier.arrive $0xFFFF  }
0x1bd: {  	_ =	strace $0x9000004D  }
0x1be: {  	s0 =	stileid.u32;
	[bflag:$0x2] =	sbarrier.arrive $0xFFFF  }
0x1bf: {  	p0 =	sne.s32 s0, $0x0;
	s0 =	rddreg [dreg:$0x2]  }
0x1c0: {  	s0 =	sadd.s32 @!p0 $0x100000, s0  }
0x1c1: {  	[sflag:s0] =	ssyncadd.tile.s32 @!p0 $0x1;
	_ =	shalt  }
.Lfunc_end2:
_tile_overlayer_lowered:
.L_overlay_start_2:
0x1c2: {  	(tag) =	ssettag $0x2  }
0x1c3: {  	s0 =	rddreg [dreg:$0x0];
	s2 =	stileid.u32  }
0x1c4: {  	s1 =	rddreg [dreg:$0x1];
	p0 =	sne.s32 s2, $0x0  }
0x1c5: {  	s3 =	rddreg [dreg:$0x2];
	[bflag:$0x3] =	sbarrier.arrive $0xFFFF;
	s2 =	simm.s32 @!p0 $0x1C0B  }
0x1c6: {  	[timem:s3], [sflag:s2] =	dma.local @!p0 [hbm:s0], s1  }
0x1c7: {  	s0 =	simm.s32 @!p0 $0xB  }
0x1c8: {  	_ =	swait.ge @!p0 [sflag:s0], s1  }
0x1c9: {  	s1 =	ssub.s32 @!p0 $0x0, s1;
	[sflag:s0] =	ssyncset.done @!p0 $0x0  }
0x1ca: {  	[sflag:s0] =	ssyncadd.s32 @!p0 s1  }
0x1cb: {  	[bflag:$0x3] =	sbarrier.arrive $0xFFFF  }
0x1cc: {  	_ =	shalt  }

// kernel: sparse-core-data-format-call.1.cloned.1.call-start
scs
called_computation.1_lowered:
.L_overlay_start_0:
0x0: {  	s2 =	sld [smem:$0x3FD9]  }
0x1: {  	s3 =	sld [smem:$0x3FFE];
	_ =	sdelay $0x1  }
0x2: {  	s1 =	srdreg.scid  }
0x3: {  	s0 =	sand.u32 $0x1, s1  }
0x4: {  	s19 =	sshll.u32 s0, $0xA;
	s2 =	sadd.s32 s3, s2  }
0x5: {  	s2 =	sadd.s32 s2, s19  }
0x6: {  	[smem:$0x3FC6] =	sst s2  }
0x7: {  	_ = 	snop  }
0x8: {  	s20 =	sld [smem:$0x3FC9]  }
0x9: {  	s4 =	sld [smem:$0x3FD0];
	(tm) =	ssettm $0x1  }
0xa: {  	s21 =	sld [smem:$0x3FFB];
	_ =	sdelay $0x3  }
0xb: {  	_ =	strace s21  }
0xc: {  	s2 =	sld [smem:$0x3FFC];
	_ =	sdelay $0x3  }
0xd: {  	_ =	strace s2  }
0xe: {  	s2 =	sld [smem:$0x3FFD];
	_ =	sdelay $0x3  }
0xf: {  	_ =	strace s2  }
0x10: {  	_ =	strace $0x8FFFFFFF  }
0x11: {  	s22 =	sld [smem:$0x3FDB];
	_ =	sdelay $0x1  }
0x12: {  	s5 =	simm.s32 $_scs_section_size  }
0x13: {  	s6 =	simm.s32 $_size__tile_overlayer_lowered;
	s7 =	simm.s32 $_tile_overlayer_lowered  }
0x14: {  	s8 =	simm.s32 $0x1BFF;
	s23 =	sshll.u32 s7, $0x1;
	s5 =	sadd.s32 s5, s22  }
0x15: {  	s24 =	simm.s32 $0x0;
	s6 =	sshll.u32 s6, $0x1;
	s7 =	sadd.s32 s23, s5  }
0x16: {  	[timem:s24], [sflag:s8] =	dma.local [hbm:s7], s6  }
0x17: {  	_ =	swait.ge [sflag:s8], s6  }
0x18: {  	s6 =	ssub.s32 $0x0, s6;
	[sflag:s8] =	ssyncset.done $0x0  }
0x19: {  	[sflag:s8] =	ssyncadd.s32 s6;
	_ =	sdelay $0x1  }
0x1a: {  	s25 =	simm.s32 $0x1B8B  }
0x1b: {  	_ =	swait.ge [sflag:s25], $0x1  }
0x1c: {  	[sflag:s25] =	ssyncset.done $0x0  }
0x1d: {  	[sflag:s25] =	ssyncadd.s32 $0xFFFFFFFF  }
0x1e: {  	s6 =	sld [smem:$0x0]  }
0x1f: {  	s7 =	sand.u32 $0xFFFFFFFE, s1  }
0x20: {  	p0 =	sne.s32 s1, s7  }
0x21: {  	s7 =	sshll.u32 @p0 s7, $0xE  }
0x22: {  	s7 =	sadd.s32 @p0 $0x11B8D, s7;
	s8 =	sshll.u32 @p0 s6, $0x11  }
0x23: {  	s7 =	sor.u32 @p0 s8, s7  }
0x24: {  	[sflag:s7] =	ssyncadd.remote.s32 @p0 $0x1;
	_ =	sdelay $0x1  }
0x25: {  	s7 =	simm.s32 @p0 $0x1B8D  }
0x26: {  	_ =	swait.eq @p0 [sflag:s7], $0x1  }
0x27: {  	[sflag:s7] =	ssyncadd.s32 @p0 $0xFFFFFFFF  }
0x28: {  	s8 =	sshll.u32 @!p0 s1, $0xE  }
0x29: {  	s8 =	sor.u32 @!p0 $0x4000, s8;
	s7 =	simm.s32 @!p0 $0x1B8D  }
0x2a: {  	s6 =	sshll.u32 @!p0 s6, $0x11;
	s8 =	sadd.s32 @!p0 $0x11B8D, s8;
	_ =	swait.eq @!p0 [sflag:s7], $0x1  }
0x2b: {  	s6 =	sor.u32 @!p0 s6, s8;
	[sflag:s7] =	ssyncadd.s32 @!p0 $0xFFFFFFFF  }
0x2c: {  	s26 =	simm.s32 $0x1B8E;
	[sflag:s6] =	ssyncadd.remote.s32 @!p0 $0x1  }
0x2d: {  	s27 =	simm.s32 $execute0_lowered;
	[smem:$0x3FD2] =	sst s26  }
0x2e: {  	s6 =	sshll.u32 s27, $0x1;
	_ =	strace $0x80000049;
	[dreg:$0x1] =	wrdreg $0xFFFFFFFF  }
0x2f: {  	s28 =	simm.s32 $_size_execute0_lowered;
	s5 =	sadd.s32 s5, s6;
	[dreg:$0x0] =	wrdreg $0x0  }
0x30: {  	s6 =	sshll.u32 s28, $0x1;
	[dreg:$0x2] =	wrdreg s5  }
0x31: {  	[dreg:$0x3] =	wrdreg s6  }
0x32: {  	[dreg:$0x4] =	wrdreg $0xC0  }
0x33: {  	_ =	task [dreg:s24], $0x5FFFF  }
0x34: {  	[dreg:$0x1] =	wrdreg $0xFFFFFFFF  }
0x35: {  	[dreg:$0x0] =	wrdreg $0x60  }
0x36: {  	[dreg:$0x2] =	wrdreg s20  }
0x37: {  	[dreg:$0x3] =	wrdreg s4  }
0x38: {  	[dreg:$0x4] =	wrdreg $0xA  }
0x39: {  	_ =	task.clear_ibuf [dreg:s24], $0x5FFFF;
	_ =	strace $0x90000049  }
0x3a: {  	s29 =	simm.s32 $0xA;
	_ =	strace $0x8000004B  }
0x3b: {  	_ =	swait.ge [sflag:s29], $0x1  }
0x3c: {  	[sflag:s29] =	ssyncadd.s32 $0xFFFFFFFF  }
0x3d: {  	_ =	strace $0x9000004B  }
0x3e: {  	_ =	sfence  }
0x3f: {  	s30 =	sld [smem:$0x0];
	_ =	sdelay $0x2  }
0x40: {  	s31 =	sshll.u32 s1, $0xD;
	s1 =	sshrl.u32 s1, $0x2  }
0x41: {  	s4 =	sand.u32 $0x4000, s31;
	s1 =	sadd.s32 s1, s30  }
0x42: {  	s0 =	sor.u32 s4, s0;
	s1 =	sshll.u32 s1, $0x11  }
0x43: {  	s0 =	sor.u32 s1, s0  }
0x44: {  	s0 =	sadd.s32 $0x8F2B, s0  }
0x45: {  	[sflag:s0] =	ssyncadd.remote.s32 $0x1  }
0x46: {  	_ =	sfence.sel $0xFFFF  }
0x47: {  	[dreg:$0x0] =	wrdreg $0xFFFFFFFF;
	(pc) =	sbr.abs _section_cstart, $3  }
0x48: {  	[dreg:$0x1] =	wrdreg $0xFFFFFFFF  }
0x49: {  	_ =	task.clear_ibuf [dreg:s24], $0x2FFFF;
	_ =	strace $0x9FFFFFFF  }
0x4a: {  	(tm) =	ssettm $0x7FFFFFFF  }
0x4b: {  	_ =	shalt  }
tec
execute0_lowered:
.L_overlay_start_1:
0x0: {  	(tag) =	ssettag $0x1  }
0x1: {  	s0 =	srdreg.scid  }
0x2: {  	s1 =	sshll.u32 s0, $0x4  }
0x3: {  	s2 =	rddreg [dreg:$0x0];
	s0 =	stileid.u32;
	s1 =	sand.u32 $0x10, s1  }
0x4: {  	s4 =	rddreg [dreg:$0x1];
	s1 =	sor.u32 s0, s1  }
0x5: {  	s7 =	simm.s32 $0x1;
	s8 =	simm.s32 $0x2;
	s3 =	sshll.u32 s1, $0x1  }
0x6: {  	s9 =	simm.s32 $0x0;
	s12 =	simm.s32 $0x0;
	s6 =	ssub.s32 $0x1000, s3  }
.Ltmp0:
0x7: {  	s11 =	simm.s32 $0x0;
	s5 =	sand.u32 $0x3E, s6;
	(pc) =	sbr.rel .LBB1_1-.Ltmp0, $4  }
0x8: {  	s1 =	rddreg [dreg:$0x2];
	_ =	strace $0x8000004A;
	p0 =	sne.s32 s5, $0x0  }
0x9: {  	s6 =	sshrl.u32 s6, $0x6;
	s5 =	simm.s32 $0x1;
	s7 =	simm.s32 @!p0 $0x0  }
0xa: {  	s10 =	smov.u32 s3;
	[sflag:s5] =	ssyncpa.u1 $0x0;
	s6 =	sadd.s32 s7, s6  }
0xb: {  	[sflag:s8] =	ssyncpa.u1 $0x0;
	s8 =	simm.s32 $0x0;
	s7 =	sadd.s32 $0x1, s6  }
.LBB1_9:
0xc: {  	s14 =	sadd.s32 $0x40, s10  }
0xd: {  	p1 =	sgt.s32 s14, $0xFFF  }
0xe: {  	s14 =	smov.u32 @p1 s3;
	p1 =	sne.s32 s11, s7  }
.Ltmp1:
0xf: {  	p0 =	slt.u32 s11, $0x2;
	(pc) =	sbr.rel @!p1 .LBB1_10-.Ltmp1, $4  }
0x10: {  	s13 =	simm.s32 @!p0 $0x2  }
0x11: {  	s15 =	sadd.s32 $0x1, s11;
	_ =	swait.ge @!p0 [sflag:s13], $0x4000  }
0x12: {  	s12 =	smov.u32 s10;
	s9 =	sadd.s32 $0x4000, s9;
	[sflag:s13] =	ssyncset.done @!p0 $0x0  }
0x13: {  	s11 =	smov.u32 s15;
	s10 =	smov.u32 s14;
	[sflag:s13] =	ssyncadd.s32 @!p0 $0xFFFFC000  }
.LBB1_1:
0x14: {  	p0 =	sge.u32 s11, s6  }
0x15: {  	s13 =	sxor.u32 @!p0 $0xFFFFFFFF, s11  }
0x16: {  	s31 =	sadd.s32 $0xFFFFFFFF, s11;
	s14 =	sshll.u32 @!p0 s10, $0xA;
	s13 =	sshll.u32 @!p0 s13, $0xE  }
0x17: {  	s15 =	simm.s32 @!p0 $0x0;
	s14 =	sadd.s32 @!p0 s2, s14;
	s13 =	sand.u32 @!p0 $0x4000, s13  }
0x18: {  	[tilespmem:s13], [sflag:$0x1] =	stream.linear.gather @!p0 [hbm4b:s14+s15], $0x4000, $0x38;
	[tilespmem:$0x10000] =	vst v63  }
0x19: {  	p0 =	sge.u32 s31, s6  }
.Ltmp2:
0x1a: {  	_ = 	snop;
	(pc) =	sbr.rel @p0 .LBB1_9-.Ltmp2, $1  }
0x1b: {  	_ =	sdelay $0x3  }
0x1c: {  	s13 =	sshll.u32 s9, $0x2  }
0x1d: {  	_ =	swait.ge [sflag:s5], $0x4000;
	s14 =	sshll.u32 s11, $0xE;
	s16 =	simm.s32 $0x0  }
0x1e: {  	p1 =	por $0x1, $0x1;
	s13 =	sand.u32 $0x10000, s13;
	[sflag:s5] =	ssyncset.done $0x0  }
0x1f: {  	s14 =	sand.u32 $0x4000, s14;
	s15 =	sshrl.u32 s13, $0x2;
	[sflag:s5] =	ssyncadd.s32 $0xFFFFC000  }
0x20: {  	s13 =	sor.u32 $0x8000, s14;
	s14 =	sadd.s32 $0x8040, s15;
	s15 =	sadd.s32 $0x40, s15  }
.LBB1_3:
0x21: {  	s16 =	sshll.u32 s16, $0x2  }
0x22: {  	p0 =	por p1, p1;
	s17 =	sshra.s32 s16, $0x2  }
0x23: {  	s18 =	simm.s32 $0x0;
	s16 =	sadd.s32 s17, s14;
	s17 =	sadd.s32 s17, s15  }
.LBB1_4:
0x24: {  	v0 =	vmov s17;
	_ =	sdelay $0x3  }
0x25: {  	s20 =	simm.s32 $0x0  }
0x26: {  	v6 =	vld.idx.msk [tilespmem:v0+s20+$0x30 ss:$0x1], $0xffff  }
0x27: {  	v7 =	vld.idx.msk [tilespmem:v0+s20+$0xFFFFFFC0 ss:$0x1], $0xffff  }
0x28: {  	v5 =	vld.idx.msk [tilespmem:v0+s20+$0xFFFFFFD0 ss:$0x1], $0xffff  }
0x29: {  	v4 =	vld.idx.msk [tilespmem:v0+s20+$0xFFFFFFE0 ss:$0x1], $0xffff  }
0x2a: {  	v3 =	vld.idx.msk [tilespmem:v0+s20+$0xFFFFFFF0 ss:$0x1], $0xffff  }
0x2b: {  	v1 =	vld.idx.msk [tilespmem:v0+s20+$0x0 ss:$0x1], $0xffff  }
0x2c: {  	v2 =	vld.idx.msk [tilespmem:v0+s20+$0x10 ss:$0x1], $0xffff;
	[tilespmem:s16+$0x30] =	vst v6  }
0x2d: {  	s19 =	simm.s32 $0x80;
	s21 =	simm.s32 $0x400;
	[tilespmem:s16+$0xFFFFFFC0] =	vst v7;
	v6 =	vld.idx.msk [tilespmem:v0+s20+$0x20 ss:$0x1], $0xffff;
	s20 =	smov.u32 s16  }
.LBB1_5:
0x2e: {  	p1 =	sne.s32 s21, $0xE00;
	v7 =	vld.idx.msk [tilespmem:v0+s19+$0x30 ss:$0x1], $0xffff;
	[tilespmem:s20+$0xFFFFFFD0] =	vst v5  }
0x2f: {  	v8 =	vld.idx.msk [tilespmem:v0+s19+$0xFFFFFFC0 ss:$0x1], $0xffff;
	[tilespmem:s20+$0xFFFFFFE0] =	vst v4  }
0x30: {  	v5 =	vld.idx.msk [tilespmem:v0+s19+$0xFFFFFFD0 ss:$0x1], $0xffff;
	[tilespmem:s20+$0xFFFFFFF0] =	vst v3  }
.Ltmp3:
0x31: {  	v4 =	vld.idx.msk [tilespmem:v0+s19+$0xFFFFFFE0 ss:$0x1], $0xffff;
	[tilespmem:s20+$0x0] =	vst v1;
	(pc) =	sbr.rel @p1 .LBB1_5-.Ltmp3, $4  }
0x32: {  	v3 =	vld.idx.msk [tilespmem:v0+s19+$0xFFFFFFF0 ss:$0x1], $0xffff;
	[tilespmem:s20+$0x10] =	vst v2  }
0x33: {  	v1 =	vld.idx.msk [tilespmem:v0+s19+$0x0 ss:$0x1], $0xffff;
	[tilespmem:s20+$0x20] =	vst v6;
	s20 =	sadd.s32 $0x400, s20  }
0x34: {  	v2 =	vld.idx.msk [tilespmem:v0+s19+$0x10 ss:$0x1], $0xffff;
	[tilespmem:s20+$0x30] =	vst v7  }
0x35: {  	[tilespmem:s20+$0xFFFFFFC0] =	vst v8;
	v6 =	vld.idx.msk [tilespmem:v0+s19+$0x20 ss:$0x1], $0xffff;
	s19 =	sshra.s32 s21, $0x2;
	s21 =	sadd.s32 $0x200, s21  }
0x36: {  	_ =	sdelay $0x2  }
0x37: {  	[tilespmem:s20+$0xFFFFFFD0] =	vst v5  }
0x38: {  	v56 =	vld.idx.msk [tilespmem:v0+s19+$0x30 ss:$0x1], $0xffff;
	[tilespmem:s20+$0xFFFFFFE0] =	vst v4  }
0x39: {  	v57 =	vld.idx.msk [tilespmem:v0+s19+$0xFFFFFFC0 ss:$0x1], $0xffff;
	[tilespmem:s20+$0xFFFFFFF0] =	vst v3  }
0x3a: {  	v58 =	vld.idx.msk [tilespmem:v0+s19+$0xFFFFFFD0 ss:$0x1], $0xffff;
	[tilespmem:s20+$0x0] =	vst v1  }
0x3b: {  	v59 =	vld.idx.msk [tilespmem:v0+s19+$0xFFFFFFE0 ss:$0x1], $0xffff;
	[tilespmem:s20+$0x10] =	vst v2  }
0x3c: {  	v60 =	vld.idx.msk [tilespmem:v0+s19+$0xFFFFFFF0 ss:$0x1], $0xffff;
	s31 =	sadd.s32 $0x400, s20;
	[tilespmem:s20+$0x20] =	vst v6  }
0x3d: {  	v61 =	vld.idx.msk [tilespmem:v0+s19+$0x0 ss:$0x1], $0xffff;
	[tilespmem:s31+$0x30] =	vst v56  }
0x3e: {  	v62 =	vld.idx.msk [tilespmem:v0+s19+$0x10 ss:$0x1], $0xffff;
	s18 =	sadd.s32 $0x1, s18;
	[tilespmem:s31+$0xFFFFFFC0] =	vst v57  }
0x3f: {  	v63 =	vld.idx.msk [tilespmem:v0+s19+$0x20 ss:$0x1], $0xffff;
	p1 =	sne.s32 s18, $0x8;
	[tilespmem:s31+$0xFFFFFFD0] =	vst v58  }
.Ltmp4:
0x40: {  	[tilespmem:s31+$0xFFFFFFE0] =	vst v59;
	(pc) =	sbr.rel @p1 .LBB1_4-.Ltmp4, $4  }
0x41: {  	[tilespmem:s31+$0xFFFFFFF0] =	vst v60  }
0x42: {  	[tilespmem:s31+$0x0] =	vst v61  }
0x43: {  	[tilespmem:s31+$0x10] =	vst v62  }
0x44: {  	s16 =	sadd.s32 $0x80, s16;
	s17 =	sadd.s32 $0x400, s17;
	[tilespmem:s31+$0x20] =	vst v63  }
.Ltmp5:
0x45: {  	(pc) =	sbr.rel @p0 .LBB1_3-.Ltmp5, $2  }
0x46: {  	_ =	sdelay $0x2  }
0x47: {  	s16 =	simm.s32 $0x2000;
	p1 =	por $0x0, $0x0  }
.Ltmp6:
0x48: {  	(pc) =	sbr.rel .LBB1_9-.Ltmp6, $4  }
0x49: {  	_ = 	snop  }
0x4a: {  	s12 =	sshll.u32 s12, $0xA  }
0x4b: {  	s12 =	sadd.s32 s4, s12  }
0x4c: {  	[hbm4b:s12+s8] =	stream.linear.scatter [tilespmem:s13], [sflag:$0x2], $0x4000, $0x38;
	[tilespmem:$0x10000] =	vst v63  }
.LBB1_10:
0x4d: {  	_ =	sfence.sel $0x180000  }
0x4e: {  	s2 =	simm.s32 $0x1;
	[bflag:$0x0] =	sbarrier.arrive $0xFFFF  }
0x4f: {  	s31 =	simm.s32 $0x2;
	[sflag:s2] =	ssyncpa.u1 $0x1  }
0x50: {  	[sflag:s31] =	ssyncpa.u1 $0x1  }
0x51: {  	p0 =	sne.s32 s0, $0x0;
	_ =	strace $0x9000004A  }
0x52: {  	s0 =	sadd.s32 @!p0 $0x100000, s1;
	[bflag:$0x2] =	sbarrier.arrive $0xFFFF  }
0x53: {  	[sflag:s0] =	ssyncadd.tile.s32 @!p0 $0x1;
	_ =	shalt  }
.Lfunc_end1:
_tile_overlayer_lowered:
.L_overlay_start_2:
0x54: {  	(tag) =	ssettag $0x2  }
0x55: {  	s0 =	rddreg [dreg:$0x0];
	s2 =	stileid.u32  }
0x56: {  	s1 =	rddreg [dreg:$0x1];
	p0 =	sne.s32 s2, $0x0  }
0x57: {  	s3 =	rddreg [dreg:$0x2];
	[bflag:$0x3] =	sbarrier.arrive $0xFFFF;
	s2 =	simm.s32 @!p0 $0x1C01  }
0x58: {  	[timem:s3], [sflag:s2] =	dma.local @!p0 [hbm:s0], s1  }
0x59: {  	s0 =	simm.s32 @!p0 $0x1  }
0x5a: {  	_ =	swait.ge @!p0 [sflag:s0], s1  }
0x5b: {  	s1 =	ssub.s32 @!p0 $0x0, s1;
	[sflag:s0] =	ssyncset.done @!p0 $0x0  }
0x5c: {  	[sflag:s0] =	ssyncadd.s32 @!p0 s1  }
0x5d: {  	[bflag:$0x3] =	sbarrier.arrive $0xFFFF  }
0x5e: {  	_ =	shalt  }

// kernel: sparse-core-data-format-call.cloned.1.call-start
scs
called_computation_lowered:
.L_overlay_start_0:
0x0: {  	s2 =	sld [smem:$0x3FD9]  }
0x1: {  	s3 =	sld [smem:$0x3FFE];
	_ =	sdelay $0x1  }
0x2: {  	s1 =	srdreg.scid  }
0x3: {  	s0 =	sand.u32 $0x1, s1  }
0x4: {  	s18 =	sshll.u32 s0, $0xA;
	s2 =	sadd.s32 s3, s2  }
0x5: {  	s2 =	sadd.s32 s2, s18  }
0x6: {  	[smem:$0x3FC6] =	sst s2  }
0x7: {  	_ = 	snop  }
0x8: {  	s2 =	sld [smem:$0x3FC8];
	(tm) =	ssettm $0x1  }
0x9: {  	s19 =	sld [smem:$0x3FFB];
	_ =	sdelay $0x3  }
0xa: {  	_ =	strace s19  }
0xb: {  	s3 =	sld [smem:$0x3FFC];
	_ =	sdelay $0x3  }
0xc: {  	_ =	strace s3  }
0xd: {  	s3 =	sld [smem:$0x3FFD];
	_ =	sdelay $0x3  }
0xe: {  	_ =	strace s3  }
0xf: {  	_ =	strace $0x8FFFFFFF  }
0x10: {  	s20 =	sld [smem:$0x3FDB];
	_ =	sdelay $0x1  }
0x11: {  	s4 =	simm.s32 $_scs_section_size  }
0x12: {  	s5 =	simm.s32 $_size__tile_overlayer_lowered;
	s6 =	simm.s32 $_tile_overlayer_lowered  }
0x13: {  	s23 =	simm.s32 $0x1BFF;
	s22 =	sshll.u32 s6, $0x1;
	s3 =	sadd.s32 s4, s20  }
0x14: {  	s7 =	simm.s32 $0x0;
	s21 =	sshll.u32 s5, $0x1;
	s5 =	sadd.s32 s22, s3  }
0x15: {  	[timem:s7], [sflag:s23] =	dma.local [hbm:s5], s21  }
0x16: {  	_ =	swait.ge [sflag:s23], s21  }
0x17: {  	s4 =	ssub.s32 $0x0, s21;
	[sflag:s23] =	ssyncset.done $0x0  }
0x18: {  	[sflag:s23] =	ssyncadd.s32 s4;
	_ =	sdelay $0x1  }
0x19: {  	s24 =	simm.s32 $0x1B8B  }
0x1a: {  	_ =	swait.ge [sflag:s24], $0x1  }
0x1b: {  	[sflag:s24] =	ssyncset.done $0x0  }
0x1c: {  	s26 =	simm.s32 $0x1B8E;
	s25 =	sld [smem:$0x3FFE];
	[sflag:s24] =	ssyncadd.s32 $0xFFFFFFFF  }
0x1d: {  	s27 =	simm.s32 $execute0_lowered;
	[smem:$0x3FD2] =	sst s26  }
0x1e: {  	s5 =	sshll.u32 s27, $0x1;
	_ =	strace $0x80000046;
	[dreg:$0x1] =	wrdreg $0xFFFFFFFF  }
0x1f: {  	s28 =	simm.s32 $_size_execute0_lowered;
	s3 =	sadd.s32 s3, s5;
	[dreg:$0x0] =	wrdreg $0x0  }
0x20: {  	s5 =	sshll.u32 s28, $0x1;
	[dreg:$0x2] =	wrdreg s3  }
0x21: {  	[dreg:$0x3] =	wrdreg s5  }
0x22: {  	[dreg:$0x4] =	wrdreg $0xC0  }
0x23: {  	_ =	task [dreg:s7], $0x5FFFF  }
0x24: {  	[dreg:$0x1] =	wrdreg $0xFFFFFFFF  }
0x25: {  	[dreg:$0x0] =	wrdreg $0x60  }
0x26: {  	[dreg:$0x2] =	wrdreg s2  }
0x27: {  	[dreg:$0x3] =	wrdreg s25  }
0x28: {  	[dreg:$0x4] =	wrdreg $0x9  }
0x29: {  	_ =	task.clear_ibuf [dreg:s7], $0x5FFFF;
	_ =	strace $0x90000046  }
0x2a: {  	s29 =	simm.s32 $0x9;
	_ =	strace $0x80000048  }
0x2b: {  	_ =	swait.ge [sflag:s29], $0x1  }
0x2c: {  	[sflag:s29] =	ssyncadd.s32 $0xFFFFFFFF  }
0x2d: {  	_ =	strace $0x90000048  }
0x2e: {  	_ =	sfence  }
0x2f: {  	s30 =	sld [smem:$0x0];
	_ =	sdelay $0x2  }
0x30: {  	s31 =	sshll.u32 s1, $0xD;
	s1 =	sshrl.u32 s1, $0x2  }
0x31: {  	s3 =	sand.u32 $0x4000, s31;
	s1 =	sadd.s32 s1, s30  }
0x32: {  	s0 =	sor.u32 s3, s0;
	s1 =	sshll.u32 s1, $0x11  }
0x33: {  	s0 =	sor.u32 s1, s0  }
0x34: {  	s0 =	sadd.s32 $0x8F2B, s0  }
0x35: {  	[sflag:s0] =	ssyncadd.remote.s32 $0x1  }
0x36: {  	_ =	sfence.sel $0xFFFF  }
0x37: {  	[dreg:$0x0] =	wrdreg $0xFFFFFFFF;
	(pc) =	sbr.abs _section_cstart, $3  }
0x38: {  	[dreg:$0x1] =	wrdreg $0xFFFFFFFF  }
0x39: {  	_ =	task.clear_ibuf [dreg:s7], $0x2FFFF;
	_ =	strace $0x9FFFFFFF  }
0x3a: {  	(tm) =	ssettm $0x7FFFFFFF  }
0x3b: {  	_ =	shalt  }
tec
execute0_lowered:
.L_overlay_start_1:
0x0: {  	(tag) =	ssettag $0x1  }
0x1: {  	s0 =	srdreg.scid  }
0x2: {  	s1 =	sshll.u32 s0, $0x4  }
0x3: {  	s2 =	rddreg [dreg:$0x0];
	s0 =	stileid.u32;
	s1 =	sand.u32 $0x10, s1  }
0x4: {  	s4 =	rddreg [dreg:$0x1];
	s7 =	simm.s32 $0x1;
	s1 =	sor.u32 s0, s1  }
0x5: {  	s8 =	simm.s32 $0x2;
	s9 =	simm.s32 $0x0;
	s3 =	sshll.u32 s1, $0x1  }
0x6: {  	s12 =	simm.s32 $0x0;
	s11 =	simm.s32 $0x0;
	s6 =	ssub.s32 $0x400, s3  }
.Ltmp0:
0x7: {  	s4 =	sadd.s32 $0xC00, s4;
	s5 =	sand.u32 $0x3E, s6;
	(pc) =	sbr.rel .LBB1_1-.Ltmp0, $4  }
0x8: {  	s1 =	rddreg [dreg:$0x2];
	_ =	strace $0x80000047;
	p0 =	sne.s32 s5, $0x0  }
0x9: {  	s6 =	sshrl.u32 s6, $0x6;
	s5 =	simm.s32 $0x1;
	s7 =	simm.s32 @!p0 $0x0  }
0xa: {  	s10 =	smov.u32 s3;
	[sflag:s5] =	ssyncpa.u1 $0x0;
	s6 =	sadd.s32 s7, s6  }
0xb: {  	[sflag:s8] =	ssyncpa.u1 $0x0;
	s8 =	simm.s32 $0x0;
	s7 =	sadd.s32 $0x1, s6  }
.LBB1_9:
0xc: {  	s14 =	sadd.s32 $0x40, s10  }
0xd: {  	p1 =	sgt.s32 s14, $0x3FF  }
0xe: {  	s14 =	smov.u32 @p1 s3;
	p1 =	sne.s32 s11, s7  }
.Ltmp1:
0xf: {  	p0 =	slt.u32 s11, $0x2;
	(pc) =	sbr.rel @!p1 .LBB1_10-.Ltmp1, $4  }
0x10: {  	s13 =	simm.s32 @!p0 $0x2  }
0x11: {  	s15 =	sadd.s32 $0x1, s11;
	_ =	swait.ge @!p0 [sflag:s13], $0x4000  }
0x12: {  	s12 =	smov.u32 s10;
	s9 =	sadd.s32 $0x4000, s9;
	[sflag:s13] =	ssyncset.done @!p0 $0x0  }
0x13: {  	s11 =	smov.u32 s15;
	s10 =	smov.u32 s14;
	[sflag:s13] =	ssyncadd.s32 @!p0 $0xFFFFC000  }
.LBB1_1:
0x14: {  	p0 =	sge.u32 s11, s6  }
0x15: {  	s13 =	sxor.u32 @!p0 $0xFFFFFFFF, s11  }
0x16: {  	s31 =	sadd.s32 $0xFFFFFFFF, s11;
	s14 =	sshll.u32 @!p0 s10, $0xA;
	s13 =	sshll.u32 @!p0 s13, $0xE  }
0x17: {  	s15 =	simm.s32 @!p0 $0x0;
	s14 =	sadd.s32 @!p0 s2, s14;
	s13 =	sand.u32 @!p0 $0x4000, s13  }
0x18: {  	[tilespmem:s13], [sflag:$0x1] =	stream.linear.gather @!p0 [hbm4b:s14+s15], $0x4000, $0x38;
	[tilespmem:$0x10000] =	vst v63  }
0x19: {  	p0 =	sge.u32 s31, s6  }
.Ltmp2:
0x1a: {  	_ = 	snop;
	(pc) =	sbr.rel @p0 .LBB1_9-.Ltmp2, $1  }
0x1b: {  	_ =	sdelay $0x3  }
0x1c: {  	s13 =	sshll.u32 s9, $0x2  }
0x1d: {  	_ =	swait.ge [sflag:s5], $0x4000;
	s14 =	sshll.u32 s11, $0xE;
	s16 =	simm.s32 $0x0  }
0x1e: {  	p1 =	por $0x1, $0x1;
	s13 =	sand.u32 $0x10000, s13;
	[sflag:s5] =	ssyncset.done $0x0  }
0x1f: {  	s14 =	sand.u32 $0x4000, s14;
	s15 =	sshrl.u32 s13, $0x2;
	[sflag:s5] =	ssyncadd.s32 $0xFFFFC000  }
0x20: {  	s13 =	sor.u32 $0x8000, s14;
	s14 =	sadd.s32 $0x8040, s15;
	s15 =	sadd.s32 $0x40, s15  }
.LBB1_3:
0x21: {  	s16 =	sshll.u32 s16, $0x2  }
0x22: {  	p0 =	por p1, p1;
	s17 =	sshra.s32 s16, $0x2  }
0x23: {  	s18 =	simm.s32 $0x0;
	s16 =	sadd.s32 s17, s14;
	s17 =	sadd.s32 s17, s15  }
.LBB1_4:
0x24: {  	v0 =	vmov s17;
	_ =	sdelay $0x3  }
0x25: {  	s20 =	simm.s32 $0x0  }
0x26: {  	v6 =	vld.idx.msk [tilespmem:v0+s20+$0x30 ss:$0x1], $0xffff  }
0x27: {  	v7 =	vld.idx.msk [tilespmem:v0+s20+$0xFFFFFFC0 ss:$0x1], $0xffff  }
0x28: {  	v5 =	vld.idx.msk [tilespmem:v0+s20+$0xFFFFFFD0 ss:$0x1], $0xffff  }
0x29: {  	v4 =	vld.idx.msk [tilespmem:v0+s20+$0xFFFFFFE0 ss:$0x1], $0xffff  }
0x2a: {  	v3 =	vld.idx.msk [tilespmem:v0+s20+$0xFFFFFFF0 ss:$0x1], $0xffff  }
0x2b: {  	v1 =	vld.idx.msk [tilespmem:v0+s20+$0x0 ss:$0x1], $0xffff  }
0x2c: {  	v2 =	vld.idx.msk [tilespmem:v0+s20+$0x10 ss:$0x1], $0xffff;
	[tilespmem:s16+$0x30] =	vst v6  }
0x2d: {  	s19 =	simm.s32 $0x80;
	s21 =	simm.s32 $0x400;
	[tilespmem:s16+$0xFFFFFFC0] =	vst v7;
	v6 =	vld.idx.msk [tilespmem:v0+s20+$0x20 ss:$0x1], $0xffff;
	s20 =	smov.u32 s16  }
.LBB1_5:
0x2e: {  	p1 =	sne.s32 s21, $0xE00;
	v7 =	vld.idx.msk [tilespmem:v0+s19+$0x30 ss:$0x1], $0xffff;
	[tilespmem:s20+$0xFFFFFFD0] =	vst v5  }
0x2f: {  	v8 =	vld.idx.msk [tilespmem:v0+s19+$0xFFFFFFC0 ss:$0x1], $0xffff;
	[tilespmem:s20+$0xFFFFFFE0] =	vst v4  }
0x30: {  	v5 =	vld.idx.msk [tilespmem:v0+s19+$0xFFFFFFD0 ss:$0x1], $0xffff;
	[tilespmem:s20+$0xFFFFFFF0] =	vst v3  }
.Ltmp3:
0x31: {  	v4 =	vld.idx.msk [tilespmem:v0+s19+$0xFFFFFFE0 ss:$0x1], $0xffff;
	[tilespmem:s20+$0x0] =	vst v1;
	(pc) =	sbr.rel @p1 .LBB1_5-.Ltmp3, $4  }
0x32: {  	v3 =	vld.idx.msk [tilespmem:v0+s19+$0xFFFFFFF0 ss:$0x1], $0xffff;
	[tilespmem:s20+$0x10] =	vst v2  }
0x33: {  	v1 =	vld.idx.msk [tilespmem:v0+s19+$0x0 ss:$0x1], $0xffff;
	[tilespmem:s20+$0x20] =	vst v6;
	s20 =	sadd.s32 $0x400, s20  }
0x34: {  	v2 =	vld.idx.msk [tilespmem:v0+s19+$0x10 ss:$0x1], $0xffff;
	[tilespmem:s20+$0x30] =	vst v7  }
0x35: {  	[tilespmem:s20+$0xFFFFFFC0] =	vst v8;
	v6 =	vld.idx.msk [tilespmem:v0+s19+$0x20 ss:$0x1], $0xffff;
	s19 =	sshra.s32 s21, $0x2;
	s21 =	sadd.s32 $0x200, s21  }
0x36: {  	_ =	sdelay $0x2  }
0x37: {  	[tilespmem:s20+$0xFFFFFFD0] =	vst v5  }
0x38: {  	v56 =	vld.idx.msk [tilespmem:v0+s19+$0x30 ss:$0x1], $0xffff;
	[tilespmem:s20+$0xFFFFFFE0] =	vst v4  }
0x39: {  	v57 =	vld.idx.msk [tilespmem:v0+s19+$0xFFFFFFC0 ss:$0x1], $0xffff;
	[tilespmem:s20+$0xFFFFFFF0] =	vst v3  }
0x3a: {  	v58 =	vld.idx.msk [tilespmem:v0+s19+$0xFFFFFFD0 ss:$0x1], $0xffff;
	[tilespmem:s20+$0x0] =	vst v1  }
0x3b: {  	v59 =	vld.idx.msk [tilespmem:v0+s19+$0xFFFFFFE0 ss:$0x1], $0xffff;
	[tilespmem:s20+$0x10] =	vst v2  }
0x3c: {  	v60 =	vld.idx.msk [tilespmem:v0+s19+$0xFFFFFFF0 ss:$0x1], $0xffff;
	s31 =	sadd.s32 $0x400, s20;
	[tilespmem:s20+$0x20] =	vst v6  }
0x3d: {  	v61 =	vld.idx.msk [tilespmem:v0+s19+$0x0 ss:$0x1], $0xffff;
	[tilespmem:s31+$0x30] =	vst v56  }
0x3e: {  	v62 =	vld.idx.msk [tilespmem:v0+s19+$0x10 ss:$0x1], $0xffff;
	s18 =	sadd.s32 $0x1, s18;
	[tilespmem:s31+$0xFFFFFFC0] =	vst v57  }
0x3f: {  	v63 =	vld.idx.msk [tilespmem:v0+s19+$0x20 ss:$0x1], $0xffff;
	p1 =	sne.s32 s18, $0x8;
	[tilespmem:s31+$0xFFFFFFD0] =	vst v58  }
.Ltmp4:
0x40: {  	[tilespmem:s31+$0xFFFFFFE0] =	vst v59;
	(pc) =	sbr.rel @p1 .LBB1_4-.Ltmp4, $4  }
0x41: {  	[tilespmem:s31+$0xFFFFFFF0] =	vst v60  }
0x42: {  	[tilespmem:s31+$0x0] =	vst v61  }
0x43: {  	[tilespmem:s31+$0x10] =	vst v62  }
0x44: {  	s16 =	sadd.s32 $0x80, s16;
	s17 =	sadd.s32 $0x400, s17;
	[tilespmem:s31+$0x20] =	vst v63  }
.Ltmp5:
0x45: {  	(pc) =	sbr.rel @p0 .LBB1_3-.Ltmp5, $2  }
0x46: {  	_ =	sdelay $0x2  }
0x47: {  	s16 =	simm.s32 $0x2000;
	p1 =	por $0x0, $0x0  }
.Ltmp6:
0x48: {  	(pc) =	sbr.rel .LBB1_9-.Ltmp6, $4  }
0x49: {  	_ = 	snop  }
0x4a: {  	s12 =	sshll.u32 s12, $0xA  }
0x4b: {  	s12 =	sadd.s32 s4, s12  }
0x4c: {  	[hbm4b:s12+s8] =	stream.linear.scatter [tilespmem:s13], [sflag:$0x2], $0x4000, $0x38;
	[tilespmem:$0x10000] =	vst v63  }
.LBB1_10:
0x4d: {  	_ =	sfence.sel $0x180000  }
0x4e: {  	s2 =	simm.s32 $0x1;
	[bflag:$0x0] =	sbarrier.arrive $0xFFFF  }
0x4f: {  	s31 =	simm.s32 $0x2;
	[sflag:s2] =	ssyncpa.u1 $0x1  }
0x50: {  	[sflag:s31] =	ssyncpa.u1 $0x1  }
0x51: {  	p0 =	sne.s32 s0, $0x0;
	_ =	strace $0x90000047  }
0x52: {  	s0 =	sadd.s32 @!p0 $0x100000, s1;
	[bflag:$0x2] =	sbarrier.arrive $0xFFFF  }
0x53: {  	[sflag:s0] =	ssyncadd.tile.s32 @!p0 $0x1;
	_ =	shalt  }
.Lfunc_end1:
_tile_overlayer_lowered:
.L_overlay_start_2:
0x54: {  	(tag) =	ssettag $0x2  }
0x55: {  	s0 =	rddreg [dreg:$0x0];
	s2 =	stileid.u32  }
0x56: {  	s1 =	rddreg [dreg:$0x1];
	p0 =	sne.s32 s2, $0x0  }
0x57: {  	s3 =	rddreg [dreg:$0x2];
	[bflag:$0x3] =	sbarrier.arrive $0xFFFF;
	s2 =	simm.s32 @!p0 $0x1C01  }
0x58: {  	[timem:s3], [sflag:s2] =	dma.local @!p0 [hbm:s0], s1  }
0x59: {  	s0 =	simm.s32 @!p0 $0x1  }
0x5a: {  	_ =	swait.ge @!p0 [sflag:s0], s1  }
0x5b: {  	s1 =	ssub.s32 @!p0 $0x0, s1;
	[sflag:s0] =	ssyncset.done @!p0 $0x0  }
0x5c: {  	[sflag:s0] =	ssyncadd.s32 @!p0 s1  }
0x5d: {  	[bflag:$0x3] =	sbarrier.arrive $0xFFFF  }
0x5e: {  	_ =	shalt  }

</sc_bundles>
